<compile_context>
chip_gen: v7x
topology: tpu7x:2x2x1
jax: 0.10.2.dev20260603
libtpu: 0.0.44.dev20260713+nightly
codegen_flags: <defaults>
</compile_context>

<pallas_src>
import functools

import jax
import jax.numpy as jnp
from jax import lax
from jax.experimental import pallas as pl
from jax.experimental.pallas import tpu as pltpu
from jax.experimental.pallas import tpu_sc as plsc

N_CATS = 8
EPS = 1e-07

_NC = 2
_NS = 16
_NW = _NC * _NS
_L = 16
_TILE = 128

_CHUNK_T = 32


def _sc_partial_hist(n_tiles, interpret=False):
    per_worker = n_tiles // _NW
    tail_rem = n_tiles - per_worker * _NW
    n_full = per_worker // _CHUNK_T
    rem_t = per_worker - n_full * _CHUNK_T
    chunk_s = _CHUNK_T * _TILE

    mesh = plsc.VectorSubcoreMesh(
        core_axis_name="c", subcore_axis_name="s",
        num_cores=_NC, num_subcores=_NS)

    @functools.partial(
        pl.kernel,
        out_type=jax.ShapeDtypeStruct((_NW, 64), jnp.int32),
        mesh=mesh,
        interpret=interpret,
        compiler_params=pltpu.CompilerParams(needs_layout_passes=False),
        scratch_types=[
            pltpu.VMEM((N_CATS, chunk_s), jnp.float32),
            pltpu.VMEM((N_CATS, chunk_s), jnp.float32),
            pltpu.VMEM((chunk_s,), jnp.int32),
            pltpu.VMEM((chunk_s,), jnp.int32),
            pltpu.VMEM((_L * 64,), jnp.int32),
            pltpu.VMEM((64,), jnp.int32),
            pltpu.SemaphoreType.DMA,
            pltpu.SemaphoreType.DMA,
            pltpu.SemaphoreType.DMA,
            pltpu.SemaphoreType.DMA,
        ],
    )
    def sc_kernel(inp_hbm, tgt_hbm, out_hbm, inp_v0, inp_v1, tgt_v0, tgt_v1,
                  hist_v, part_v, si0, si1, st0, st1):
        wid = lax.axis_index("s") * _NC + lax.axis_index("c")
        iota = lax.iota(jnp.int32, _L)
        lane_off = iota * 64
        jcols = [jnp.full((_L,), j, jnp.int32) for j in range(N_CATS)]
        ones = jnp.full((_L,), 1, jnp.int32)
        zeros = jnp.full((_L,), 0, jnp.int32)

        for k in range(64):
            hist_v[pl.ds(k * _L, _L)] = zeros

        def group_body(inp_ref, tgt_ref):
            def body(g):
                s0 = g * _L
                cols = [inp_ref[j, pl.ds(s0, _L)] for j in range(N_CATS)]
                bv, bi = [], []
                for j in range(0, N_CATS, 2):
                    gt = cols[j + 1] > cols[j]
                    bv.append(jnp.where(gt, cols[j + 1], cols[j]))
                    bi.append(jnp.where(gt, jcols[j + 1], jcols[j]))
                v0, i0, v1, i1 = bv[0], bi[0], bv[1], bi[1]
                gt = v1 > v0
                va, ia = jnp.where(gt, v1, v0), jnp.where(gt, i1, i0)
                v0, i0, v1, i1 = bv[2], bi[2], bv[3], bi[3]
                gt = v1 > v0
                vb, ib = jnp.where(gt, v1, v0), jnp.where(gt, i1, i0)
                gt = vb > va
                pred = jnp.where(gt, ib, ia)
                tgt = tgt_ref[pl.ds(s0, _L)]
                bins = tgt * N_CATS + pred + lane_off
                plsc.addupdate_scatter(hist_v, [bins], ones)
            return body

        samp_base = wid * (per_worker * _TILE)
        bufs = [(inp_v0, tgt_v0, si0, st0), (inp_v1, tgt_v1, si1, st1)]

        def start(c, n_samp):
            iv, tv, si, st = bufs[c % 2]
            sbase = samp_base + c * chunk_s
            di = pltpu.async_copy(
                inp_hbm.at[:, pl.ds(sbase, n_samp)],
                iv.at[:, pl.ds(0, n_samp)], si)
            dt = pltpu.async_copy(tgt_hbm.at[pl.ds(sbase, n_samp)],
                                  tv.at[pl.ds(0, n_samp)], st)
            return di, dt

        sizes = [chunk_s] * n_full + ([rem_t * _TILE] if rem_t else [])
        pending = start(0, sizes[0])
        for c, sz in enumerate(sizes):
            iv, tv, _, _ = bufs[c % 2]
            pending[0].wait()
            pending[1].wait()
            if c + 1 < len(sizes):
                pending = start(c + 1, sizes[c + 1])
            plsc.parallel_loop(0, sz // _L, 1, unroll=8)(group_body(iv, tv))
        if tail_rem > 0:
            @pl.when(wid < tail_rem)
            def _():
                tbase = (_NW * per_worker + wid) * _TILE
                pltpu.sync_copy(inp_hbm.at[:, pl.ds(tbase, _TILE)],
                                inp_v0.at[:, pl.ds(0, _TILE)])
                pltpu.sync_copy(tgt_hbm.at[pl.ds(tbase, _TILE)],
                                tgt_v0.at[pl.ds(0, _TILE)])
                plsc.parallel_loop(0, _TILE // _L, 1, unroll=8)(
                    group_body(inp_v0, tgt_v0))

        for q in range(4):
            acc = zeros
            for r in range(_L):
                acc = acc + hist_v[pl.ds(r * 64 + q * _L, _L)]
            part_v[pl.ds(q * _L, _L)] = acc
        pltpu.sync_copy(part_v, out_hbm.at[wid])

    return sc_kernel


def _tc_hist_body(x_ref, t_ref, o_ref, *, n_blk, valid_last):
    pid = pl.program_id(0)
    x = x_ref[...]
    t = t_ref[...].reshape(1, -1)
    bs = x.shape[1]
    rowmax = jnp.max(x, axis=0, keepdims=True)
    sub = lax.broadcasted_iota(jnp.int32, (N_CATS, bs), 0)
    cand = jnp.where(x >= rowmax, sub, N_CATS)
    pred = jnp.min(cand, axis=0, keepdims=True)
    lane = lax.broadcasted_iota(jnp.int32, (1, bs), 1)
    ok = (pid < n_blk - 1) | (lane < valid_last)
    t1h = ((t == sub) & ok).astype(jnp.float32)
    p1h = (pred == sub).astype(jnp.float32)
    part = lax.dot_general(t1h, p1h, (((1,), (1,)), ((), ())))

    @pl.when(pid == 0)
    def _():
        o_ref[...] = part

    @pl.when(pid > 0)
    def _():
        o_ref[...] += part


def _tc_hist(inp_t, targets, off_s, tc_s, bs):
    n_blk = -(-tc_s // bs)
    valid_last = tc_s - (n_blk - 1) * bs
    assert off_s % bs == 0
    ob = off_s // bs
    return pl.pallas_call(
        functools.partial(_tc_hist_body, n_blk=n_blk, valid_last=valid_last),
        grid=(n_blk,),
        in_specs=[
            pl.BlockSpec((N_CATS, bs), lambda i: (0, ob + i)),
            pl.BlockSpec((bs,), lambda i: (ob + i,)),
        ],
        out_specs=pl.BlockSpec((N_CATS, N_CATS), lambda i: (0, 0)),
        out_shape=jax.ShapeDtypeStruct((N_CATS, N_CATS), jnp.float32),
    )(inp_t, targets)


def _qwk_epilogue(parts_ref, tc_conf_ref, o_ref, *, n):
    x = jnp.sum(parts_ref[...].astype(jnp.float32), axis=0)
    b = lax.broadcasted_iota(jnp.int32, (N_CATS, 64), 1)
    sel_t = (b // N_CATS == lax.broadcasted_iota(jnp.int32, (N_CATS, 64), 0))
    sel_p = (b % N_CATS == lax.broadcasted_iota(jnp.int32, (N_CATS, 64), 0))
    conf = lax.dot_general(sel_t.astype(jnp.float32) * x[None, :],
                           sel_p.astype(jnp.float32),
                           (((1,), (1,)), ((), ())),
                           precision=lax.Precision.HIGHEST)
    conf = conf + tc_conf_ref[...]
    conf = conf * (1.0 / n)
    marg_true = jnp.sum(conf, axis=1, keepdims=True)
    marg_pred = jnp.sum(conf, axis=0, keepdims=True)
    expected = marg_true * marg_pred
    i = lax.broadcasted_iota(jnp.int32, (N_CATS, N_CATS), 0).astype(jnp.float32)
    j = lax.broadcasted_iota(jnp.int32, (N_CATS, N_CATS), 1).astype(jnp.float32)
    w = 1.0 - (i - j) ** 2 / float((N_CATS - 1) ** 2)
    po = jnp.sum(w * conf)
    pe = jnp.sum(w * expected)
    pe = jnp.clip(pe, 0.0, 1.0 - EPS)
    qwk = jnp.where(pe >= 1.0 - EPS, 0.0, (po - pe) / (1.0 - pe + EPS))
    qwk = jnp.clip(qwk, -1.0, 1.0)
    o_ref[...] = jnp.full((1, 1), 1.0 - qwk, jnp.float32)


def kernel(inputs, targets):
    if inputs.ndim > 2:
        inputs = inputs.reshape(-1, inputs.shape[-1])
        targets = targets.reshape(-1)
    n = inputs.shape[0]
    assert n % _L == 0
    targets = targets.astype(jnp.int32)
    n_tiles = n // _TILE
    inp_t = inputs.T
    bs = 128 * _TILE
    sc_tiles = (n_tiles * 73 // 100) // 128 * 128
    off_s = sc_tiles * _TILE
    parts = _sc_partial_hist(sc_tiles)(inp_t, targets)
    tc_conf = _tc_hist(inp_t, targets, off_s, n - off_s, bs)
    out = pl.pallas_call(
        functools.partial(_qwk_epilogue, n=n),
        out_shape=jax.ShapeDtypeStruct((1, 1), jnp.float32),
    )(parts, tc_conf)
    return out[0, 0]

# --- scband reference (transcript-rebuilt; emitter-appended) ---
"""Pipeline reference for scband-qwkloss-43198781063509 (READ-ONLY COPY).

The authoritative reference and input builder live on the scoring server;
editing this copy changes nothing except your own understanding.
"""

import jax, jax.numpy as jnp
import numpy as np

N_CATS = 8
EPS = 1e-07

def _qwk_weights(n_cats):
    i = jnp.arange(n_cats, dtype=jnp.float32)
    ig, jg = jnp.meshgrid(i, i, indexing='ij')
    return 1.0 - (ig - jg) ** 2 / (n_cats - 1) ** 2

def setup_inputs(seed: int = 0) -> dict:
    key = jax.random.key(seed)
    k1, k2 = jax.random.split(key)
    inputs = jax.random.normal(k1, (1000000, N_CATS), dtype=jnp.float32)
    targets = jax.random.randint(k2, (1000000,), 0, N_CATS, dtype=jnp.int64 if jax.config.jax_enable_x64 else jnp.int32)
    return {"inputs": inputs, "targets": targets}

def reference(inputs, targets):
    n_cats = N_CATS
    if inputs.ndim > 2:
        inputs = inputs.reshape(-1, inputs.shape[-1])
        targets = targets.reshape(-1)
    probs = jax.nn.softmax(inputs, axis=-1)
    preds = jnp.argmax(probs, axis=-1)
    n = targets.shape[0]
    indices = targets * n_cats + preds
    bincount = jnp.bincount(indices, length=n_cats * n_cats)
    confusion_matrix = bincount.reshape(n_cats, n_cats).astype(jnp.float32)
    confusion_matrix = confusion_matrix / n
    marg_true = confusion_matrix.sum(axis=1)
    marg_pred = confusion_matrix.sum(axis=0)
    expected_matrix = jnp.outer(marg_true, marg_pred)
    w = _qwk_weights(n_cats)
    Po = (w * confusion_matrix).sum()
    Pe = (w * expected_matrix).sum()
    Pe = jnp.clip(Pe, 0.0, 1.0 - EPS)
    qwk = jnp.where(Pe >= 1.0 - EPS, 0.0, (Po - Pe) / (1.0 - Pe + EPS))
    qwk = jnp.clip(qwk, -1.0, 1.0)
    return 1.0 - qwk

if __name__ == "__main__":
    import jax
    _d = setup_inputs()
    print(jax.jit(kernel)(*tuple(_d.values())))

</pallas_src>

<mosaic_0001>
#map = affine_map<(d0, d1) -> (0, 0)>
#map1 = affine_map<(d0, d1) -> (0)>
module attributes {stable_mosaic.version = 14 : i64} {
  func.func @sc_kernel(%arg0: i32, %arg1: i32, %arg2: memref<8x1000000xf32, #tpu.memory_space<hbm>>, %arg3: memref<1000000xi32, #tpu.memory_space<hbm>>, %arg4: memref<32x64xi32, #tpu.memory_space<hbm>>, %arg5: memref<8x4096xf32, #tpu.memory_space<vmem>>, %arg6: memref<8x4096xf32, #tpu.memory_space<vmem>>, %arg7: memref<4096xi32, #tpu.memory_space<vmem>>, %arg8: memref<4096xi32, #tpu.memory_space<vmem>>, %arg9: memref<1024xi32, #tpu.memory_space<vmem>>, %arg10: memref<64xi32, #tpu.memory_space<vmem>>, %arg11: memref<!tpu.dma_semaphore, #tpu.memory_space<semaphore_mem>>, %arg12: memref<!tpu.dma_semaphore, #tpu.memory_space<semaphore_mem>>, %arg13: memref<!tpu.dma_semaphore, #tpu.memory_space<semaphore_mem>>, %arg14: memref<!tpu.dma_semaphore, #tpu.memory_space<semaphore_mem>>) attributes {dimension_semantics = [#tpu.dimension_semantics<core_parallel>, #tpu.dimension_semantics<subcore_parallel>], iteration_bounds = array<i64: 2, 16>, scalar_prefetch = 0 : i64, scratch_operands = 10 : i64, tpu.core_type = #tpu.core_type<sc_vector_subcore>, window_params = [{transform_indices = #map}, {transform_indices = #map1}, {transform_indices = #map}]} {
    %mul3A = arith.constant 2 : i32
    %mul3A_0 = arith.muli %arg1, %mul3A : i32
    %add3A = arith.addi %mul3A_0, %arg0 : i32
    %iota3A = tpu.iota {dimensions = array<i32: 0>} : vector<16xi32>
    %mul3A_1 = arith.constant 64 : i32
    %mul3A_2 = vector.broadcast %mul3A_1 : i32 to vector<16xi32>
    %mul3A_3 = arith.muli %iota3A, %mul3A_2 : vector<16xi32>
    %broadcast_in_dim3A = arith.constant 0 : i32
    %broadcast_in_dim3A_4 = vector.broadcast %broadcast_in_dim3A : i32 to vector<16xi32>
    %broadcast_in_dim3A_5 = arith.constant 1 : i32
    %broadcast_in_dim3A_6 = vector.broadcast %broadcast_in_dim3A_5 : i32 to vector<16xi32>
    %broadcast_in_dim3A_7 = arith.constant 2 : i32
    %broadcast_in_dim3A_8 = vector.broadcast %broadcast_in_dim3A_7 : i32 to vector<16xi32>
    %broadcast_in_dim3A_9 = arith.constant 3 : i32
    %broadcast_in_dim3A_10 = vector.broadcast %broadcast_in_dim3A_9 : i32 to vector<16xi32>
    %broadcast_in_dim3A_11 = arith.constant 4 : i32
    %broadcast_in_dim3A_12 = vector.broadcast %broadcast_in_dim3A_11 : i32 to vector<16xi32>
    %broadcast_in_dim3A_13 = arith.constant 5 : i32
    %broadcast_in_dim3A_14 = vector.broadcast %broadcast_in_dim3A_13 : i32 to vector<16xi32>
    %broadcast_in_dim3A_15 = arith.constant 6 : i32
    %broadcast_in_dim3A_16 = vector.broadcast %broadcast_in_dim3A_15 : i32 to vector<16xi32>
    %broadcast_in_dim3A_17 = arith.constant 7 : i32
    %broadcast_in_dim3A_18 = vector.broadcast %broadcast_in_dim3A_17 : i32 to vector<16xi32>
    %broadcast_in_dim3A_19 = arith.constant 1 : i32
    %broadcast_in_dim3A_20 = vector.broadcast %broadcast_in_dim3A_19 : i32 to vector<16xi32>
    %broadcast_in_dim3A_21 = arith.constant 0 : i32
    %broadcast_in_dim3A_22 = vector.broadcast %broadcast_in_dim3A_21 : i32 to vector<16xi32>
    %swap3A = arith.constant 0 : index
    %swap3A_23 = tpu.vector_load %arg9[%swap3A] {strides = array<i32>} : memref<1024xi32, #tpu.memory_space<vmem>>, vector<16xi32>,
    tpu.vector_store %arg9[%swap3A], %broadcast_in_dim3A_22 {strides = array<i32>} : memref<1024xi32, #tpu.memory_space<vmem>>, vector<16xi32>,
    %swap3A_24 = arith.constant 16 : index
    %swap3A_25 = tpu.vector_load %arg9[%swap3A_24] {strides = array<i32>} : memref<1024xi32, #tpu.memory_space<vmem>>, vector<16xi32>,
    tpu.vector_store %arg9[%swap3A_24], %broadcast_in_dim3A_22 {strides = array<i32>} : memref<1024xi32, #tpu.memory_space<vmem>>, vector<16xi32>,
    %swap3A_26 = arith.constant 32 : index
    %swap3A_27 = tpu.vector_load %arg9[%swap3A_26] {strides = array<i32>} : memref<1024xi32, #tpu.memory_space<vmem>>, vector<16xi32>,
    tpu.vector_store %arg9[%swap3A_26], %broadcast_in_dim3A_22 {strides = array<i32>} : memref<1024xi32, #tpu.memory_space<vmem>>, vector<16xi32>,
    %swap3A_28 = arith.constant 48 : index
    %swap3A_29 = tpu.vector_load %arg9[%swap3A_28] {strides = array<i32>} : memref<1024xi32, #tpu.memory_space<vmem>>, vector<16xi32>,
    tpu.vector_store %arg9[%swap3A_28], %broadcast_in_dim3A_22 {strides = array<i32>} : memref<1024xi32, #tpu.memory_space<vmem>>, vector<16xi32>,
    %swap3A_30 = arith.constant 64 : index
    %swap3A_31 = tpu.vector_load %arg9[%swap3A_30] {strides = array<i32>} : memref<1024xi32, #tpu.memory_space<vmem>>, vector<16xi32>,
    tpu.vector_store %arg9[%swap3A_30], %broadcast_in_dim3A_22 {strides = array<i32>} : memref<1024xi32, #tpu.memory_space<vmem>>, vector<16xi32>,
    %swap3A_32 = arith.constant 80 : index
    %swap3A_33 = tpu.vector_load %arg9[%swap3A_32] {strides = array<i32>} : memref<1024xi32, #tpu.memory_space<vmem>>, vector<16xi32>,
    tpu.vector_store %arg9[%swap3A_32], %broadcast_in_dim3A_22 {strides = array<i32>} : memref<1024xi32, #tpu.memory_space<vmem>>, vector<16xi32>,
    %swap3A_34 = arith.constant 96 : index
    %swap3A_35 = tpu.vector_load %arg9[%swap3A_34] {strides = array<i32>} : memref<1024xi32, #tpu.memory_space<vmem>>, vector<16xi32>,
    tpu.vector_store %arg9[%swap3A_34], %broadcast_in_dim3A_22 {strides = array<i32>} : memref<1024xi32, #tpu.memory_space<vmem>>, vector<16xi32>,
    %swap3A_36 = arith.constant 112 : index
    %swap3A_37 = tpu.vector_load %arg9[%swap3A_36] {strides = array<i32>} : memref<1024xi32, #tpu.memory_space<vmem>>, vector<16xi32>,
    tpu.vector_store %arg9[%swap3A_36], %broadcast_in_dim3A_22 {strides = array<i32>} : memref<1024xi32, #tpu.memory_space<vmem>>, vector<16xi32>,
    %swap3A_38 = arith.constant 128 : index
    %swap3A_39 = tpu.vector_load %arg9[%swap3A_38] {strides = array<i32>} : memref<1024xi32, #tpu.memory_space<vmem>>, vector<16xi32>,
    tpu.vector_store %arg9[%swap3A_38], %broadcast_in_dim3A_22 {strides = array<i32>} : memref<1024xi32, #tpu.memory_space<vmem>>, vector<16xi32>,
    %swap3A_40 = arith.constant 144 : index
    %swap3A_41 = tpu.vector_load %arg9[%swap3A_40] {strides = array<i32>} : memref<1024xi32, #tpu.memory_space<vmem>>, vector<16xi32>,
    tpu.vector_store %arg9[%swap3A_40], %broadcast_in_dim3A_22 {strides = array<i32>} : memref<1024xi32, #tpu.memory_space<vmem>>, vector<16xi32>,
    %swap3A_42 = arith.constant 160 : index
    %swap3A_43 = tpu.vector_load %arg9[%swap3A_42] {strides = array<i32>} : memref<1024xi32, #tpu.memory_space<vmem>>, vector<16xi32>,
    tpu.vector_store %arg9[%swap3A_42], %broadcast_in_dim3A_22 {strides = array<i32>} : memref<1024xi32, #tpu.memory_space<vmem>>, vector<16xi32>,
    %swap3A_44 = arith.constant 176 : index
    %swap3A_45 = tpu.vector_load %arg9[%swap3A_44] {strides = array<i32>} : memref<1024xi32, #tpu.memory_space<vmem>>, vector<16xi32>,
    tpu.vector_store %arg9[%swap3A_44], %broadcast_in_dim3A_22 {strides = array<i32>} : memref<1024xi32, #tpu.memory_space<vmem>>, vector<16xi32>,
    %swap3A_46 = arith.constant 192 : index
    %swap3A_47 = tpu.vector_load %arg9[%swap3A_46] {strides = array<i32>} : memref<1024xi32, #tpu.memory_space<vmem>>, vector<16xi32>,
    tpu.vector_store %arg9[%swap3A_46], %broadcast_in_dim3A_22 {strides = array<i32>} : memref<1024xi32, #tpu.memory_space<vmem>>, vector<16xi32>,
    %swap3A_48 = arith.constant 208 : index
    %swap3A_49 = tpu.vector_load %arg9[%swap3A_48] {strides = array<i32>} : memref<1024xi32, #tpu.memory_space<vmem>>, vector<16xi32>,
    tpu.vector_store %arg9[%swap3A_48], %broadcast_in_dim3A_22 {strides = array<i32>} : memref<1024xi32, #tpu.memory_space<vmem>>, vector<16xi32>,
    %swap3A_50 = arith.constant 224 : index
    %swap3A_51 = tpu.vector_load %arg9[%swap3A_50] {strides = array<i32>} : memref<1024xi32, #tpu.memory_space<vmem>>, vector<16xi32>,
    tpu.vector_store %arg9[%swap3A_50], %broadcast_in_dim3A_22 {strides = array<i32>} : memref<1024xi32, #tpu.memory_space<vmem>>, vector<16xi32>,
    %swap3A_52 = arith.constant 240 : index
    %swap3A_53 = tpu.vector_load %arg9[%swap3A_52] {strides = array<i32>} : memref<1024xi32, #tpu.memory_space<vmem>>, vector<16xi32>,
    tpu.vector_store %arg9[%swap3A_52], %broadcast_in_dim3A_22 {strides = array<i32>} : memref<1024xi32, #tpu.memory_space<vmem>>, vector<16xi32>,
    %swap3A_54 = arith.constant 256 : index
    %swap3A_55 = tpu.vector_load %arg9[%swap3A_54] {strides = array<i32>} : memref<1024xi32, #tpu.memory_space<vmem>>, vector<16xi32>,
    tpu.vector_store %arg9[%swap3A_54], %broadcast_in_dim3A_22 {strides = array<i32>} : memref<1024xi32, #tpu.memory_space<vmem>>, vector<16xi32>,
    %swap3A_56 = arith.constant 272 : index
    %swap3A_57 = tpu.vector_load %arg9[%swap3A_56] {strides = array<i32>} : memref<1024xi32, #tpu.memory_space<vmem>>, vector<16xi32>,
    tpu.vector_store %arg9[%swap3A_56], %broadcast_in_dim3A_22 {strides = array<i32>} : memref<1024xi32, #tpu.memory_space<vmem>>, vector<16xi32>,
    %swap3A_58 = arith.constant 288 : index
    %swap3A_59 = tpu.vector_load %arg9[%swap3A_58] {strides = array<i32>} : memref<1024xi32, #tpu.memory_space<vmem>>, vector<16xi32>,
    tpu.vector_store %arg9[%swap3A_58], %broadcast_in_dim3A_22 {strides = array<i32>} : memref<1024xi32, #tpu.memory_space<vmem>>, vector<16xi32>,
    %swap3A_60 = arith.constant 304 : index
    %swap3A_61 = tpu.vector_load %arg9[%swap3A_60] {strides = array<i32>} : memref<1024xi32, #tpu.memory_space<vmem>>, vector<16xi32>,
    tpu.vector_store %arg9[%swap3A_60], %broadcast_in_dim3A_22 {strides = array<i32>} : memref<1024xi32, #tpu.memory_space<vmem>>, vector<16xi32>,
    %swap3A_62 = arith.constant 320 : index
    %swap3A_63 = tpu.vector_load %arg9[%swap3A_62] {strides = array<i32>} : memref<1024xi32, #tpu.memory_space<vmem>>, vector<16xi32>,
    tpu.vector_store %arg9[%swap3A_62], %broadcast_in_dim3A_22 {strides = array<i32>} : memref<1024xi32, #tpu.memory_space<vmem>>, vector<16xi32>,
    %swap3A_64 = arith.constant 336 : index
    %swap3A_65 = tpu.vector_load %arg9[%swap3A_64] {strides = array<i32>} : memref<1024xi32, #tpu.memory_space<vmem>>, vector<16xi32>,
    tpu.vector_store %arg9[%swap3A_64], %broadcast_in_dim3A_22 {strides = array<i32>} : memref<1024xi32, #tpu.memory_space<vmem>>, vector<16xi32>,
    %swap3A_66 = arith.constant 352 : index
    %swap3A_67 = tpu.vector_load %arg9[%swap3A_66] {strides = array<i32>} : memref<1024xi32, #tpu.memory_space<vmem>>, vector<16xi32>,
    tpu.vector_store %arg9[%swap3A_66], %broadcast_in_dim3A_22 {strides = array<i32>} : memref<1024xi32, #tpu.memory_space<vmem>>, vector<16xi32>,
    %swap3A_68 = arith.constant 368 : index
    %swap3A_69 = tpu.vector_load %arg9[%swap3A_68] {strides = array<i32>} : memref<1024xi32, #tpu.memory_space<vmem>>, vector<16xi32>,
    tpu.vector_store %arg9[%swap3A_68], %broadcast_in_dim3A_22 {strides = array<i32>} : memref<1024xi32, #tpu.memory_space<vmem>>, vector<16xi32>,
    %swap3A_70 = arith.constant 384 : index
    %swap3A_71 = tpu.vector_load %arg9[%swap3A_70] {strides = array<i32>} : memref<1024xi32, #tpu.memory_space<vmem>>, vector<16xi32>,
    tpu.vector_store %arg9[%swap3A_70], %broadcast_in_dim3A_22 {strides = array<i32>} : memref<1024xi32, #tpu.memory_space<vmem>>, vector<16xi32>,
    %swap3A_72 = arith.constant 400 : index
    %swap3A_73 = tpu.vector_load %arg9[%swap3A_72] {strides = array<i32>} : memref<1024xi32, #tpu.memory_space<vmem>>, vector<16xi32>,
    tpu.vector_store %arg9[%swap3A_72], %broadcast_in_dim3A_22 {strides = array<i32>} : memref<1024xi32, #tpu.memory_space<vmem>>, vector<16xi32>,
    %swap3A_74 = arith.constant 416 : index
    %swap3A_75 = tpu.vector_load %arg9[%swap3A_74] {strides = array<i32>} : memref<1024xi32, #tpu.memory_space<vmem>>, vector<16xi32>,
    tpu.vector_store %arg9[%swap3A_74], %broadcast_in_dim3A_22 {strides = array<i32>} : memref<1024xi32, #tpu.memory_space<vmem>>, vector<16xi32>,
    %swap3A_76 = arith.constant 432 : index
    %swap3A_77 = tpu.vector_load %arg9[%swap3A_76] {strides = array<i32>} : memref<1024xi32, #tpu.memory_space<vmem>>, vector<16xi32>,
    tpu.vector_store %arg9[%swap3A_76], %broadcast_in_dim3A_22 {strides = array<i32>} : memref<1024xi32, #tpu.memory_space<vmem>>, vector<16xi32>,
    %swap3A_78 = arith.constant 448 : index
    %swap3A_79 = tpu.vector_load %arg9[%swap3A_78] {strides = array<i32>} : memref<1024xi32, #tpu.memory_space<vmem>>, vector<16xi32>,
    tpu.vector_store %arg9[%swap3A_78], %broadcast_in_dim3A_22 {strides = array<i32>} : memref<1024xi32, #tpu.memory_space<vmem>>, vector<16xi32>,
    %swap3A_80 = arith.constant 464 : index
    %swap3A_81 = tpu.vector_load %arg9[%swap3A_80] {strides = array<i32>} : memref<1024xi32, #tpu.memory_space<vmem>>, vector<16xi32>,
    tpu.vector_store %arg9[%swap3A_80], %broadcast_in_dim3A_22 {strides = array<i32>} : memref<1024xi32, #tpu.memory_space<vmem>>, vector<16xi32>,
    %swap3A_82 = arith.constant 480 : index
    %swap3A_83 = tpu.vector_load %arg9[%swap3A_82] {strides = array<i32>} : memref<1024xi32, #tpu.memory_space<vmem>>, vector<16xi32>,
    tpu.vector_store %arg9[%swap3A_82], %broadcast_in_dim3A_22 {strides = array<i32>} : memref<1024xi32, #tpu.memory_space<vmem>>, vector<16xi32>,
    %swap3A_84 = arith.constant 496 : index
    %swap3A_85 = tpu.vector_load %arg9[%swap3A_84] {strides = array<i32>} : memref<1024xi32, #tpu.memory_space<vmem>>, vector<16xi32>,
    tpu.vector_store %arg9[%swap3A_84], %broadcast_in_dim3A_22 {strides = array<i32>} : memref<1024xi32, #tpu.memory_space<vmem>>, vector<16xi32>,
    %swap3A_86 = arith.constant 512 : index
    %swap3A_87 = tpu.vector_load %arg9[%swap3A_86] {strides = array<i32>} : memref<1024xi32, #tpu.memory_space<vmem>>, vector<16xi32>,
    tpu.vector_store %arg9[%swap3A_86], %broadcast_in_dim3A_22 {strides = array<i32>} : memref<1024xi32, #tpu.memory_space<vmem>>, vector<16xi32>,
    %swap3A_88 = arith.constant 528 : index
    %swap3A_89 = tpu.vector_load %arg9[%swap3A_88] {strides = array<i32>} : memref<1024xi32, #tpu.memory_space<vmem>>, vector<16xi32>,
    tpu.vector_store %arg9[%swap3A_88], %broadcast_in_dim3A_22 {strides = array<i32>} : memref<1024xi32, #tpu.memory_space<vmem>>, vector<16xi32>,
    %swap3A_90 = arith.constant 544 : index
    %swap3A_91 = tpu.vector_load %arg9[%swap3A_90] {strides = array<i32>} : memref<1024xi32, #tpu.memory_space<vmem>>, vector<16xi32>,
    tpu.vector_store %arg9[%swap3A_90], %broadcast_in_dim3A_22 {strides = array<i32>} : memref<1024xi32, #tpu.memory_space<vmem>>, vector<16xi32>,
    %swap3A_92 = arith.constant 560 : index
    %swap3A_93 = tpu.vector_load %arg9[%swap3A_92] {strides = array<i32>} : memref<1024xi32, #tpu.memory_space<vmem>>, vector<16xi32>,
    tpu.vector_store %arg9[%swap3A_92], %broadcast_in_dim3A_22 {strides = array<i32>} : memref<1024xi32, #tpu.memory_space<vmem>>, vector<16xi32>,
    %swap3A_94 = arith.constant 576 : index
    %swap3A_95 = tpu.vector_load %arg9[%swap3A_94] {strides = array<i32>} : memref<1024xi32, #tpu.memory_space<vmem>>, vector<16xi32>,
    tpu.vector_store %arg9[%swap3A_94], %broadcast_in_dim3A_22 {strides = array<i32>} : memref<1024xi32, #tpu.memory_space<vmem>>, vector<16xi32>,
    %swap3A_96 = arith.constant 592 : index
    %swap3A_97 = tpu.vector_load %arg9[%swap3A_96] {strides = array<i32>} : memref<1024xi32, #tpu.memory_space<vmem>>, vector<16xi32>,
    tpu.vector_store %arg9[%swap3A_96], %broadcast_in_dim3A_22 {strides = array<i32>} : memref<1024xi32, #tpu.memory_space<vmem>>, vector<16xi32>,
    %swap3A_98 = arith.constant 608 : index
    %swap3A_99 = tpu.vector_load %arg9[%swap3A_98] {strides = array<i32>} : memref<1024xi32, #tpu.memory_space<vmem>>, vector<16xi32>,
    tpu.vector_store %arg9[%swap3A_98], %broadcast_in_dim3A_22 {strides = array<i32>} : memref<1024xi32, #tpu.memory_space<vmem>>, vector<16xi32>,
    %swap3A_100 = arith.constant 624 : index
    %swap3A_101 = tpu.vector_load %arg9[%swap3A_100] {strides = array<i32>} : memref<1024xi32, #tpu.memory_space<vmem>>, vector<16xi32>,
    tpu.vector_store %arg9[%swap3A_100], %broadcast_in_dim3A_22 {strides = array<i32>} : memref<1024xi32, #tpu.memory_space<vmem>>, vector<16xi32>,
    %swap3A_102 = arith.constant 640 : index
    %swap3A_103 = tpu.vector_load %arg9[%swap3A_102] {strides = array<i32>} : memref<1024xi32, #tpu.memory_space<vmem>>, vector<16xi32>,
    tpu.vector_store %arg9[%swap3A_102], %broadcast_in_dim3A_22 {strides = array<i32>} : memref<1024xi32, #tpu.memory_space<vmem>>, vector<16xi32>,
    %swap3A_104 = arith.constant 656 : index
    %swap3A_105 = tpu.vector_load %arg9[%swap3A_104] {strides = array<i32>} : memref<1024xi32, #tpu.memory_space<vmem>>, vector<16xi32>,
    tpu.vector_store %arg9[%swap3A_104], %broadcast_in_dim3A_22 {strides = array<i32>} : memref<1024xi32, #tpu.memory_space<vmem>>, vector<16xi32>,
    %swap3A_106 = arith.constant 672 : index
    %swap3A_107 = tpu.vector_load %arg9[%swap3A_106] {strides = array<i32>} : memref<1024xi32, #tpu.memory_space<vmem>>, vector<16xi32>,
    tpu.vector_store %arg9[%swap3A_106], %broadcast_in_dim3A_22 {strides = array<i32>} : memref<1024xi32, #tpu.memory_space<vmem>>, vector<16xi32>,
    %swap3A_108 = arith.constant 688 : index
    %swap3A_109 = tpu.vector_load %arg9[%swap3A_108] {strides = array<i32>} : memref<1024xi32, #tpu.memory_space<vmem>>, vector<16xi32>,
    tpu.vector_store %arg9[%swap3A_108], %broadcast_in_dim3A_22 {strides = array<i32>} : memref<1024xi32, #tpu.memory_space<vmem>>, vector<16xi32>,
    %swap3A_110 = arith.constant 704 : index
    %swap3A_111 = tpu.vector_load %arg9[%swap3A_110] {strides = array<i32>} : memref<1024xi32, #tpu.memory_space<vmem>>, vector<16xi32>,
    tpu.vector_store %arg9[%swap3A_110], %broadcast_in_dim3A_22 {strides = array<i32>} : memref<1024xi32, #tpu.memory_space<vmem>>, vector<16xi32>,
    %swap3A_112 = arith.constant 720 : index
    %swap3A_113 = tpu.vector_load %arg9[%swap3A_112] {strides = array<i32>} : memref<1024xi32, #tpu.memory_space<vmem>>, vector<16xi32>,
    tpu.vector_store %arg9[%swap3A_112], %broadcast_in_dim3A_22 {strides = array<i32>} : memref<1024xi32, #tpu.memory_space<vmem>>, vector<16xi32>,
    %swap3A_114 = arith.constant 736 : index
    %swap3A_115 = tpu.vector_load %arg9[%swap3A_114] {strides = array<i32>} : memref<1024xi32, #tpu.memory_space<vmem>>, vector<16xi32>,
    tpu.vector_store %arg9[%swap3A_114], %broadcast_in_dim3A_22 {strides = array<i32>} : memref<1024xi32, #tpu.memory_space<vmem>>, vector<16xi32>,
    %swap3A_116 = arith.constant 752 : index
    %swap3A_117 = tpu.vector_load %arg9[%swap3A_116] {strides = array<i32>} : memref<1024xi32, #tpu.memory_space<vmem>>, vector<16xi32>,
    tpu.vector_store %arg9[%swap3A_116], %broadcast_in_dim3A_22 {strides = array<i32>} : memref<1024xi32, #tpu.memory_space<vmem>>, vector<16xi32>,
    %swap3A_118 = arith.constant 768 : index
    %swap3A_119 = tpu.vector_load %arg9[%swap3A_118] {strides = array<i32>} : memref<1024xi32, #tpu.memory_space<vmem>>, vector<16xi32>,
    tpu.vector_store %arg9[%swap3A_118], %broadcast_in_dim3A_22 {strides = array<i32>} : memref<1024xi32, #tpu.memory_space<vmem>>, vector<16xi32>,
    %swap3A_120 = arith.constant 784 : index
    %swap3A_121 = tpu.vector_load %arg9[%swap3A_120] {strides = array<i32>} : memref<1024xi32, #tpu.memory_space<vmem>>, vector<16xi32>,
    tpu.vector_store %arg9[%swap3A_120], %broadcast_in_dim3A_22 {strides = array<i32>} : memref<1024xi32, #tpu.memory_space<vmem>>, vector<16xi32>,
    %swap3A_122 = arith.constant 800 : index
    %swap3A_123 = tpu.vector_load %arg9[%swap3A_122] {strides = array<i32>} : memref<1024xi32, #tpu.memory_space<vmem>>, vector<16xi32>,
    tpu.vector_store %arg9[%swap3A_122], %broadcast_in_dim3A_22 {strides = array<i32>} : memref<1024xi32, #tpu.memory_space<vmem>>, vector<16xi32>,
    %swap3A_124 = arith.constant 816 : index
    %swap3A_125 = tpu.vector_load %arg9[%swap3A_124] {strides = array<i32>} : memref<1024xi32, #tpu.memory_space<vmem>>, vector<16xi32>,
    tpu.vector_store %arg9[%swap3A_124], %broadcast_in_dim3A_22 {strides = array<i32>} : memref<1024xi32, #tpu.memory_space<vmem>>, vector<16xi32>,
    %swap3A_126 = arith.constant 832 : index
    %swap3A_127 = tpu.vector_load %arg9[%swap3A_126] {strides = array<i32>} : memref<1024xi32, #tpu.memory_space<vmem>>, vector<16xi32>,
    tpu.vector_store %arg9[%swap3A_126], %broadcast_in_dim3A_22 {strides = array<i32>} : memref<1024xi32, #tpu.memory_space<vmem>>, vector<16xi32>,
    %swap3A_128 = arith.constant 848 : index
    %swap3A_129 = tpu.vector_load %arg9[%swap3A_128] {strides = array<i32>} : memref<1024xi32, #tpu.memory_space<vmem>>, vector<16xi32>,
    tpu.vector_store %arg9[%swap3A_128], %broadcast_in_dim3A_22 {strides = array<i32>} : memref<1024xi32, #tpu.memory_space<vmem>>, vector<16xi32>,
    %swap3A_130 = arith.constant 864 : index
    %swap3A_131 = tpu.vector_load %arg9[%swap3A_130] {strides = array<i32>} : memref<1024xi32, #tpu.memory_space<vmem>>, vector<16xi32>,
    tpu.vector_store %arg9[%swap3A_130], %broadcast_in_dim3A_22 {strides = array<i32>} : memref<1024xi32, #tpu.memory_space<vmem>>, vector<16xi32>,
    %swap3A_132 = arith.constant 880 : index
    %swap3A_133 = tpu.vector_load %arg9[%swap3A_132] {strides = array<i32>} : memref<1024xi32, #tpu.memory_space<vmem>>, vector<16xi32>,
    tpu.vector_store %arg9[%swap3A_132], %broadcast_in_dim3A_22 {strides = array<i32>} : memref<1024xi32, #tpu.memory_space<vmem>>, vector<16xi32>,
    %swap3A_134 = arith.constant 896 : index
    %swap3A_135 = tpu.vector_load %arg9[%swap3A_134] {strides = array<i32>} : memref<1024xi32, #tpu.memory_space<vmem>>, vector<16xi32>,
    tpu.vector_store %arg9[%swap3A_134], %broadcast_in_dim3A_22 {strides = array<i32>} : memref<1024xi32, #tpu.memory_space<vmem>>, vector<16xi32>,
    %swap3A_136 = arith.constant 912 : index
    %swap3A_137 = tpu.vector_load %arg9[%swap3A_136] {strides = array<i32>} : memref<1024xi32, #tpu.memory_space<vmem>>, vector<16xi32>,
    tpu.vector_store %arg9[%swap3A_136], %broadcast_in_dim3A_22 {strides = array<i32>} : memref<1024xi32, #tpu.memory_space<vmem>>, vector<16xi32>,
    %swap3A_138 = arith.constant 928 : index
    %swap3A_139 = tpu.vector_load %arg9[%swap3A_138] {strides = array<i32>} : memref<1024xi32, #tpu.memory_space<vmem>>, vector<16xi32>,
    tpu.vector_store %arg9[%swap3A_138], %broadcast_in_dim3A_22 {strides = array<i32>} : memref<1024xi32, #tpu.memory_space<vmem>>, vector<16xi32>,
    %swap3A_140 = arith.constant 944 : index
    %swap3A_141 = tpu.vector_load %arg9[%swap3A_140] {strides = array<i32>} : memref<1024xi32, #tpu.memory_space<vmem>>, vector<16xi32>,
    tpu.vector_store %arg9[%swap3A_140], %broadcast_in_dim3A_22 {strides = array<i32>} : memref<1024xi32, #tpu.memory_space<vmem>>, vector<16xi32>,
    %swap3A_142 = arith.constant 960 : index
    %swap3A_143 = tpu.vector_load %arg9[%swap3A_142] {strides = array<i32>} : memref<1024xi32, #tpu.memory_space<vmem>>, vector<16xi32>,
    tpu.vector_store %arg9[%swap3A_142], %broadcast_in_dim3A_22 {strides = array<i32>} : memref<1024xi32, #tpu.memory_space<vmem>>, vector<16xi32>,
    %swap3A_144 = arith.constant 976 : index
    %swap3A_145 = tpu.vector_load %arg9[%swap3A_144] {strides = array<i32>} : memref<1024xi32, #tpu.memory_space<vmem>>, vector<16xi32>,
    tpu.vector_store %arg9[%swap3A_144], %broadcast_in_dim3A_22 {strides = array<i32>} : memref<1024xi32, #tpu.memory_space<vmem>>, vector<16xi32>,
    %swap3A_146 = arith.constant 992 : index
    %swap3A_147 = tpu.vector_load %arg9[%swap3A_146] {strides = array<i32>} : memref<1024xi32, #tpu.memory_space<vmem>>, vector<16xi32>,
    tpu.vector_store %arg9[%swap3A_146], %broadcast_in_dim3A_22 {strides = array<i32>} : memref<1024xi32, #tpu.memory_space<vmem>>, vector<16xi32>,
    %swap3A_148 = arith.constant 1008 : index
    %swap3A_149 = tpu.vector_load %arg9[%swap3A_148] {strides = array<i32>} : memref<1024xi32, #tpu.memory_space<vmem>>, vector<16xi32>,
    tpu.vector_store %arg9[%swap3A_148], %broadcast_in_dim3A_22 {strides = array<i32>} : memref<1024xi32, #tpu.memory_space<vmem>>, vector<16xi32>,
    %mul3A_150 = arith.constant 22528 : i32
    %mul3A_151 = arith.muli %add3A, %mul3A_150 : i32
    %add3A_152 = arith.constant 0 : i32
    %add3A_153 = arith.addi %mul3A_151, %add3A_152 : i32
    %dma_start3A = arith.constant 0 : i32
    %dma_start3A_154 = arith.constant 0 : i32
    %dma_start3A_155 = tpu.memref_slice %arg5[%dma_start3A, %dma_start3A_154] : memref<8x4096xf32, #tpu.memory_space<vmem>> -> memref<8x4096xf32, #tpu.memory_space<vmem>>
    %dma_start3A_156 = arith.constant 0 : i32
    %dma_start3A_157 = tpu.memref_slice %arg2[%dma_start3A_156, %add3A_153] : memref<8x1000000xf32, #tpu.memory_space<hbm>> -> memref<8x4096xf32, #tpu.memory_space<hbm>>
    %dma_start3A_158 = arith.constant 0 : i32
    %dma_start3A_159 = arith.constant 0 : i32
    %dma_start3A_160 = tpu.memref_slice %arg5[%dma_start3A_158, %dma_start3A_159] : memref<8x4096xf32, #tpu.memory_space<vmem>> -> memref<8x4096xf32, #tpu.memory_space<vmem>>
    %dma_start3A_161 = arith.constant 0 : i32
    %dma_start3A_162 = tpu.memref_slice %arg2[%dma_start3A_161, %add3A_153] : memref<8x1000000xf32, #tpu.memory_space<hbm>> -> memref<8x4096xf32, #tpu.memory_space<hbm>>
    tpu.enqueue_dma source(%dma_start3A_162 : memref<8x4096xf32, #tpu.memory_space<hbm>>) target(%dma_start3A_160 : memref<8x4096xf32, #tpu.memory_space<vmem>>) target_semaphore(%arg11 : memref<!tpu.dma_semaphore, #tpu.memory_space<semaphore_mem>>)
    %dma_start3A_163 = arith.constant 0 : i32
    %dma_start3A_164 = tpu.memref_slice %arg7[%dma_start3A_163] : memref<4096xi32, #tpu.memory_space<vmem>> -> memref<4096xi32, #tpu.memory_space<vmem>>
    %dma_start3A_165 = tpu.memref_slice %arg3[%add3A_153] : memref<1000000xi32, #tpu.memory_space<hbm>> -> memref<4096xi32, #tpu.memory_space<hbm>>
    %dma_start3A_166 = arith.constant 0 : i32
    %dma_start3A_167 = tpu.memref_slice %arg7[%dma_start3A_166] : memref<4096xi32, #tpu.memory_space<vmem>> -> memref<4096xi32, #tpu.memory_space<vmem>>
    %dma_start3A_168 = tpu.memref_slice %arg3[%add3A_153] : memref<1000000xi32, #tpu.memory_space<hbm>> -> memref<4096xi32, #tpu.memory_space<hbm>>
    tpu.enqueue_dma source(%dma_start3A_168 : memref<4096xi32, #tpu.memory_space<hbm>>) target(%dma_start3A_167 : memref<4096xi32, #tpu.memory_space<vmem>>) target_semaphore(%arg13 : memref<!tpu.dma_semaphore, #tpu.memory_space<semaphore_mem>>)
    %dma_wait3A = arith.constant 0 : i32
    %dma_wait3A_169 = arith.constant 0 : i32
    %dma_wait3A_170 = tpu.memref_slice %arg5[%dma_wait3A, %dma_wait3A_169] : memref<8x4096xf32, #tpu.memory_space<vmem>> -> memref<8x4096xf32, #tpu.memory_space<vmem>>
    %dma_wait3A_171 = arith.constant 0 : i32
    %dma_wait3A_172 = tpu.memref_slice %arg2[%dma_wait3A_171, %add3A_153] : memref<8x1000000xf32, #tpu.memory_space<hbm>> -> memref<8x4096xf32, #tpu.memory_space<hbm>>
    %dma_wait3A_173 = arith.constant 0 : i32
    %dma_wait3A_174 = arith.constant 0 : i32
    %dma_wait3A_175 = tpu.memref_slice %arg5[%dma_wait3A_173, %dma_wait3A_174] : memref<8x4096xf32, #tpu.memory_space<vmem>> -> memref<8x4096xf32, #tpu.memory_space<vmem>>
    %dma_wait3A_176 = arith.constant 0 : i32
    %dma_wait3A_177 = tpu.memref_slice %arg2[%dma_wait3A_176, %add3A_153] : memref<8x1000000xf32, #tpu.memory_space<hbm>> -> memref<8x4096xf32, #tpu.memory_space<hbm>>
    tpu.wait_dma2 semaphore(%arg11 : memref<!tpu.dma_semaphore, #tpu.memory_space<semaphore_mem>>) src(%dma_wait3A_177 : memref<8x4096xf32, #tpu.memory_space<hbm>>) dst(%dma_wait3A_175 : memref<8x4096xf32, #tpu.memory_space<vmem>>)
    %dma_wait3A_178 = arith.constant 0 : i32
    %dma_wait3A_179 = tpu.memref_slice %arg7[%dma_wait3A_178] : memref<4096xi32, #tpu.memory_space<vmem>> -> memref<4096xi32, #tpu.memory_space<vmem>>
    %dma_wait3A_180 = tpu.memref_slice %arg3[%add3A_153] : memref<1000000xi32, #tpu.memory_space<hbm>> -> memref<4096xi32, #tpu.memory_space<hbm>>
    %dma_wait3A_181 = arith.constant 0 : i32
    %dma_wait3A_182 = tpu.memref_slice %arg7[%dma_wait3A_181] : memref<4096xi32, #tpu.memory_space<vmem>> -> memref<4096xi32, #tpu.memory_space<vmem>>
    %dma_wait3A_183 = tpu.memref_slice %arg3[%add3A_153] : memref<1000000xi32, #tpu.memory_space<hbm>> -> memref<4096xi32, #tpu.memory_space<hbm>>
    tpu.wait_dma2 semaphore(%arg13 : memref<!tpu.dma_semaphore, #tpu.memory_space<semaphore_mem>>) src(%dma_wait3A_183 : memref<4096xi32, #tpu.memory_space<hbm>>) dst(%dma_wait3A_182 : memref<4096xi32, #tpu.memory_space<vmem>>)
    %add3A_184 = arith.constant 4096 : i32
    %add3A_185 = arith.addi %mul3A_151, %add3A_184 : i32
    %dma_start3A_186 = arith.constant 0 : i32
    %dma_start3A_187 = arith.constant 0 : i32
    %dma_start3A_188 = tpu.memref_slice %arg6[%dma_start3A_186, %dma_start3A_187] : memref<8x4096xf32, #tpu.memory_space<vmem>> -> memref<8x4096xf32, #tpu.memory_space<vmem>>
    %dma_start3A_189 = arith.constant 0 : i32
    %dma_start3A_190 = tpu.memref_slice %arg2[%dma_start3A_189, %add3A_185] : memref<8x1000000xf32, #tpu.memory_space<hbm>> -> memref<8x4096xf32, #tpu.memory_space<hbm>>
    %dma_start3A_191 = arith.constant 0 : i32
    %dma_start3A_192 = arith.constant 0 : i32
    %dma_start3A_193 = tpu.memref_slice %arg6[%dma_start3A_191, %dma_start3A_192] : memref<8x4096xf32, #tpu.memory_space<vmem>> -> memref<8x4096xf32, #tpu.memory_space<vmem>>
    %dma_start3A_194 = arith.constant 0 : i32
    %dma_start3A_195 = tpu.memref_slice %arg2[%dma_start3A_194, %add3A_185] : memref<8x1000000xf32, #tpu.memory_space<hbm>> -> memref<8x4096xf32, #tpu.memory_space<hbm>>
    tpu.enqueue_dma source(%dma_start3A_195 : memref<8x4096xf32, #tpu.memory_space<hbm>>) target(%dma_start3A_193 : memref<8x4096xf32, #tpu.memory_space<vmem>>) target_semaphore(%arg12 : memref<!tpu.dma_semaphore, #tpu.memory_space<semaphore_mem>>)
    %dma_start3A_196 = arith.constant 0 : i32
    %dma_start3A_197 = tpu.memref_slice %arg8[%dma_start3A_196] : memref<4096xi32, #tpu.memory_space<vmem>> -> memref<4096xi32, #tpu.memory_space<vmem>>
    %dma_start3A_198 = tpu.memref_slice %arg3[%add3A_185] : memref<1000000xi32, #tpu.memory_space<hbm>> -> memref<4096xi32, #tpu.memory_space<hbm>>
    %dma_start3A_199 = arith.constant 0 : i32
    %dma_start3A_200 = tpu.memref_slice %arg8[%dma_start3A_199] : memref<4096xi32, #tpu.memory_space<vmem>> -> memref<4096xi32, #tpu.memory_space<vmem>>
    %dma_start3A_201 = tpu.memref_slice %arg3[%add3A_185] : memref<1000000xi32, #tpu.memory_space<hbm>> -> memref<4096xi32, #tpu.memory_space<hbm>>
    tpu.enqueue_dma source(%dma_start3A_201 : memref<4096xi32, #tpu.memory_space<hbm>>) target(%dma_start3A_200 : memref<4096xi32, #tpu.memory_space<vmem>>) target_semaphore(%arg14 : memref<!tpu.dma_semaphore, #tpu.memory_space<semaphore_mem>>)
    %parallel_loop3A = arith.constant 0 : i32
    %parallel_loop3A_202 = arith.constant 256 : i32
    %parallel_loop3A_203 = arith.constant 1 : i32
    scf.for %parallel_loop3A_570 = %parallel_loop3A to %parallel_loop3A_202 step %parallel_loop3A_203  : i32 {
      %parallel_loop3A_571 = arith.constant 16 : i32
      %parallel_loop3A_572 = arith.muli %parallel_loop3A_570, %parallel_loop3A_571 : i32
      %parallel_loop3A_573 = arith.constant 0 : i32
      %parallel_loop3A_574 = arith.index_cast %parallel_loop3A_573 : i32 to index
      %parallel_loop3A_575 = arith.index_cast %parallel_loop3A_572 : i32 to index
      %parallel_loop3A_576 = tpu.vector_load %arg5[%parallel_loop3A_574, %parallel_loop3A_575] {strides = array<i32>} : memref<8x4096xf32, #tpu.memory_space<vmem>>, vector<16xf32>,
      %parallel_loop3A_577 = arith.constant 1 : i32
      %parallel_loop3A_578 = arith.index_cast %parallel_loop3A_577 : i32 to index
      %parallel_loop3A_579 = arith.index_cast %parallel_loop3A_572 : i32 to index
      %parallel_loop3A_580 = tpu.vector_load %arg5[%parallel_loop3A_578, %parallel_loop3A_579] {strides = array<i32>} : memref<8x4096xf32, #tpu.memory_space<vmem>>, vector<16xf32>,
      %parallel_loop3A_581 = arith.constant 2 : i32
      %parallel_loop3A_582 = arith.index_cast %parallel_loop3A_581 : i32 to index
      %parallel_loop3A_583 = arith.index_cast %parallel_loop3A_572 : i32 to index
      %parallel_loop3A_584 = tpu.vector_load %arg5[%parallel_loop3A_582, %parallel_loop3A_583] {strides = array<i32>} : memref<8x4096xf32, #tpu.memory_space<vmem>>, vector<16xf32>,
      %parallel_loop3A_585 = arith.constant 3 : i32
      %parallel_loop3A_586 = arith.index_cast %parallel_loop3A_585 : i32 to index
      %parallel_loop3A_587 = arith.index_cast %parallel_loop3A_572 : i32 to index
      %parallel_loop3A_588 = tpu.vector_load %arg5[%parallel_loop3A_586, %parallel_loop3A_587] {strides = array<i32>} : memref<8x4096xf32, #tpu.memory_space<vmem>>, vector<16xf32>,
      %parallel_loop3A_589 = arith.constant 4 : i32
      %parallel_loop3A_590 = arith.index_cast %parallel_loop3A_589 : i32 to index
      %parallel_loop3A_591 = arith.index_cast %parallel_loop3A_572 : i32 to index
      %parallel_loop3A_592 = tpu.vector_load %arg5[%parallel_loop3A_590, %parallel_loop3A_591] {strides = array<i32>} : memref<8x4096xf32, #tpu.memory_space<vmem>>, vector<16xf32>,
      %parallel_loop3A_593 = arith.constant 5 : i32
      %parallel_loop3A_594 = arith.index_cast %parallel_loop3A_593 : i32 to index
      %parallel_loop3A_595 = arith.index_cast %parallel_loop3A_572 : i32 to index
      %parallel_loop3A_596 = tpu.vector_load %arg5[%parallel_loop3A_594, %parallel_loop3A_595] {strides = array<i32>} : memref<8x4096xf32, #tpu.memory_space<vmem>>, vector<16xf32>,
      %parallel_loop3A_597 = arith.constant 6 : i32
      %parallel_loop3A_598 = arith.index_cast %parallel_loop3A_597 : i32 to index
      %parallel_loop3A_599 = arith.index_cast %parallel_loop3A_572 : i32 to index
      %parallel_loop3A_600 = tpu.vector_load %arg5[%parallel_loop3A_598, %parallel_loop3A_599] {strides = array<i32>} : memref<8x4096xf32, #tpu.memory_space<vmem>>, vector<16xf32>,
      %parallel_loop3A_601 = arith.constant 7 : i32
      %parallel_loop3A_602 = arith.index_cast %parallel_loop3A_601 : i32 to index
      %parallel_loop3A_603 = arith.index_cast %parallel_loop3A_572 : i32 to index
      %parallel_loop3A_604 = tpu.vector_load %arg5[%parallel_loop3A_602, %parallel_loop3A_603] {strides = array<i32>} : memref<8x4096xf32, #tpu.memory_space<vmem>>, vector<16xf32>,
      %parallel_loop3A_605 = arith.cmpf ogt, %parallel_loop3A_580, %parallel_loop3A_576 : vector<16xf32>
      %parallel_loop3A_606 = arith.select %parallel_loop3A_605, %parallel_loop3A_580, %parallel_loop3A_576 : vector<16xi1>, vector<16xf32>
      %parallel_loop3A_607 = arith.select %parallel_loop3A_605, %broadcast_in_dim3A_6, %broadcast_in_dim3A_4 : vector<16xi1>, vector<16xi32>
      %parallel_loop3A_608 = arith.cmpf ogt, %parallel_loop3A_588, %parallel_loop3A_584 : vector<16xf32>
      %parallel_loop3A_609 = arith.select %parallel_loop3A_608, %parallel_loop3A_588, %parallel_loop3A_584 : vector<16xi1>, vector<16xf32>
      %parallel_loop3A_610 = arith.select %parallel_loop3A_608, %broadcast_in_dim3A_10, %broadcast_in_dim3A_8 : vector<16xi1>, vector<16xi32>
      %parallel_loop3A_611 = arith.cmpf ogt, %parallel_loop3A_596, %parallel_loop3A_592 : vector<16xf32>
      %parallel_loop3A_612 = arith.select %parallel_loop3A_611, %parallel_loop3A_596, %parallel_loop3A_592 : vector<16xi1>, vector<16xf32>
      %parallel_loop3A_613 = arith.select %parallel_loop3A_611, %broadcast_in_dim3A_14, %broadcast_in_dim3A_12 : vector<16xi1>, vector<16xi32>
      %parallel_loop3A_614 = arith.cmpf ogt, %parallel_loop3A_604, %parallel_loop3A_600 : vector<16xf32>
      %parallel_loop3A_615 = arith.select %parallel_loop3A_614, %parallel_loop3A_604, %parallel_loop3A_600 : vector<16xi1>, vector<16xf32>
      %parallel_loop3A_616 = arith.select %parallel_loop3A_614, %broadcast_in_dim3A_18, %broadcast_in_dim3A_16 : vector<16xi1>, vector<16xi32>
      %parallel_loop3A_617 = arith.cmpf ogt, %parallel_loop3A_609, %parallel_loop3A_606 : vector<16xf32>
      %parallel_loop3A_618 = arith.select %parallel_loop3A_617, %parallel_loop3A_609, %parallel_loop3A_606 : vector<16xi1>, vector<16xf32>
      %parallel_loop3A_619 = arith.select %parallel_loop3A_617, %parallel_loop3A_610, %parallel_loop3A_607 : vector<16xi1>, vector<16xi32>
      %parallel_loop3A_620 = arith.cmpf ogt, %parallel_loop3A_615, %parallel_loop3A_612 : vector<16xf32>
      %parallel_loop3A_621 = arith.select %parallel_loop3A_620, %parallel_loop3A_615, %parallel_loop3A_612 : vector<16xi1>, vector<16xf32>
      %parallel_loop3A_622 = arith.select %parallel_loop3A_620, %parallel_loop3A_616, %parallel_loop3A_613 : vector<16xi1>, vector<16xi32>
      %parallel_loop3A_623 = arith.cmpf ogt, %parallel_loop3A_621, %parallel_loop3A_618 : vector<16xf32>
      %parallel_loop3A_624 = arith.select %parallel_loop3A_623, %parallel_loop3A_622, %parallel_loop3A_619 : vector<16xi1>, vector<16xi32>
      %parallel_loop3A_625 = arith.index_cast %parallel_loop3A_572 : i32 to index
      %parallel_loop3A_626 = tpu.vector_load %arg7[%parallel_loop3A_625] {strides = array<i32>} : memref<4096xi32, #tpu.memory_space<vmem>>, vector<16xi32>,
      %parallel_loop3A_627 = arith.constant 8 : i32
      %parallel_loop3A_628 = vector.broadcast %parallel_loop3A_627 : i32 to vector<16xi32>
      %parallel_loop3A_629 = arith.muli %parallel_loop3A_626, %parallel_loop3A_628 : vector<16xi32>
      %parallel_loop3A_630 = arith.addi %parallel_loop3A_629, %parallel_loop3A_624 : vector<16xi32>
      %parallel_loop3A_631 = arith.addi %parallel_loop3A_630, %mul3A_3 : vector<16xi32>
      tpu.vector_store_idx %arg9[%parallel_loop3A_631], %broadcast_in_dim3A_20 {add = true} : memref<1024xi32, #tpu.memory_space<vmem>>[vector<16xi32>], vector<16xi32>,
    } {sc.loop_unroll_factor = 8 : i64, sc.parallel_access}
    %dma_wait3A_204 = arith.constant 0 : i32
    %dma_wait3A_205 = arith.constant 0 : i32
    %dma_wait3A_206 = tpu.memref_slice %arg6[%dma_wait3A_204, %dma_wait3A_205] : memref<8x4096xf32, #tpu.memory_space<vmem>> -> memref<8x4096xf32, #tpu.memory_space<vmem>>
    %dma_wait3A_207 = arith.constant 0 : i32
    %dma_wait3A_208 = tpu.memref_slice %arg2[%dma_wait3A_207, %add3A_185] : memref<8x1000000xf32, #tpu.memory_space<hbm>> -> memref<8x4096xf32, #tpu.memory_space<hbm>>
    %dma_wait3A_209 = arith.constant 0 : i32
    %dma_wait3A_210 = arith.constant 0 : i32
    %dma_wait3A_211 = tpu.memref_slice %arg6[%dma_wait3A_209, %dma_wait3A_210] : memref<8x4096xf32, #tpu.memory_space<vmem>> -> memref<8x4096xf32, #tpu.memory_space<vmem>>
    %dma_wait3A_212 = arith.constant 0 : i32
    %dma_wait3A_213 = tpu.memref_slice %arg2[%dma_wait3A_212, %add3A_185] : memref<8x1000000xf32, #tpu.memory_space<hbm>> -> memref<8x4096xf32, #tpu.memory_space<hbm>>
    tpu.wait_dma2 semaphore(%arg12 : memref<!tpu.dma_semaphore, #tpu.memory_space<semaphore_mem>>) src(%dma_wait3A_213 : memref<8x4096xf32, #tpu.memory_space<hbm>>) dst(%dma_wait3A_211 : memref<8x4096xf32, #tpu.memory_space<vmem>>)
    %dma_wait3A_214 = arith.constant 0 : i32
    %dma_wait3A_215 = tpu.memref_slice %arg8[%dma_wait3A_214] : memref<4096xi32, #tpu.memory_space<vmem>> -> memref<4096xi32, #tpu.memory_space<vmem>>
    %dma_wait3A_216 = tpu.memref_slice %arg3[%add3A_185] : memref<1000000xi32, #tpu.memory_space<hbm>> -> memref<4096xi32, #tpu.memory_space<hbm>>
    %dma_wait3A_217 = arith.constant 0 : i32
    %dma_wait3A_218 = tpu.memref_slice %arg8[%dma_wait3A_217] : memref<4096xi32, #tpu.memory_space<vmem>> -> memref<4096xi32, #tpu.memory_space<vmem>>
    %dma_wait3A_219 = tpu.memref_slice %arg3[%add3A_185] : memref<1000000xi32, #tpu.memory_space<hbm>> -> memref<4096xi32, #tpu.memory_space<hbm>>
    tpu.wait_dma2 semaphore(%arg14 : memref<!tpu.dma_semaphore, #tpu.memory_space<semaphore_mem>>) src(%dma_wait3A_219 : memref<4096xi32, #tpu.memory_space<hbm>>) dst(%dma_wait3A_218 : memref<4096xi32, #tpu.memory_space<vmem>>)
    %add3A_220 = arith.constant 8192 : i32
    %add3A_221 = arith.addi %mul3A_151, %add3A_220 : i32
    %dma_start3A_222 = arith.constant 0 : i32
    %dma_start3A_223 = arith.constant 0 : i32
    %dma_start3A_224 = tpu.memref_slice %arg5[%dma_start3A_222, %dma_start3A_223] : memref<8x4096xf32, #tpu.memory_space<vmem>> -> memref<8x4096xf32, #tpu.memory_space<vmem>>
    %dma_start3A_225 = arith.constant 0 : i32
    %dma_start3A_226 = tpu.memref_slice %arg2[%dma_start3A_225, %add3A_221] : memref<8x1000000xf32, #tpu.memory_space<hbm>> -> memref<8x4096xf32, #tpu.memory_space<hbm>>
    %dma_start3A_227 = arith.constant 0 : i32
    %dma_start3A_228 = arith.constant 0 : i32
    %dma_start3A_229 = tpu.memref_slice %arg5[%dma_start3A_227, %dma_start3A_228] : memref<8x4096xf32, #tpu.memory_space<vmem>> -> memref<8x4096xf32, #tpu.memory_space<vmem>>
    %dma_start3A_230 = arith.constant 0 : i32
    %dma_start3A_231 = tpu.memref_slice %arg2[%dma_start3A_230, %add3A_221] : memref<8x1000000xf32, #tpu.memory_space<hbm>> -> memref<8x4096xf32, #tpu.memory_space<hbm>>
    tpu.enqueue_dma source(%dma_start3A_231 : memref<8x4096xf32, #tpu.memory_space<hbm>>) target(%dma_start3A_229 : memref<8x4096xf32, #tpu.memory_space<vmem>>) target_semaphore(%arg11 : memref<!tpu.dma_semaphore, #tpu.memory_space<semaphore_mem>>)
    %dma_start3A_232 = arith.constant 0 : i32
    %dma_start3A_233 = tpu.memref_slice %arg7[%dma_start3A_232] : memref<4096xi32, #tpu.memory_space<vmem>> -> memref<4096xi32, #tpu.memory_space<vmem>>
    %dma_start3A_234 = tpu.memref_slice %arg3[%add3A_221] : memref<1000000xi32, #tpu.memory_space<hbm>> -> memref<4096xi32, #tpu.memory_space<hbm>>
    %dma_start3A_235 = arith.constant 0 : i32
    %dma_start3A_236 = tpu.memref_slice %arg7[%dma_start3A_235] : memref<4096xi32, #tpu.memory_space<vmem>> -> memref<4096xi32, #tpu.memory_space<vmem>>
    %dma_start3A_237 = tpu.memref_slice %arg3[%add3A_221] : memref<1000000xi32, #tpu.memory_space<hbm>> -> memref<4096xi32, #tpu.memory_space<hbm>>
    tpu.enqueue_dma source(%dma_start3A_237 : memref<4096xi32, #tpu.memory_space<hbm>>) target(%dma_start3A_236 : memref<4096xi32, #tpu.memory_space<vmem>>) target_semaphore(%arg13 : memref<!tpu.dma_semaphore, #tpu.memory_space<semaphore_mem>>)
    %parallel_loop3A_238 = arith.constant 0 : i32
    %parallel_loop3A_239 = arith.constant 256 : i32
    %parallel_loop3A_240 = arith.constant 1 : i32
    scf.for %parallel_loop3A_570 = %parallel_loop3A_238 to %parallel_loop3A_239 step %parallel_loop3A_240  : i32 {
      %parallel_loop3A_571 = arith.constant 16 : i32
      %parallel_loop3A_572 = arith.muli %parallel_loop3A_570, %parallel_loop3A_571 : i32
      %parallel_loop3A_573 = arith.constant 0 : i32
      %parallel_loop3A_574 = arith.index_cast %parallel_loop3A_573 : i32 to index
      %parallel_loop3A_575 = arith.index_cast %parallel_loop3A_572 : i32 to index
      %parallel_loop3A_576 = tpu.vector_load %arg6[%parallel_loop3A_574, %parallel_loop3A_575] {strides = array<i32>} : memref<8x4096xf32, #tpu.memory_space<vmem>>, vector<16xf32>,
      %parallel_loop3A_577 = arith.constant 1 : i32
      %parallel_loop3A_578 = arith.index_cast %parallel_loop3A_577 : i32 to index
      %parallel_loop3A_579 = arith.index_cast %parallel_loop3A_572 : i32 to index
      %parallel_loop3A_580 = tpu.vector_load %arg6[%parallel_loop3A_578, %parallel_loop3A_579] {strides = array<i32>} : memref<8x4096xf32, #tpu.memory_space<vmem>>, vector<16xf32>,
      %parallel_loop3A_581 = arith.constant 2 : i32
      %parallel_loop3A_582 = arith.index_cast %parallel_loop3A_581 : i32 to index
      %parallel_loop3A_583 = arith.index_cast %parallel_loop3A_572 : i32 to index
      %parallel_loop3A_584 = tpu.vector_load %arg6[%parallel_loop3A_582, %parallel_loop3A_583] {strides = array<i32>} : memref<8x4096xf32, #tpu.memory_space<vmem>>, vector<16xf32>,
      %parallel_loop3A_585 = arith.constant 3 : i32
      %parallel_loop3A_586 = arith.index_cast %parallel_loop3A_585 : i32 to index
      %parallel_loop3A_587 = arith.index_cast %parallel_loop3A_572 : i32 to index
      %parallel_loop3A_588 = tpu.vector_load %arg6[%parallel_loop3A_586, %parallel_loop3A_587] {strides = array<i32>} : memref<8x4096xf32, #tpu.memory_space<vmem>>, vector<16xf32>,
      %parallel_loop3A_589 = arith.constant 4 : i32
      %parallel_loop3A_590 = arith.index_cast %parallel_loop3A_589 : i32 to index
      %parallel_loop3A_591 = arith.index_cast %parallel_loop3A_572 : i32 to index
      %parallel_loop3A_592 = tpu.vector_load %arg6[%parallel_loop3A_590, %parallel_loop3A_591] {strides = array<i32>} : memref<8x4096xf32, #tpu.memory_space<vmem>>, vector<16xf32>,
      %parallel_loop3A_593 = arith.constant 5 : i32
      %parallel_loop3A_594 = arith.index_cast %parallel_loop3A_593 : i32 to index
      %parallel_loop3A_595 = arith.index_cast %parallel_loop3A_572 : i32 to index
      %parallel_loop3A_596 = tpu.vector_load %arg6[%parallel_loop3A_594, %parallel_loop3A_595] {strides = array<i32>} : memref<8x4096xf32, #tpu.memory_space<vmem>>, vector<16xf32>,
      %parallel_loop3A_597 = arith.constant 6 : i32
      %parallel_loop3A_598 = arith.index_cast %parallel_loop3A_597 : i32 to index
      %parallel_loop3A_599 = arith.index_cast %parallel_loop3A_572 : i32 to index
      %parallel_loop3A_600 = tpu.vector_load %arg6[%parallel_loop3A_598, %parallel_loop3A_599] {strides = array<i32>} : memref<8x4096xf32, #tpu.memory_space<vmem>>, vector<16xf32>,
      %parallel_loop3A_601 = arith.constant 7 : i32
      %parallel_loop3A_602 = arith.index_cast %parallel_loop3A_601 : i32 to index
      %parallel_loop3A_603 = arith.index_cast %parallel_loop3A_572 : i32 to index
      %parallel_loop3A_604 = tpu.vector_load %arg6[%parallel_loop3A_602, %parallel_loop3A_603] {strides = array<i32>} : memref<8x4096xf32, #tpu.memory_space<vmem>>, vector<16xf32>,
      %parallel_loop3A_605 = arith.cmpf ogt, %parallel_loop3A_580, %parallel_loop3A_576 : vector<16xf32>
      %parallel_loop3A_606 = arith.select %parallel_loop3A_605, %parallel_loop3A_580, %parallel_loop3A_576 : vector<16xi1>, vector<16xf32>
      %parallel_loop3A_607 = arith.select %parallel_loop3A_605, %broadcast_in_dim3A_6, %broadcast_in_dim3A_4 : vector<16xi1>, vector<16xi32>
      %parallel_loop3A_608 = arith.cmpf ogt, %parallel_loop3A_588, %parallel_loop3A_584 : vector<16xf32>
      %parallel_loop3A_609 = arith.select %parallel_loop3A_608, %parallel_loop3A_588, %parallel_loop3A_584 : vector<16xi1>, vector<16xf32>
      %parallel_loop3A_610 = arith.select %parallel_loop3A_608, %broadcast_in_dim3A_10, %broadcast_in_dim3A_8 : vector<16xi1>, vector<16xi32>
      %parallel_loop3A_611 = arith.cmpf ogt, %parallel_loop3A_596, %parallel_loop3A_592 : vector<16xf32>
      %parallel_loop3A_612 = arith.select %parallel_loop3A_611, %parallel_loop3A_596, %parallel_loop3A_592 : vector<16xi1>, vector<16xf32>
      %parallel_loop3A_613 = arith.select %parallel_loop3A_611, %broadcast_in_dim3A_14, %broadcast_in_dim3A_12 : vector<16xi1>, vector<16xi32>
      %parallel_loop3A_614 = arith.cmpf ogt, %parallel_loop3A_604, %parallel_loop3A_600 : vector<16xf32>
      %parallel_loop3A_615 = arith.select %parallel_loop3A_614, %parallel_loop3A_604, %parallel_loop3A_600 : vector<16xi1>, vector<16xf32>
      %parallel_loop3A_616 = arith.select %parallel_loop3A_614, %broadcast_in_dim3A_18, %broadcast_in_dim3A_16 : vector<16xi1>, vector<16xi32>
      %parallel_loop3A_617 = arith.cmpf ogt, %parallel_loop3A_609, %parallel_loop3A_606 : vector<16xf32>
      %parallel_loop3A_618 = arith.select %parallel_loop3A_617, %parallel_loop3A_609, %parallel_loop3A_606 : vector<16xi1>, vector<16xf32>
      %parallel_loop3A_619 = arith.select %parallel_loop3A_617, %parallel_loop3A_610, %parallel_loop3A_607 : vector<16xi1>, vector<16xi32>
      %parallel_loop3A_620 = arith.cmpf ogt, %parallel_loop3A_615, %parallel_loop3A_612 : vector<16xf32>
      %parallel_loop3A_621 = arith.select %parallel_loop3A_620, %parallel_loop3A_615, %parallel_loop3A_612 : vector<16xi1>, vector<16xf32>
      %parallel_loop3A_622 = arith.select %parallel_loop3A_620, %parallel_loop3A_616, %parallel_loop3A_613 : vector<16xi1>, vector<16xi32>
      %parallel_loop3A_623 = arith.cmpf ogt, %parallel_loop3A_621, %parallel_loop3A_618 : vector<16xf32>
      %parallel_loop3A_624 = arith.select %parallel_loop3A_623, %parallel_loop3A_622, %parallel_loop3A_619 : vector<16xi1>, vector<16xi32>
      %parallel_loop3A_625 = arith.index_cast %parallel_loop3A_572 : i32 to index
      %parallel_loop3A_626 = tpu.vector_load %arg8[%parallel_loop3A_625] {strides = array<i32>} : memref<4096xi32, #tpu.memory_space<vmem>>, vector<16xi32>,
      %parallel_loop3A_627 = arith.constant 8 : i32
      %parallel_loop3A_628 = vector.broadcast %parallel_loop3A_627 : i32 to vector<16xi32>
      %parallel_loop3A_629 = arith.muli %parallel_loop3A_626, %parallel_loop3A_628 : vector<16xi32>
      %parallel_loop3A_630 = arith.addi %parallel_loop3A_629, %parallel_loop3A_624 : vector<16xi32>
      %parallel_loop3A_631 = arith.addi %parallel_loop3A_630, %mul3A_3 : vector<16xi32>
      tpu.vector_store_idx %arg9[%parallel_loop3A_631], %broadcast_in_dim3A_20 {add = true} : memref<1024xi32, #tpu.memory_space<vmem>>[vector<16xi32>], vector<16xi32>,
    } {sc.loop_unroll_factor = 8 : i64, sc.parallel_access}
    %dma_wait3A_241 = arith.constant 0 : i32
    %dma_wait3A_242 = arith.constant 0 : i32
    %dma_wait3A_243 = tpu.memref_slice %arg5[%dma_wait3A_241, %dma_wait3A_242] : memref<8x4096xf32, #tpu.memory_space<vmem>> -> memref<8x4096xf32, #tpu.memory_space<vmem>>
    %dma_wait3A_244 = arith.constant 0 : i32
    %dma_wait3A_245 = tpu.memref_slice %arg2[%dma_wait3A_244, %add3A_221] : memref<8x1000000xf32, #tpu.memory_space<hbm>> -> memref<8x4096xf32, #tpu.memory_space<hbm>>
    %dma_wait3A_246 = arith.constant 0 : i32
    %dma_wait3A_247 = arith.constant 0 : i32
    %dma_wait3A_248 = tpu.memref_slice %arg5[%dma_wait3A_246, %dma_wait3A_247] : memref<8x4096xf32, #tpu.memory_space<vmem>> -> memref<8x4096xf32, #tpu.memory_space<vmem>>
    %dma_wait3A_249 = arith.constant 0 : i32
    %dma_wait3A_250 = tpu.memref_slice %arg2[%dma_wait3A_249, %add3A_221] : memref<8x1000000xf32, #tpu.memory_space<hbm>> -> memref<8x4096xf32, #tpu.memory_space<hbm>>
    tpu.wait_dma2 semaphore(%arg11 : memref<!tpu.dma_semaphore, #tpu.memory_space<semaphore_mem>>) src(%dma_wait3A_250 : memref<8x4096xf32, #tpu.memory_space<hbm>>) dst(%dma_wait3A_248 : memref<8x4096xf32, #tpu.memory_space<vmem>>)
    %dma_wait3A_251 = arith.constant 0 : i32
    %dma_wait3A_252 = tpu.memref_slice %arg7[%dma_wait3A_251] : memref<4096xi32, #tpu.memory_space<vmem>> -> memref<4096xi32, #tpu.memory_space<vmem>>
    %dma_wait3A_253 = tpu.memref_slice %arg3[%add3A_221] : memref<1000000xi32, #tpu.memory_space<hbm>> -> memref<4096xi32, #tpu.memory_space<hbm>>
    %dma_wait3A_254 = arith.constant 0 : i32
    %dma_wait3A_255 = tpu.memref_slice %arg7[%dma_wait3A_254] : memref<4096xi32, #tpu.memory_space<vmem>> -> memref<4096xi32, #tpu.memory_space<vmem>>
    %dma_wait3A_256 = tpu.memref_slice %arg3[%add3A_221] : memref<1000000xi32, #tpu.memory_space<hbm>> -> memref<4096xi32, #tpu.memory_space<hbm>>
    tpu.wait_dma2 semaphore(%arg13 : memref<!tpu.dma_semaphore, #tpu.memory_space<semaphore_mem>>) src(%dma_wait3A_256 : memref<4096xi32, #tpu.memory_space<hbm>>) dst(%dma_wait3A_255 : memref<4096xi32, #tpu.memory_space<vmem>>)
    %add3A_257 = arith.constant 12288 : i32
    %add3A_258 = arith.addi %mul3A_151, %add3A_257 : i32
    %dma_start3A_259 = arith.constant 0 : i32
    %dma_start3A_260 = arith.constant 0 : i32
    %dma_start3A_261 = tpu.memref_slice %arg6[%dma_start3A_259, %dma_start3A_260] : memref<8x4096xf32, #tpu.memory_space<vmem>> -> memref<8x4096xf32, #tpu.memory_space<vmem>>
    %dma_start3A_262 = arith.constant 0 : i32
    %dma_start3A_263 = tpu.memref_slice %arg2[%dma_start3A_262, %add3A_258] : memref<8x1000000xf32, #tpu.memory_space<hbm>> -> memref<8x4096xf32, #tpu.memory_space<hbm>>
    %dma_start3A_264 = arith.constant 0 : i32
    %dma_start3A_265 = arith.constant 0 : i32
    %dma_start3A_266 = tpu.memref_slice %arg6[%dma_start3A_264, %dma_start3A_265] : memref<8x4096xf32, #tpu.memory_space<vmem>> -> memref<8x4096xf32, #tpu.memory_space<vmem>>
    %dma_start3A_267 = arith.constant 0 : i32
    %dma_start3A_268 = tpu.memref_slice %arg2[%dma_start3A_267, %add3A_258] : memref<8x1000000xf32, #tpu.memory_space<hbm>> -> memref<8x4096xf32, #tpu.memory_space<hbm>>
    tpu.enqueue_dma source(%dma_start3A_268 : memref<8x4096xf32, #tpu.memory_space<hbm>>) target(%dma_start3A_266 : memref<8x4096xf32, #tpu.memory_space<vmem>>) target_semaphore(%arg12 : memref<!tpu.dma_semaphore, #tpu.memory_space<semaphore_mem>>)
    %dma_start3A_269 = arith.constant 0 : i32
    %dma_start3A_270 = tpu.memref_slice %arg8[%dma_start3A_269] : memref<4096xi32, #tpu.memory_space<vmem>> -> memref<4096xi32, #tpu.memory_space<vmem>>
    %dma_start3A_271 = tpu.memref_slice %arg3[%add3A_258] : memref<1000000xi32, #tpu.memory_space<hbm>> -> memref<4096xi32, #tpu.memory_space<hbm>>
    %dma_start3A_272 = arith.constant 0 : i32
    %dma_start3A_273 = tpu.memref_slice %arg8[%dma_start3A_272] : memref<4096xi32, #tpu.memory_space<vmem>> -> memref<4096xi32, #tpu.memory_space<vmem>>
    %dma_start3A_274 = tpu.memref_slice %arg3[%add3A_258] : memref<1000000xi32, #tpu.memory_space<hbm>> -> memref<4096xi32, #tpu.memory_space<hbm>>
    tpu.enqueue_dma source(%dma_start3A_274 : memref<4096xi32, #tpu.memory_space<hbm>>) target(%dma_start3A_273 : memref<4096xi32, #tpu.memory_space<vmem>>) target_semaphore(%arg14 : memref<!tpu.dma_semaphore, #tpu.memory_space<semaphore_mem>>)
    %parallel_loop3A_275 = arith.constant 0 : i32
    %parallel_loop3A_276 = arith.constant 256 : i32
    %parallel_loop3A_277 = arith.constant 1 : i32
    scf.for %parallel_loop3A_570 = %parallel_loop3A_275 to %parallel_loop3A_276 step %parallel_loop3A_277  : i32 {
      %parallel_loop3A_571 = arith.constant 16 : i32
      %parallel_loop3A_572 = arith.muli %parallel_loop3A_570, %parallel_loop3A_571 : i32
      %parallel_loop3A_573 = arith.constant 0 : i32
      %parallel_loop3A_574 = arith.index_cast %parallel_loop3A_573 : i32 to index
      %parallel_loop3A_575 = arith.index_cast %parallel_loop3A_572 : i32 to index
      %parallel_loop3A_576 = tpu.vector_load %arg5[%parallel_loop3A_574, %parallel_loop3A_575] {strides = array<i32>} : memref<8x4096xf32, #tpu.memory_space<vmem>>, vector<16xf32>,
      %parallel_loop3A_577 = arith.constant 1 : i32
      %parallel_loop3A_578 = arith.index_cast %parallel_loop3A_577 : i32 to index
      %parallel_loop3A_579 = arith.index_cast %parallel_loop3A_572 : i32 to index
      %parallel_loop3A_580 = tpu.vector_load %arg5[%parallel_loop3A_578, %parallel_loop3A_579] {strides = array<i32>} : memref<8x4096xf32, #tpu.memory_space<vmem>>, vector<16xf32>,
      %parallel_loop3A_581 = arith.constant 2 : i32
      %parallel_loop3A_582 = arith.index_cast %parallel_loop3A_581 : i32 to index
      %parallel_loop3A_583 = arith.index_cast %parallel_loop3A_572 : i32 to index
      %parallel_loop3A_584 = tpu.vector_load %arg5[%parallel_loop3A_582, %parallel_loop3A_583] {strides = array<i32>} : memref<8x4096xf32, #tpu.memory_space<vmem>>, vector<16xf32>,
      %parallel_loop3A_585 = arith.constant 3 : i32
      %parallel_loop3A_586 = arith.index_cast %parallel_loop3A_585 : i32 to index
      %parallel_loop3A_587 = arith.index_cast %parallel_loop3A_572 : i32 to index
      %parallel_loop3A_588 = tpu.vector_load %arg5[%parallel_loop3A_586, %parallel_loop3A_587] {strides = array<i32>} : memref<8x4096xf32, #tpu.memory_space<vmem>>, vector<16xf32>,
      %parallel_loop3A_589 = arith.constant 4 : i32
      %parallel_loop3A_590 = arith.index_cast %parallel_loop3A_589 : i32 to index
      %parallel_loop3A_591 = arith.index_cast %parallel_loop3A_572 : i32 to index
      %parallel_loop3A_592 = tpu.vector_load %arg5[%parallel_loop3A_590, %parallel_loop3A_591] {strides = array<i32>} : memref<8x4096xf32, #tpu.memory_space<vmem>>, vector<16xf32>,
      %parallel_loop3A_593 = arith.constant 5 : i32
      %parallel_loop3A_594 = arith.index_cast %parallel_loop3A_593 : i32 to index
      %parallel_loop3A_595 = arith.index_cast %parallel_loop3A_572 : i32 to index
      %parallel_loop3A_596 = tpu.vector_load %arg5[%parallel_loop3A_594, %parallel_loop3A_595] {strides = array<i32>} : memref<8x4096xf32, #tpu.memory_space<vmem>>, vector<16xf32>,
      %parallel_loop3A_597 = arith.constant 6 : i32
      %parallel_loop3A_598 = arith.index_cast %parallel_loop3A_597 : i32 to index
      %parallel_loop3A_599 = arith.index_cast %parallel_loop3A_572 : i32 to index
      %parallel_loop3A_600 = tpu.vector_load %arg5[%parallel_loop3A_598, %parallel_loop3A_599] {strides = array<i32>} : memref<8x4096xf32, #tpu.memory_space<vmem>>, vector<16xf32>,
      %parallel_loop3A_601 = arith.constant 7 : i32
      %parallel_loop3A_602 = arith.index_cast %parallel_loop3A_601 : i32 to index
      %parallel_loop3A_603 = arith.index_cast %parallel_loop3A_572 : i32 to index
      %parallel_loop3A_604 = tpu.vector_load %arg5[%parallel_loop3A_602, %parallel_loop3A_603] {strides = array<i32>} : memref<8x4096xf32, #tpu.memory_space<vmem>>, vector<16xf32>,
      %parallel_loop3A_605 = arith.cmpf ogt, %parallel_loop3A_580, %parallel_loop3A_576 : vector<16xf32>
      %parallel_loop3A_606 = arith.select %parallel_loop3A_605, %parallel_loop3A_580, %parallel_loop3A_576 : vector<16xi1>, vector<16xf32>
      %parallel_loop3A_607 = arith.select %parallel_loop3A_605, %broadcast_in_dim3A_6, %broadcast_in_dim3A_4 : vector<16xi1>, vector<16xi32>
      %parallel_loop3A_608 = arith.cmpf ogt, %parallel_loop3A_588, %parallel_loop3A_584 : vector<16xf32>
      %parallel_loop3A_609 = arith.select %parallel_loop3A_608, %parallel_loop3A_588, %parallel_loop3A_584 : vector<16xi1>, vector<16xf32>
      %parallel_loop3A_610 = arith.select %parallel_loop3A_608, %broadcast_in_dim3A_10, %broadcast_in_dim3A_8 : vector<16xi1>, vector<16xi32>
      %parallel_loop3A_611 = arith.cmpf ogt, %parallel_loop3A_596, %parallel_loop3A_592 : vector<16xf32>
      %parallel_loop3A_612 = arith.select %parallel_loop3A_611, %parallel_loop3A_596, %parallel_loop3A_592 : vector<16xi1>, vector<16xf32>
      %parallel_loop3A_613 = arith.select %parallel_loop3A_611, %broadcast_in_dim3A_14, %broadcast_in_dim3A_12 : vector<16xi1>, vector<16xi32>
      %parallel_loop3A_614 = arith.cmpf ogt, %parallel_loop3A_604, %parallel_loop3A_600 : vector<16xf32>
      %parallel_loop3A_615 = arith.select %parallel_loop3A_614, %parallel_loop3A_604, %parallel_loop3A_600 : vector<16xi1>, vector<16xf32>
      %parallel_loop3A_616 = arith.select %parallel_loop3A_614, %broadcast_in_dim3A_18, %broadcast_in_dim3A_16 : vector<16xi1>, vector<16xi32>
      %parallel_loop3A_617 = arith.cmpf ogt, %parallel_loop3A_609, %parallel_loop3A_606 : vector<16xf32>
      %parallel_loop3A_618 = arith.select %parallel_loop3A_617, %parallel_loop3A_609, %parallel_loop3A_606 : vector<16xi1>, vector<16xf32>
      %parallel_loop3A_619 = arith.select %parallel_loop3A_617, %parallel_loop3A_610, %parallel_loop3A_607 : vector<16xi1>, vector<16xi32>
      %parallel_loop3A_620 = arith.cmpf ogt, %parallel_loop3A_615, %parallel_loop3A_612 : vector<16xf32>
      %parallel_loop3A_621 = arith.select %parallel_loop3A_620, %parallel_loop3A_615, %parallel_loop3A_612 : vector<16xi1>, vector<16xf32>
      %parallel_loop3A_622 = arith.select %parallel_loop3A_620, %parallel_loop3A_616, %parallel_loop3A_613 : vector<16xi1>, vector<16xi32>
      %parallel_loop3A_623 = arith.cmpf ogt, %parallel_loop3A_621, %parallel_loop3A_618 : vector<16xf32>
      %parallel_loop3A_624 = arith.select %parallel_loop3A_623, %parallel_loop3A_622, %parallel_loop3A_619 : vector<16xi1>, vector<16xi32>
      %parallel_loop3A_625 = arith.index_cast %parallel_loop3A_572 : i32 to index
      %parallel_loop3A_626 = tpu.vector_load %arg7[%parallel_loop3A_625] {strides = array<i32>} : memref<4096xi32, #tpu.memory_space<vmem>>, vector<16xi32>,
      %parallel_loop3A_627 = arith.constant 8 : i32
      %parallel_loop3A_628 = vector.broadcast %parallel_loop3A_627 : i32 to vector<16xi32>
      %parallel_loop3A_629 = arith.muli %parallel_loop3A_626, %parallel_loop3A_628 : vector<16xi32>
      %parallel_loop3A_630 = arith.addi %parallel_loop3A_629, %parallel_loop3A_624 : vector<16xi32>
      %parallel_loop3A_631 = arith.addi %parallel_loop3A_630, %mul3A_3 : vector<16xi32>
      tpu.vector_store_idx %arg9[%parallel_loop3A_631], %broadcast_in_dim3A_20 {add = true} : memref<1024xi32, #tpu.memory_space<vmem>>[vector<16xi32>], vector<16xi32>,
    } {sc.loop_unroll_factor = 8 : i64, sc.parallel_access}
    %dma_wait3A_278 = arith.constant 0 : i32
    %dma_wait3A_279 = arith.constant 0 : i32
    %dma_wait3A_280 = tpu.memref_slice %arg6[%dma_wait3A_278, %dma_wait3A_279] : memref<8x4096xf32, #tpu.memory_space<vmem>> -> memref<8x4096xf32, #tpu.memory_space<vmem>>
    %dma_wait3A_281 = arith.constant 0 : i32
    %dma_wait3A_282 = tpu.memref_slice %arg2[%dma_wait3A_281, %add3A_258] : memref<8x1000000xf32, #tpu.memory_space<hbm>> -> memref<8x4096xf32, #tpu.memory_space<hbm>>
    %dma_wait3A_283 = arith.constant 0 : i32
    %dma_wait3A_284 = arith.constant 0 : i32
    %dma_wait3A_285 = tpu.memref_slice %arg6[%dma_wait3A_283, %dma_wait3A_284] : memref<8x4096xf32, #tpu.memory_space<vmem>> -> memref<8x4096xf32, #tpu.memory_space<vmem>>
    %dma_wait3A_286 = arith.constant 0 : i32
    %dma_wait3A_287 = tpu.memref_slice %arg2[%dma_wait3A_286, %add3A_258] : memref<8x1000000xf32, #tpu.memory_space<hbm>> -> memref<8x4096xf32, #tpu.memory_space<hbm>>
    tpu.wait_dma2 semaphore(%arg12 : memref<!tpu.dma_semaphore, #tpu.memory_space<semaphore_mem>>) src(%dma_wait3A_287 : memref<8x4096xf32, #tpu.memory_space<hbm>>) dst(%dma_wait3A_285 : memref<8x4096xf32, #tpu.memory_space<vmem>>)
    %dma_wait3A_288 = arith.constant 0 : i32
    %dma_wait3A_289 = tpu.memref_slice %arg8[%dma_wait3A_288] : memref<4096xi32, #tpu.memory_space<vmem>> -> memref<4096xi32, #tpu.memory_space<vmem>>
    %dma_wait3A_290 = tpu.memref_slice %arg3[%add3A_258] : memref<1000000xi32, #tpu.memory_space<hbm>> -> memref<4096xi32, #tpu.memory_space<hbm>>
    %dma_wait3A_291 = arith.constant 0 : i32
    %dma_wait3A_292 = tpu.memref_slice %arg8[%dma_wait3A_291] : memref<4096xi32, #tpu.memory_space<vmem>> -> memref<4096xi32, #tpu.memory_space<vmem>>
    %dma_wait3A_293 = tpu.memref_slice %arg3[%add3A_258] : memref<1000000xi32, #tpu.memory_space<hbm>> -> memref<4096xi32, #tpu.memory_space<hbm>>
    tpu.wait_dma2 semaphore(%arg14 : memref<!tpu.dma_semaphore, #tpu.memory_space<semaphore_mem>>) src(%dma_wait3A_293 : memref<4096xi32, #tpu.memory_space<hbm>>) dst(%dma_wait3A_292 : memref<4096xi32, #tpu.memory_space<vmem>>)
    %add3A_294 = arith.constant 16384 : i32
    %add3A_295 = arith.addi %mul3A_151, %add3A_294 : i32
    %dma_start3A_296 = arith.constant 0 : i32
    %dma_start3A_297 = arith.constant 0 : i32
    %dma_start3A_298 = tpu.memref_slice %arg5[%dma_start3A_296, %dma_start3A_297] : memref<8x4096xf32, #tpu.memory_space<vmem>> -> memref<8x4096xf32, #tpu.memory_space<vmem>>
    %dma_start3A_299 = arith.constant 0 : i32
    %dma_start3A_300 = tpu.memref_slice %arg2[%dma_start3A_299, %add3A_295] : memref<8x1000000xf32, #tpu.memory_space<hbm>> -> memref<8x4096xf32, #tpu.memory_space<hbm>>
    %dma_start3A_301 = arith.constant 0 : i32
    %dma_start3A_302 = arith.constant 0 : i32
    %dma_start3A_303 = tpu.memref_slice %arg5[%dma_start3A_301, %dma_start3A_302] : memref<8x4096xf32, #tpu.memory_space<vmem>> -> memref<8x4096xf32, #tpu.memory_space<vmem>>
    %dma_start3A_304 = arith.constant 0 : i32
    %dma_start3A_305 = tpu.memref_slice %arg2[%dma_start3A_304, %add3A_295] : memref<8x1000000xf32, #tpu.memory_space<hbm>> -> memref<8x4096xf32, #tpu.memory_space<hbm>>
    tpu.enqueue_dma source(%dma_start3A_305 : memref<8x4096xf32, #tpu.memory_space<hbm>>) target(%dma_start3A_303 : memref<8x4096xf32, #tpu.memory_space<vmem>>) target_semaphore(%arg11 : memref<!tpu.dma_semaphore, #tpu.memory_space<semaphore_mem>>)
    %dma_start3A_306 = arith.constant 0 : i32
    %dma_start3A_307 = tpu.memref_slice %arg7[%dma_start3A_306] : memref<4096xi32, #tpu.memory_space<vmem>> -> memref<4096xi32, #tpu.memory_space<vmem>>
    %dma_start3A_308 = tpu.memref_slice %arg3[%add3A_295] : memref<1000000xi32, #tpu.memory_space<hbm>> -> memref<4096xi32, #tpu.memory_space<hbm>>
    %dma_start3A_309 = arith.constant 0 : i32
    %dma_start3A_310 = tpu.memref_slice %arg7[%dma_start3A_309] : memref<4096xi32, #tpu.memory_space<vmem>> -> memref<4096xi32, #tpu.memory_space<vmem>>
    %dma_start3A_311 = tpu.memref_slice %arg3[%add3A_295] : memref<1000000xi32, #tpu.memory_space<hbm>> -> memref<4096xi32, #tpu.memory_space<hbm>>
    tpu.enqueue_dma source(%dma_start3A_311 : memref<4096xi32, #tpu.memory_space<hbm>>) target(%dma_start3A_310 : memref<4096xi32, #tpu.memory_space<vmem>>) target_semaphore(%arg13 : memref<!tpu.dma_semaphore, #tpu.memory_space<semaphore_mem>>)
    %parallel_loop3A_312 = arith.constant 0 : i32
    %parallel_loop3A_313 = arith.constant 256 : i32
    %parallel_loop3A_314 = arith.constant 1 : i32
    scf.for %parallel_loop3A_570 = %parallel_loop3A_312 to %parallel_loop3A_313 step %parallel_loop3A_314  : i32 {
      %parallel_loop3A_571 = arith.constant 16 : i32
      %parallel_loop3A_572 = arith.muli %parallel_loop3A_570, %parallel_loop3A_571 : i32
      %parallel_loop3A_573 = arith.constant 0 : i32
      %parallel_loop3A_574 = arith.index_cast %parallel_loop3A_573 : i32 to index
      %parallel_loop3A_575 = arith.index_cast %parallel_loop3A_572 : i32 to index
      %parallel_loop3A_576 = tpu.vector_load %arg6[%parallel_loop3A_574, %parallel_loop3A_575] {strides = array<i32>} : memref<8x4096xf32, #tpu.memory_space<vmem>>, vector<16xf32>,
      %parallel_loop3A_577 = arith.constant 1 : i32
      %parallel_loop3A_578 = arith.index_cast %parallel_loop3A_577 : i32 to index
      %parallel_loop3A_579 = arith.index_cast %parallel_loop3A_572 : i32 to index
      %parallel_loop3A_580 = tpu.vector_load %arg6[%parallel_loop3A_578, %parallel_loop3A_579] {strides = array<i32>} : memref<8x4096xf32, #tpu.memory_space<vmem>>, vector<16xf32>,
      %parallel_loop3A_581 = arith.constant 2 : i32
      %parallel_loop3A_582 = arith.index_cast %parallel_loop3A_581 : i32 to index
      %parallel_loop3A_583 = arith.index_cast %parallel_loop3A_572 : i32 to index
      %parallel_loop3A_584 = tpu.vector_load %arg6[%parallel_loop3A_582, %parallel_loop3A_583] {strides = array<i32>} : memref<8x4096xf32, #tpu.memory_space<vmem>>, vector<16xf32>,
      %parallel_loop3A_585 = arith.constant 3 : i32
      %parallel_loop3A_586 = arith.index_cast %parallel_loop3A_585 : i32 to index
      %parallel_loop3A_587 = arith.index_cast %parallel_loop3A_572 : i32 to index
      %parallel_loop3A_588 = tpu.vector_load %arg6[%parallel_loop3A_586, %parallel_loop3A_587] {strides = array<i32>} : memref<8x4096xf32, #tpu.memory_space<vmem>>, vector<16xf32>,
      %parallel_loop3A_589 = arith.constant 4 : i32
      %parallel_loop3A_590 = arith.index_cast %parallel_loop3A_589 : i32 to index
      %parallel_loop3A_591 = arith.index_cast %parallel_loop3A_572 : i32 to index
      %parallel_loop3A_592 = tpu.vector_load %arg6[%parallel_loop3A_590, %parallel_loop3A_591] {strides = array<i32>} : memref<8x4096xf32, #tpu.memory_space<vmem>>, vector<16xf32>,
      %parallel_loop3A_593 = arith.constant 5 : i32
      %parallel_loop3A_594 = arith.index_cast %parallel_loop3A_593 : i32 to index
      %parallel_loop3A_595 = arith.index_cast %parallel_loop3A_572 : i32 to index
      %parallel_loop3A_596 = tpu.vector_load %arg6[%parallel_loop3A_594, %parallel_loop3A_595] {strides = array<i32>} : memref<8x4096xf32, #tpu.memory_space<vmem>>, vector<16xf32>,
      %parallel_loop3A_597 = arith.constant 6 : i32
      %parallel_loop3A_598 = arith.index_cast %parallel_loop3A_597 : i32 to index
      %parallel_loop3A_599 = arith.index_cast %parallel_loop3A_572 : i32 to index
      %parallel_loop3A_600 = tpu.vector_load %arg6[%parallel_loop3A_598, %parallel_loop3A_599] {strides = array<i32>} : memref<8x4096xf32, #tpu.memory_space<vmem>>, vector<16xf32>,
      %parallel_loop3A_601 = arith.constant 7 : i32
      %parallel_loop3A_602 = arith.index_cast %parallel_loop3A_601 : i32 to index
      %parallel_loop3A_603 = arith.index_cast %parallel_loop3A_572 : i32 to index
      %parallel_loop3A_604 = tpu.vector_load %arg6[%parallel_loop3A_602, %parallel_loop3A_603] {strides = array<i32>} : memref<8x4096xf32, #tpu.memory_space<vmem>>, vector<16xf32>,
      %parallel_loop3A_605 = arith.cmpf ogt, %parallel_loop3A_580, %parallel_loop3A_576 : vector<16xf32>
      %parallel_loop3A_606 = arith.select %parallel_loop3A_605, %parallel_loop3A_580, %parallel_loop3A_576 : vector<16xi1>, vector<16xf32>
      %parallel_loop3A_607 = arith.select %parallel_loop3A_605, %broadcast_in_dim3A_6, %broadcast_in_dim3A_4 : vector<16xi1>, vector<16xi32>
      %parallel_loop3A_608 = arith.cmpf ogt, %parallel_loop3A_588, %parallel_loop3A_584 : vector<16xf32>
      %parallel_loop3A_609 = arith.select %parallel_loop3A_608, %parallel_loop3A_588, %parallel_loop3A_584 : vector<16xi1>, vector<16xf32>
      %parallel_loop3A_610 = arith.select %parallel_loop3A_608, %broadcast_in_dim3A_10, %broadcast_in_dim3A_8 : vector<16xi1>, vector<16xi32>
      %parallel_loop3A_611 = arith.cmpf ogt, %parallel_loop3A_596, %parallel_loop3A_592 : vector<16xf32>
      %parallel_loop3A_612 = arith.select %parallel_loop3A_611, %parallel_loop3A_596, %parallel_loop3A_592 : vector<16xi1>, vector<16xf32>
      %parallel_loop3A_613 = arith.select %parallel_loop3A_611, %broadcast_in_dim3A_14, %broadcast_in_dim3A_12 : vector<16xi1>, vector<16xi32>
      %parallel_loop3A_614 = arith.cmpf ogt, %parallel_loop3A_604, %parallel_loop3A_600 : vector<16xf32>
      %parallel_loop3A_615 = arith.select %parallel_loop3A_614, %parallel_loop3A_604, %parallel_loop3A_600 : vector<16xi1>, vector<16xf32>
      %parallel_loop3A_616 = arith.select %parallel_loop3A_614, %broadcast_in_dim3A_18, %broadcast_in_dim3A_16 : vector<16xi1>, vector<16xi32>
      %parallel_loop3A_617 = arith.cmpf ogt, %parallel_loop3A_609, %parallel_loop3A_606 : vector<16xf32>
      %parallel_loop3A_618 = arith.select %parallel_loop3A_617, %parallel_loop3A_609, %parallel_loop3A_606 : vector<16xi1>, vector<16xf32>
      %parallel_loop3A_619 = arith.select %parallel_loop3A_617, %parallel_loop3A_610, %parallel_loop3A_607 : vector<16xi1>, vector<16xi32>
      %parallel_loop3A_620 = arith.cmpf ogt, %parallel_loop3A_615, %parallel_loop3A_612 : vector<16xf32>
      %parallel_loop3A_621 = arith.select %parallel_loop3A_620, %parallel_loop3A_615, %parallel_loop3A_612 : vector<16xi1>, vector<16xf32>
      %parallel_loop3A_622 = arith.select %parallel_loop3A_620, %parallel_loop3A_616, %parallel_loop3A_613 : vector<16xi1>, vector<16xi32>
      %parallel_loop3A_623 = arith.cmpf ogt, %parallel_loop3A_621, %parallel_loop3A_618 : vector<16xf32>
      %parallel_loop3A_624 = arith.select %parallel_loop3A_623, %parallel_loop3A_622, %parallel_loop3A_619 : vector<16xi1>, vector<16xi32>
      %parallel_loop3A_625 = arith.index_cast %parallel_loop3A_572 : i32 to index
      %parallel_loop3A_626 = tpu.vector_load %arg8[%parallel_loop3A_625] {strides = array<i32>} : memref<4096xi32, #tpu.memory_space<vmem>>, vector<16xi32>,
      %parallel_loop3A_627 = arith.constant 8 : i32
      %parallel_loop3A_628 = vector.broadcast %parallel_loop3A_627 : i32 to vector<16xi32>
      %parallel_loop3A_629 = arith.muli %parallel_loop3A_626, %parallel_loop3A_628 : vector<16xi32>
      %parallel_loop3A_630 = arith.addi %parallel_loop3A_629, %parallel_loop3A_624 : vector<16xi32>
      %parallel_loop3A_631 = arith.addi %parallel_loop3A_630, %mul3A_3 : vector<16xi32>
      tpu.vector_store_idx %arg9[%parallel_loop3A_631], %broadcast_in_dim3A_20 {add = true} : memref<1024xi32, #tpu.memory_space<vmem>>[vector<16xi32>], vector<16xi32>,
    } {sc.loop_unroll_factor = 8 : i64, sc.parallel_access}
    %dma_wait3A_315 = arith.constant 0 : i32
    %dma_wait3A_316 = arith.constant 0 : i32
    %dma_wait3A_317 = tpu.memref_slice %arg5[%dma_wait3A_315, %dma_wait3A_316] : memref<8x4096xf32, #tpu.memory_space<vmem>> -> memref<8x4096xf32, #tpu.memory_space<vmem>>
    %dma_wait3A_318 = arith.constant 0 : i32
    %dma_wait3A_319 = tpu.memref_slice %arg2[%dma_wait3A_318, %add3A_295] : memref<8x1000000xf32, #tpu.memory_space<hbm>> -> memref<8x4096xf32, #tpu.memory_space<hbm>>
    %dma_wait3A_320 = arith.constant 0 : i32
    %dma_wait3A_321 = arith.constant 0 : i32
    %dma_wait3A_322 = tpu.memref_slice %arg5[%dma_wait3A_320, %dma_wait3A_321] : memref<8x4096xf32, #tpu.memory_space<vmem>> -> memref<8x4096xf32, #tpu.memory_space<vmem>>
    %dma_wait3A_323 = arith.constant 0 : i32
    %dma_wait3A_324 = tpu.memref_slice %arg2[%dma_wait3A_323, %add3A_295] : memref<8x1000000xf32, #tpu.memory_space<hbm>> -> memref<8x4096xf32, #tpu.memory_space<hbm>>
    tpu.wait_dma2 semaphore(%arg11 : memref<!tpu.dma_semaphore, #tpu.memory_space<semaphore_mem>>) src(%dma_wait3A_324 : memref<8x4096xf32, #tpu.memory_space<hbm>>) dst(%dma_wait3A_322 : memref<8x4096xf32, #tpu.memory_space<vmem>>)
    %dma_wait3A_325 = arith.constant 0 : i32
    %dma_wait3A_326 = tpu.memref_slice %arg7[%dma_wait3A_325] : memref<4096xi32, #tpu.memory_space<vmem>> -> memref<4096xi32, #tpu.memory_space<vmem>>
    %dma_wait3A_327 = tpu.memref_slice %arg3[%add3A_295] : memref<1000000xi32, #tpu.memory_space<hbm>> -> memref<4096xi32, #tpu.memory_space<hbm>>
    %dma_wait3A_328 = arith.constant 0 : i32
    %dma_wait3A_329 = tpu.memref_slice %arg7[%dma_wait3A_328] : memref<4096xi32, #tpu.memory_space<vmem>> -> memref<4096xi32, #tpu.memory_space<vmem>>
    %dma_wait3A_330 = tpu.memref_slice %arg3[%add3A_295] : memref<1000000xi32, #tpu.memory_space<hbm>> -> memref<4096xi32, #tpu.memory_space<hbm>>
    tpu.wait_dma2 semaphore(%arg13 : memref<!tpu.dma_semaphore, #tpu.memory_space<semaphore_mem>>) src(%dma_wait3A_330 : memref<4096xi32, #tpu.memory_space<hbm>>) dst(%dma_wait3A_329 : memref<4096xi32, #tpu.memory_space<vmem>>)
    %add3A_331 = arith.constant 20480 : i32
    %add3A_332 = arith.addi %mul3A_151, %add3A_331 : i32
    %dma_start3A_333 = arith.constant 0 : i32
    %dma_start3A_334 = arith.constant 0 : i32
    %dma_start3A_335 = tpu.memref_slice %arg6[%dma_start3A_333, %dma_start3A_334] : memref<8x4096xf32, #tpu.memory_space<vmem>> -> memref<8x2048xf32, #tpu.memory_space<vmem>>
    %dma_start3A_336 = arith.constant 0 : i32
    %dma_start3A_337 = tpu.memref_slice %arg2[%dma_start3A_336, %add3A_332] : memref<8x1000000xf32, #tpu.memory_space<hbm>> -> memref<8x2048xf32, #tpu.memory_space<hbm>>
    %dma_start3A_338 = arith.constant 0 : i32
    %dma_start3A_339 = arith.constant 0 : i32
    %dma_start3A_340 = tpu.memref_slice %arg6[%dma_start3A_338, %dma_start3A_339] : memref<8x4096xf32, #tpu.memory_space<vmem>> -> memref<8x2048xf32, #tpu.memory_space<vmem>>
    %dma_start3A_341 = arith.constant 0 : i32
    %dma_start3A_342 = tpu.memref_slice %arg2[%dma_start3A_341, %add3A_332] : memref<8x1000000xf32, #tpu.memory_space<hbm>> -> memref<8x2048xf32, #tpu.memory_space<hbm>>
    tpu.enqueue_dma source(%dma_start3A_342 : memref<8x2048xf32, #tpu.memory_space<hbm>>) target(%dma_start3A_340 : memref<8x2048xf32, #tpu.memory_space<vmem>>) target_semaphore(%arg12 : memref<!tpu.dma_semaphore, #tpu.memory_space<semaphore_mem>>)
    %dma_start3A_343 = arith.constant 0 : i32
    %dma_start3A_344 = tpu.memref_slice %arg8[%dma_start3A_343] : memref<4096xi32, #tpu.memory_space<vmem>> -> memref<2048xi32, #tpu.memory_space<vmem>>
    %dma_start3A_345 = tpu.memref_slice %arg3[%add3A_332] : memref<1000000xi32, #tpu.memory_space<hbm>> -> memref<2048xi32, #tpu.memory_space<hbm>>
    %dma_start3A_346 = arith.constant 0 : i32
    %dma_start3A_347 = tpu.memref_slice %arg8[%dma_start3A_346] : memref<4096xi32, #tpu.memory_space<vmem>> -> memref<2048xi32, #tpu.memory_space<vmem>>
    %dma_start3A_348 = tpu.memref_slice %arg3[%add3A_332] : memref<1000000xi32, #tpu.memory_space<hbm>> -> memref<2048xi32, #tpu.memory_space<hbm>>
    tpu.enqueue_dma source(%dma_start3A_348 : memref<2048xi32, #tpu.memory_space<hbm>>) target(%dma_start3A_347 : memref<2048xi32, #tpu.memory_space<vmem>>) target_semaphore(%arg14 : memref<!tpu.dma_semaphore, #tpu.memory_space<semaphore_mem>>)
    %parallel_loop3A_349 = arith.constant 0 : i32
    %parallel_loop3A_350 = arith.constant 256 : i32
    %parallel_loop3A_351 = arith.constant 1 : i32
    scf.for %parallel_loop3A_570 = %parallel_loop3A_349 to %parallel_loop3A_350 step %parallel_loop3A_351  : i32 {
      %parallel_loop3A_571 = arith.constant 16 : i32
      %parallel_loop3A_572 = arith.muli %parallel_loop3A_570, %parallel_loop3A_571 : i32
      %parallel_loop3A_573 = arith.constant 0 : i32
      %parallel_loop3A_574 = arith.index_cast %parallel_loop3A_573 : i32 to index
      %parallel_loop3A_575 = arith.index_cast %parallel_loop3A_572 : i32 to index
      %parallel_loop3A_576 = tpu.vector_load %arg5[%parallel_loop3A_574, %parallel_loop3A_575] {strides = array<i32>} : memref<8x4096xf32, #tpu.memory_space<vmem>>, vector<16xf32>,
      %parallel_loop3A_577 = arith.constant 1 : i32
      %parallel_loop3A_578 = arith.index_cast %parallel_loop3A_577 : i32 to index
      %parallel_loop3A_579 = arith.index_cast %parallel_loop3A_572 : i32 to index
      %parallel_loop3A_580 = tpu.vector_load %arg5[%parallel_loop3A_578, %parallel_loop3A_579] {strides = array<i32>} : memref<8x4096xf32, #tpu.memory_space<vmem>>, vector<16xf32>,
      %parallel_loop3A_581 = arith.constant 2 : i32
      %parallel_loop3A_582 = arith.index_cast %parallel_loop3A_581 : i32 to index
      %parallel_loop3A_583 = arith.index_cast %parallel_loop3A_572 : i32 to index
      %parallel_loop3A_584 = tpu.vector_load %arg5[%parallel_loop3A_582, %parallel_loop3A_583] {strides = array<i32>} : memref<8x4096xf32, #tpu.memory_space<vmem>>, vector<16xf32>,
      %parallel_loop3A_585 = arith.constant 3 : i32
      %parallel_loop3A_586 = arith.index_cast %parallel_loop3A_585 : i32 to index
      %parallel_loop3A_587 = arith.index_cast %parallel_loop3A_572 : i32 to index
      %parallel_loop3A_588 = tpu.vector_load %arg5[%parallel_loop3A_586, %parallel_loop3A_587] {strides = array<i32>} : memref<8x4096xf32, #tpu.memory_space<vmem>>, vector<16xf32>,
      %parallel_loop3A_589 = arith.constant 4 : i32
      %parallel_loop3A_590 = arith.index_cast %parallel_loop3A_589 : i32 to index
      %parallel_loop3A_591 = arith.index_cast %parallel_loop3A_572 : i32 to index
      %parallel_loop3A_592 = tpu.vector_load %arg5[%parallel_loop3A_590, %parallel_loop3A_591] {strides = array<i32>} : memref<8x4096xf32, #tpu.memory_space<vmem>>, vector<16xf32>,
      %parallel_loop3A_593 = arith.constant 5 : i32
      %parallel_loop3A_594 = arith.index_cast %parallel_loop3A_593 : i32 to index
      %parallel_loop3A_595 = arith.index_cast %parallel_loop3A_572 : i32 to index
      %parallel_loop3A_596 = tpu.vector_load %arg5[%parallel_loop3A_594, %parallel_loop3A_595] {strides = array<i32>} : memref<8x4096xf32, #tpu.memory_space<vmem>>, vector<16xf32>,
      %parallel_loop3A_597 = arith.constant 6 : i32
      %parallel_loop3A_598 = arith.index_cast %parallel_loop3A_597 : i32 to index
      %parallel_loop3A_599 = arith.index_cast %parallel_loop3A_572 : i32 to index
      %parallel_loop3A_600 = tpu.vector_load %arg5[%parallel_loop3A_598, %parallel_loop3A_599] {strides = array<i32>} : memref<8x4096xf32, #tpu.memory_space<vmem>>, vector<16xf32>,
      %parallel_loop3A_601 = arith.constant 7 : i32
      %parallel_loop3A_602 = arith.index_cast %parallel_loop3A_601 : i32 to index
      %parallel_loop3A_603 = arith.index_cast %parallel_loop3A_572 : i32 to index
      %parallel_loop3A_604 = tpu.vector_load %arg5[%parallel_loop3A_602, %parallel_loop3A_603] {strides = array<i32>} : memref<8x4096xf32, #tpu.memory_space<vmem>>, vector<16xf32>,
      %parallel_loop3A_605 = arith.cmpf ogt, %parallel_loop3A_580, %parallel_loop3A_576 : vector<16xf32>
      %parallel_loop3A_606 = arith.select %parallel_loop3A_605, %parallel_loop3A_580, %parallel_loop3A_576 : vector<16xi1>, vector<16xf32>
      %parallel_loop3A_607 = arith.select %parallel_loop3A_605, %broadcast_in_dim3A_6, %broadcast_in_dim3A_4 : vector<16xi1>, vector<16xi32>
      %parallel_loop3A_608 = arith.cmpf ogt, %parallel_loop3A_588, %parallel_loop3A_584 : vector<16xf32>
      %parallel_loop3A_609 = arith.select %parallel_loop3A_608, %parallel_loop3A_588, %parallel_loop3A_584 : vector<16xi1>, vector<16xf32>
      %parallel_loop3A_610 = arith.select %parallel_loop3A_608, %broadcast_in_dim3A_10, %broadcast_in_dim3A_8 : vector<16xi1>, vector<16xi32>
      %parallel_loop3A_611 = arith.cmpf ogt, %parallel_loop3A_596, %parallel_loop3A_592 : vector<16xf32>
      %parallel_loop3A_612 = arith.select %parallel_loop3A_611, %parallel_loop3A_596, %parallel_loop3A_592 : vector<16xi1>, vector<16xf32>
      %parallel_loop3A_613 = arith.select %parallel_loop3A_611, %broadcast_in_dim3A_14, %broadcast_in_dim3A_12 : vector<16xi1>, vector<16xi32>
      %parallel_loop3A_614 = arith.cmpf ogt, %parallel_loop3A_604, %parallel_loop3A_600 : vector<16xf32>
      %parallel_loop3A_615 = arith.select %parallel_loop3A_614, %parallel_loop3A_604, %parallel_loop3A_600 : vector<16xi1>, vector<16xf32>
      %parallel_loop3A_616 = arith.select %parallel_loop3A_614, %broadcast_in_dim3A_18, %broadcast_in_dim3A_16 : vector<16xi1>, vector<16xi32>
      %parallel_loop3A_617 = arith.cmpf ogt, %parallel_loop3A_609, %parallel_loop3A_606 : vector<16xf32>
      %parallel_loop3A_618 = arith.select %parallel_loop3A_617, %parallel_loop3A_609, %parallel_loop3A_606 : vector<16xi1>, vector<16xf32>
      %parallel_loop3A_619 = arith.select %parallel_loop3A_617, %parallel_loop3A_610, %parallel_loop3A_607 : vector<16xi1>, vector<16xi32>
      %parallel_loop3A_620 = arith.cmpf ogt, %parallel_loop3A_615, %parallel_loop3A_612 : vector<16xf32>
      %parallel_loop3A_621 = arith.select %parallel_loop3A_620, %parallel_loop3A_615, %parallel_loop3A_612 : vector<16xi1>, vector<16xf32>
      %parallel_loop3A_622 = arith.select %parallel_loop3A_620, %parallel_loop3A_616, %parallel_loop3A_613 : vector<16xi1>, vector<16xi32>
      %parallel_loop3A_623 = arith.cmpf ogt, %parallel_loop3A_621, %parallel_loop3A_618 : vector<16xf32>
      %parallel_loop3A_624 = arith.select %parallel_loop3A_623, %parallel_loop3A_622, %parallel_loop3A_619 : vector<16xi1>, vector<16xi32>
      %parallel_loop3A_625 = arith.index_cast %parallel_loop3A_572 : i32 to index
      %parallel_loop3A_626 = tpu.vector_load %arg7[%parallel_loop3A_625] {strides = array<i32>} : memref<4096xi32, #tpu.memory_space<vmem>>, vector<16xi32>,
      %parallel_loop3A_627 = arith.constant 8 : i32
      %parallel_loop3A_628 = vector.broadcast %parallel_loop3A_627 : i32 to vector<16xi32>
      %parallel_loop3A_629 = arith.muli %parallel_loop3A_626, %parallel_loop3A_628 : vector<16xi32>
      %parallel_loop3A_630 = arith.addi %parallel_loop3A_629, %parallel_loop3A_624 : vector<16xi32>
      %parallel_loop3A_631 = arith.addi %parallel_loop3A_630, %mul3A_3 : vector<16xi32>
      tpu.vector_store_idx %arg9[%parallel_loop3A_631], %broadcast_in_dim3A_20 {add = true} : memref<1024xi32, #tpu.memory_space<vmem>>[vector<16xi32>], vector<16xi32>,
    } {sc.loop_unroll_factor = 8 : i64, sc.parallel_access}
    %dma_wait3A_352 = arith.constant 0 : i32
    %dma_wait3A_353 = arith.constant 0 : i32
    %dma_wait3A_354 = tpu.memref_slice %arg6[%dma_wait3A_352, %dma_wait3A_353] : memref<8x4096xf32, #tpu.memory_space<vmem>> -> memref<8x2048xf32, #tpu.memory_space<vmem>>
    %dma_wait3A_355 = arith.constant 0 : i32
    %dma_wait3A_356 = tpu.memref_slice %arg2[%dma_wait3A_355, %add3A_332] : memref<8x1000000xf32, #tpu.memory_space<hbm>> -> memref<8x2048xf32, #tpu.memory_space<hbm>>
    %dma_wait3A_357 = arith.constant 0 : i32
    %dma_wait3A_358 = arith.constant 0 : i32
    %dma_wait3A_359 = tpu.memref_slice %arg6[%dma_wait3A_357, %dma_wait3A_358] : memref<8x4096xf32, #tpu.memory_space<vmem>> -> memref<8x2048xf32, #tpu.memory_space<vmem>>
    %dma_wait3A_360 = arith.constant 0 : i32
    %dma_wait3A_361 = tpu.memref_slice %arg2[%dma_wait3A_360, %add3A_332] : memref<8x1000000xf32, #tpu.memory_space<hbm>> -> memref<8x2048xf32, #tpu.memory_space<hbm>>
    tpu.wait_dma2 semaphore(%arg12 : memref<!tpu.dma_semaphore, #tpu.memory_space<semaphore_mem>>) src(%dma_wait3A_361 : memref<8x2048xf32, #tpu.memory_space<hbm>>) dst(%dma_wait3A_359 : memref<8x2048xf32, #tpu.memory_space<vmem>>)
    %dma_wait3A_362 = arith.constant 0 : i32
    %dma_wait3A_363 = tpu.memref_slice %arg8[%dma_wait3A_362] : memref<4096xi32, #tpu.memory_space<vmem>> -> memref<2048xi32, #tpu.memory_space<vmem>>
    %dma_wait3A_364 = tpu.memref_slice %arg3[%add3A_332] : memref<1000000xi32, #tpu.memory_space<hbm>> -> memref<2048xi32, #tpu.memory_space<hbm>>
    %dma_wait3A_365 = arith.constant 0 : i32
    %dma_wait3A_366 = tpu.memref_slice %arg8[%dma_wait3A_365] : memref<4096xi32, #tpu.memory_space<vmem>> -> memref<2048xi32, #tpu.memory_space<vmem>>
    %dma_wait3A_367 = tpu.memref_slice %arg3[%add3A_332] : memref<1000000xi32, #tpu.memory_space<hbm>> -> memref<2048xi32, #tpu.memory_space<hbm>>
    tpu.wait_dma2 semaphore(%arg14 : memref<!tpu.dma_semaphore, #tpu.memory_space<semaphore_mem>>) src(%dma_wait3A_367 : memref<2048xi32, #tpu.memory_space<hbm>>) dst(%dma_wait3A_366 : memref<2048xi32, #tpu.memory_space<vmem>>)
    %parallel_loop3A_368 = arith.constant 0 : i32
    %parallel_loop3A_369 = arith.constant 128 : i32
    %parallel_loop3A_370 = arith.constant 1 : i32
    scf.for %parallel_loop3A_570 = %parallel_loop3A_368 to %parallel_loop3A_369 step %parallel_loop3A_370  : i32 {
      %parallel_loop3A_571 = arith.constant 16 : i32
      %parallel_loop3A_572 = arith.muli %parallel_loop3A_570, %parallel_loop3A_571 : i32
      %parallel_loop3A_573 = arith.constant 0 : i32
      %parallel_loop3A_574 = arith.index_cast %parallel_loop3A_573 : i32 to index
      %parallel_loop3A_575 = arith.index_cast %parallel_loop3A_572 : i32 to index
      %parallel_loop3A_576 = tpu.vector_load %arg6[%parallel_loop3A_574, %parallel_loop3A_575] {strides = array<i32>} : memref<8x4096xf32, #tpu.memory_space<vmem>>, vector<16xf32>,
      %parallel_loop3A_577 = arith.constant 1 : i32
      %parallel_loop3A_578 = arith.index_cast %parallel_loop3A_577 : i32 to index
      %parallel_loop3A_579 = arith.index_cast %parallel_loop3A_572 : i32 to index
      %parallel_loop3A_580 = tpu.vector_load %arg6[%parallel_loop3A_578, %parallel_loop3A_579] {strides = array<i32>} : memref<8x4096xf32, #tpu.memory_space<vmem>>, vector<16xf32>,
      %parallel_loop3A_581 = arith.constant 2 : i32
      %parallel_loop3A_582 = arith.index_cast %parallel_loop3A_581 : i32 to index
      %parallel_loop3A_583 = arith.index_cast %parallel_loop3A_572 : i32 to index
      %parallel_loop3A_584 = tpu.vector_load %arg6[%parallel_loop3A_582, %parallel_loop3A_583] {strides = array<i32>} : memref<8x4096xf32, #tpu.memory_space<vmem>>, vector<16xf32>,
      %parallel_loop3A_585 = arith.constant 3 : i32
      %parallel_loop3A_586 = arith.index_cast %parallel_loop3A_585 : i32 to index
      %parallel_loop3A_587 = arith.index_cast %parallel_loop3A_572 : i32 to index
      %parallel_loop3A_588 = tpu.vector_load %arg6[%parallel_loop3A_586, %parallel_loop3A_587] {strides = array<i32>} : memref<8x4096xf32, #tpu.memory_space<vmem>>, vector<16xf32>,
      %parallel_loop3A_589 = arith.constant 4 : i32
      %parallel_loop3A_590 = arith.index_cast %parallel_loop3A_589 : i32 to index
      %parallel_loop3A_591 = arith.index_cast %parallel_loop3A_572 : i32 to index
      %parallel_loop3A_592 = tpu.vector_load %arg6[%parallel_loop3A_590, %parallel_loop3A_591] {strides = array<i32>} : memref<8x4096xf32, #tpu.memory_space<vmem>>, vector<16xf32>,
      %parallel_loop3A_593 = arith.constant 5 : i32
      %parallel_loop3A_594 = arith.index_cast %parallel_loop3A_593 : i32 to index
      %parallel_loop3A_595 = arith.index_cast %parallel_loop3A_572 : i32 to index
      %parallel_loop3A_596 = tpu.vector_load %arg6[%parallel_loop3A_594, %parallel_loop3A_595] {strides = array<i32>} : memref<8x4096xf32, #tpu.memory_space<vmem>>, vector<16xf32>,
      %parallel_loop3A_597 = arith.constant 6 : i32
      %parallel_loop3A_598 = arith.index_cast %parallel_loop3A_597 : i32 to index
      %parallel_loop3A_599 = arith.index_cast %parallel_loop3A_572 : i32 to index
      %parallel_loop3A_600 = tpu.vector_load %arg6[%parallel_loop3A_598, %parallel_loop3A_599] {strides = array<i32>} : memref<8x4096xf32, #tpu.memory_space<vmem>>, vector<16xf32>,
      %parallel_loop3A_601 = arith.constant 7 : i32
      %parallel_loop3A_602 = arith.index_cast %parallel_loop3A_601 : i32 to index
      %parallel_loop3A_603 = arith.index_cast %parallel_loop3A_572 : i32 to index
      %parallel_loop3A_604 = tpu.vector_load %arg6[%parallel_loop3A_602, %parallel_loop3A_603] {strides = array<i32>} : memref<8x4096xf32, #tpu.memory_space<vmem>>, vector<16xf32>,
      %parallel_loop3A_605 = arith.cmpf ogt, %parallel_loop3A_580, %parallel_loop3A_576 : vector<16xf32>
      %parallel_loop3A_606 = arith.select %parallel_loop3A_605, %parallel_loop3A_580, %parallel_loop3A_576 : vector<16xi1>, vector<16xf32>
      %parallel_loop3A_607 = arith.select %parallel_loop3A_605, %broadcast_in_dim3A_6, %broadcast_in_dim3A_4 : vector<16xi1>, vector<16xi32>
      %parallel_loop3A_608 = arith.cmpf ogt, %parallel_loop3A_588, %parallel_loop3A_584 : vector<16xf32>
      %parallel_loop3A_609 = arith.select %parallel_loop3A_608, %parallel_loop3A_588, %parallel_loop3A_584 : vector<16xi1>, vector<16xf32>
      %parallel_loop3A_610 = arith.select %parallel_loop3A_608, %broadcast_in_dim3A_10, %broadcast_in_dim3A_8 : vector<16xi1>, vector<16xi32>
      %parallel_loop3A_611 = arith.cmpf ogt, %parallel_loop3A_596, %parallel_loop3A_592 : vector<16xf32>
      %parallel_loop3A_612 = arith.select %parallel_loop3A_611, %parallel_loop3A_596, %parallel_loop3A_592 : vector<16xi1>, vector<16xf32>
      %parallel_loop3A_613 = arith.select %parallel_loop3A_611, %broadcast_in_dim3A_14, %broadcast_in_dim3A_12 : vector<16xi1>, vector<16xi32>
      %parallel_loop3A_614 = arith.cmpf ogt, %parallel_loop3A_604, %parallel_loop3A_600 : vector<16xf32>
      %parallel_loop3A_615 = arith.select %parallel_loop3A_614, %parallel_loop3A_604, %parallel_loop3A_600 : vector<16xi1>, vector<16xf32>
      %parallel_loop3A_616 = arith.select %parallel_loop3A_614, %broadcast_in_dim3A_18, %broadcast_in_dim3A_16 : vector<16xi1>, vector<16xi32>
      %parallel_loop3A_617 = arith.cmpf ogt, %parallel_loop3A_609, %parallel_loop3A_606 : vector<16xf32>
      %parallel_loop3A_618 = arith.select %parallel_loop3A_617, %parallel_loop3A_609, %parallel_loop3A_606 : vector<16xi1>, vector<16xf32>
      %parallel_loop3A_619 = arith.select %parallel_loop3A_617, %parallel_loop3A_610, %parallel_loop3A_607 : vector<16xi1>, vector<16xi32>
      %parallel_loop3A_620 = arith.cmpf ogt, %parallel_loop3A_615, %parallel_loop3A_612 : vector<16xf32>
      %parallel_loop3A_621 = arith.select %parallel_loop3A_620, %parallel_loop3A_615, %parallel_loop3A_612 : vector<16xi1>, vector<16xf32>
      %parallel_loop3A_622 = arith.select %parallel_loop3A_620, %parallel_loop3A_616, %parallel_loop3A_613 : vector<16xi1>, vector<16xi32>
      %parallel_loop3A_623 = arith.cmpf ogt, %parallel_loop3A_621, %parallel_loop3A_618 : vector<16xf32>
      %parallel_loop3A_624 = arith.select %parallel_loop3A_623, %parallel_loop3A_622, %parallel_loop3A_619 : vector<16xi1>, vector<16xi32>
      %parallel_loop3A_625 = arith.index_cast %parallel_loop3A_572 : i32 to index
      %parallel_loop3A_626 = tpu.vector_load %arg8[%parallel_loop3A_625] {strides = array<i32>} : memref<4096xi32, #tpu.memory_space<vmem>>, vector<16xi32>,
      %parallel_loop3A_627 = arith.constant 8 : i32
      %parallel_loop3A_628 = vector.broadcast %parallel_loop3A_627 : i32 to vector<16xi32>
      %parallel_loop3A_629 = arith.muli %parallel_loop3A_626, %parallel_loop3A_628 : vector<16xi32>
      %parallel_loop3A_630 = arith.addi %parallel_loop3A_629, %parallel_loop3A_624 : vector<16xi32>
      %parallel_loop3A_631 = arith.addi %parallel_loop3A_630, %mul3A_3 : vector<16xi32>
      tpu.vector_store_idx %arg9[%parallel_loop3A_631], %broadcast_in_dim3A_20 {add = true} : memref<1024xi32, #tpu.memory_space<vmem>>[vector<16xi32>], vector<16xi32>,
    } {sc.loop_unroll_factor = 8 : i64, sc.parallel_access}
    %get3A = arith.constant 0 : index
    %get3A_371 = tpu.vector_load %arg9[%get3A] {strides = array<i32>} : memref<1024xi32, #tpu.memory_space<vmem>>, vector<16xi32>,
    %add3A_372 = arith.addi %broadcast_in_dim3A_22, %get3A_371 : vector<16xi32>
    %get3A_373 = arith.constant 64 : index
    %get3A_374 = tpu.vector_load %arg9[%get3A_373] {strides = array<i32>} : memref<1024xi32, #tpu.memory_space<vmem>>, vector<16xi32>,
    %add3A_375 = arith.addi %add3A_372, %get3A_374 : vector<16xi32>
    %get3A_376 = arith.constant 128 : index
    %get3A_377 = tpu.vector_load %arg9[%get3A_376] {strides = array<i32>} : memref<1024xi32, #tpu.memory_space<vmem>>, vector<16xi32>,
    %add3A_378 = arith.addi %add3A_375, %get3A_377 : vector<16xi32>
    %get3A_379 = arith.constant 192 : index
    %get3A_380 = tpu.vector_load %arg9[%get3A_379] {strides = array<i32>} : memref<1024xi32, #tpu.memory_space<vmem>>, vector<16xi32>,
    %add3A_381 = arith.addi %add3A_378, %get3A_380 : vector<16xi32>
    %get3A_382 = arith.constant 256 : index
    %get3A_383 = tpu.vector_load %arg9[%get3A_382] {strides = array<i32>} : memref<1024xi32, #tpu.memory_space<vmem>>, vector<16xi32>,
    %add3A_384 = arith.addi %add3A_381, %get3A_383 : vector<16xi32>
    %get3A_385 = arith.constant 320 : index
    %get3A_386 = tpu.vector_load %arg9[%get3A_385] {strides = array<i32>} : memref<1024xi32, #tpu.memory_space<vmem>>, vector<16xi32>,
    %add3A_387 = arith.addi %add3A_384, %get3A_386 : vector<16xi32>
    %get3A_388 = arith.constant 384 : index
    %get3A_389 = tpu.vector_load %arg9[%get3A_388] {strides = array<i32>} : memref<1024xi32, #tpu.memory_space<vmem>>, vector<16xi32>,
    %add3A_390 = arith.addi %add3A_387, %get3A_389 : vector<16xi32>
    %get3A_391 = arith.constant 448 : index
    %get3A_392 = tpu.vector_load %arg9[%get3A_391] {strides = array<i32>} : memref<1024xi32, #tpu.memory_space<vmem>>, vector<16xi32>,
    %add3A_393 = arith.addi %add3A_390, %get3A_392 : vector<16xi32>
    %get3A_394 = arith.constant 512 : index
    %get3A_395 = tpu.vector_load %arg9[%get3A_394] {strides = array<i32>} : memref<1024xi32, #tpu.memory_space<vmem>>, vector<16xi32>,
    %add3A_396 = arith.addi %add3A_393, %get3A_395 : vector<16xi32>
    %get3A_397 = arith.constant 576 : index
    %get3A_398 = tpu.vector_load %arg9[%get3A_397] {strides = array<i32>} : memref<1024xi32, #tpu.memory_space<vmem>>, vector<16xi32>,
    %add3A_399 = arith.addi %add3A_396, %get3A_398 : vector<16xi32>
    %get3A_400 = arith.constant 640 : index
    %get3A_401 = tpu.vector_load %arg9[%get3A_400] {strides = array<i32>} : memref<1024xi32, #tpu.memory_space<vmem>>, vector<16xi32>,
    %add3A_402 = arith.addi %add3A_399, %get3A_401 : vector<16xi32>
    %get3A_403 = arith.constant 704 : index
    %get3A_404 = tpu.vector_load %arg9[%get3A_403] {strides = array<i32>} : memref<1024xi32, #tpu.memory_space<vmem>>, vector<16xi32>,
    %add3A_405 = arith.addi %add3A_402, %get3A_404 : vector<16xi32>
    %get3A_406 = arith.constant 768 : index
    %get3A_407 = tpu.vector_load %arg9[%get3A_406] {strides = array<i32>} : memref<1024xi32, #tpu.memory_space<vmem>>, vector<16xi32>,
    %add3A_408 = arith.addi %add3A_405, %get3A_407 : vector<16xi32>
    %get3A_409 = arith.constant 832 : index
    %get3A_410 = tpu.vector_load %arg9[%get3A_409] {strides = array<i32>} : memref<1024xi32, #tpu.memory_space<vmem>>, vector<16xi32>,
    %add3A_411 = arith.addi %add3A_408, %get3A_410 : vector<16xi32>
    %get3A_412 = arith.constant 896 : index
    %get3A_413 = tpu.vector_load %arg9[%get3A_412] {strides = array<i32>} : memref<1024xi32, #tpu.memory_space<vmem>>, vector<16xi32>,
    %add3A_414 = arith.addi %add3A_411, %get3A_413 : vector<16xi32>
    %get3A_415 = arith.constant 960 : index
    %get3A_416 = tpu.vector_load %arg9[%get3A_415] {strides = array<i32>} : memref<1024xi32, #tpu.memory_space<vmem>>, vector<16xi32>,
    %add3A_417 = arith.addi %add3A_414, %get3A_416 : vector<16xi32>
    %swap3A_418 = arith.constant 0 : index
    %swap3A_419 = tpu.vector_load %arg10[%swap3A_418] {strides = array<i32>} : memref<64xi32, #tpu.memory_space<vmem>>, vector<16xi32>,
    tpu.vector_store %arg10[%swap3A_418], %add3A_417 {strides = array<i32>} : memref<64xi32, #tpu.memory_space<vmem>>, vector<16xi32>,
    %get3A_420 = arith.constant 16 : index
    %get3A_421 = tpu.vector_load %arg9[%get3A_420] {strides = array<i32>} : memref<1024xi32, #tpu.memory_space<vmem>>, vector<16xi32>,
    %add3A_422 = arith.addi %broadcast_in_dim3A_22, %get3A_421 : vector<16xi32>
    %get3A_423 = arith.constant 80 : index
    %get3A_424 = tpu.vector_load %arg9[%get3A_423] {strides = array<i32>} : memref<1024xi32, #tpu.memory_space<vmem>>, vector<16xi32>,
    %add3A_425 = arith.addi %add3A_422, %get3A_424 : vector<16xi32>
    %get3A_426 = arith.constant 144 : index
    %get3A_427 = tpu.vector_load %arg9[%get3A_426] {strides = array<i32>} : memref<1024xi32, #tpu.memory_space<vmem>>, vector<16xi32>,
    %add3A_428 = arith.addi %add3A_425, %get3A_427 : vector<16xi32>
    %get3A_429 = arith.constant 208 : index
    %get3A_430 = tpu.vector_load %arg9[%get3A_429] {strides = array<i32>} : memref<1024xi32, #tpu.memory_space<vmem>>, vector<16xi32>,
    %add3A_431 = arith.addi %add3A_428, %get3A_430 : vector<16xi32>
    %get3A_432 = arith.constant 272 : index
    %get3A_433 = tpu.vector_load %arg9[%get3A_432] {strides = array<i32>} : memref<1024xi32, #tpu.memory_space<vmem>>, vector<16xi32>,
    %add3A_434 = arith.addi %add3A_431, %get3A_433 : vector<16xi32>
    %get3A_435 = arith.constant 336 : index
    %get3A_436 = tpu.vector_load %arg9[%get3A_435] {strides = array<i32>} : memref<1024xi32, #tpu.memory_space<vmem>>, vector<16xi32>,
    %add3A_437 = arith.addi %add3A_434, %get3A_436 : vector<16xi32>
    %get3A_438 = arith.constant 400 : index
    %get3A_439 = tpu.vector_load %arg9[%get3A_438] {strides = array<i32>} : memref<1024xi32, #tpu.memory_space<vmem>>, vector<16xi32>,
    %add3A_440 = arith.addi %add3A_437, %get3A_439 : vector<16xi32>
    %get3A_441 = arith.constant 464 : index
    %get3A_442 = tpu.vector_load %arg9[%get3A_441] {strides = array<i32>} : memref<1024xi32, #tpu.memory_space<vmem>>, vector<16xi32>,
    %add3A_443 = arith.addi %add3A_440, %get3A_442 : vector<16xi32>
    %get3A_444 = arith.constant 528 : index
    %get3A_445 = tpu.vector_load %arg9[%get3A_444] {strides = array<i32>} : memref<1024xi32, #tpu.memory_space<vmem>>, vector<16xi32>,
    %add3A_446 = arith.addi %add3A_443, %get3A_445 : vector<16xi32>
    %get3A_447 = arith.constant 592 : index
    %get3A_448 = tpu.vector_load %arg9[%get3A_447] {strides = array<i32>} : memref<1024xi32, #tpu.memory_space<vmem>>, vector<16xi32>,
    %add3A_449 = arith.addi %add3A_446, %get3A_448 : vector<16xi32>
    %get3A_450 = arith.constant 656 : index
    %get3A_451 = tpu.vector_load %arg9[%get3A_450] {strides = array<i32>} : memref<1024xi32, #tpu.memory_space<vmem>>, vector<16xi32>,
    %add3A_452 = arith.addi %add3A_449, %get3A_451 : vector<16xi32>
    %get3A_453 = arith.constant 720 : index
    %get3A_454 = tpu.vector_load %arg9[%get3A_453] {strides = array<i32>} : memref<1024xi32, #tpu.memory_space<vmem>>, vector<16xi32>,
    %add3A_455 = arith.addi %add3A_452, %get3A_454 : vector<16xi32>
    %get3A_456 = arith.constant 784 : index
    %get3A_457 = tpu.vector_load %arg9[%get3A_456] {strides = array<i32>} : memref<1024xi32, #tpu.memory_space<vmem>>, vector<16xi32>,
    %add3A_458 = arith.addi %add3A_455, %get3A_457 : vector<16xi32>
    %get3A_459 = arith.constant 848 : index
    %get3A_460 = tpu.vector_load %arg9[%get3A_459] {strides = array<i32>} : memref<1024xi32, #tpu.memory_space<vmem>>, vector<16xi32>,
    %add3A_461 = arith.addi %add3A_458, %get3A_460 : vector<16xi32>
    %get3A_462 = arith.constant 912 : index
    %get3A_463 = tpu.vector_load %arg9[%get3A_462] {strides = array<i32>} : memref<1024xi32, #tpu.memory_space<vmem>>, vector<16xi32>,
    %add3A_464 = arith.addi %add3A_461, %get3A_463 : vector<16xi32>
    %get3A_465 = arith.constant 976 : index
    %get3A_466 = tpu.vector_load %arg9[%get3A_465] {strides = array<i32>} : memref<1024xi32, #tpu.memory_space<vmem>>, vector<16xi32>,
    %add3A_467 = arith.addi %add3A_464, %get3A_466 : vector<16xi32>
    %swap3A_468 = arith.constant 16 : index
    %swap3A_469 = tpu.vector_load %arg10[%swap3A_468] {strides = array<i32>} : memref<64xi32, #tpu.memory_space<vmem>>, vector<16xi32>,
    tpu.vector_store %arg10[%swap3A_468], %add3A_467 {strides = array<i32>} : memref<64xi32, #tpu.memory_space<vmem>>, vector<16xi32>,
    %get3A_470 = arith.constant 32 : index
    %get3A_471 = tpu.vector_load %arg9[%get3A_470] {strides = array<i32>} : memref<1024xi32, #tpu.memory_space<vmem>>, vector<16xi32>,
    %add3A_472 = arith.addi %broadcast_in_dim3A_22, %get3A_471 : vector<16xi32>
    %get3A_473 = arith.constant 96 : index
    %get3A_474 = tpu.vector_load %arg9[%get3A_473] {strides = array<i32>} : memref<1024xi32, #tpu.memory_space<vmem>>, vector<16xi32>,
    %add3A_475 = arith.addi %add3A_472, %get3A_474 : vector<16xi32>
    %get3A_476 = arith.constant 160 : index
    %get3A_477 = tpu.vector_load %arg9[%get3A_476] {strides = array<i32>} : memref<1024xi32, #tpu.memory_space<vmem>>, vector<16xi32>,
    %add3A_478 = arith.addi %add3A_475, %get3A_477 : vector<16xi32>
    %get3A_479 = arith.constant 224 : index
    %get3A_480 = tpu.vector_load %arg9[%get3A_479] {strides = array<i32>} : memref<1024xi32, #tpu.memory_space<vmem>>, vector<16xi32>,
    %add3A_481 = arith.addi %add3A_478, %get3A_480 : vector<16xi32>
    %get3A_482 = arith.constant 288 : index
    %get3A_483 = tpu.vector_load %arg9[%get3A_482] {strides = array<i32>} : memref<1024xi32, #tpu.memory_space<vmem>>, vector<16xi32>,
    %add3A_484 = arith.addi %add3A_481, %get3A_483 : vector<16xi32>
    %get3A_485 = arith.constant 352 : index
    %get3A_486 = tpu.vector_load %arg9[%get3A_485] {strides = array<i32>} : memref<1024xi32, #tpu.memory_space<vmem>>, vector<16xi32>,
    %add3A_487 = arith.addi %add3A_484, %get3A_486 : vector<16xi32>
    %get3A_488 = arith.constant 416 : index
    %get3A_489 = tpu.vector_load %arg9[%get3A_488] {strides = array<i32>} : memref<1024xi32, #tpu.memory_space<vmem>>, vector<16xi32>,
    %add3A_490 = arith.addi %add3A_487, %get3A_489 : vector<16xi32>
    %get3A_491 = arith.constant 480 : index
    %get3A_492 = tpu.vector_load %arg9[%get3A_491] {strides = array<i32>} : memref<1024xi32, #tpu.memory_space<vmem>>, vector<16xi32>,
    %add3A_493 = arith.addi %add3A_490, %get3A_492 : vector<16xi32>
    %get3A_494 = arith.constant 544 : index
    %get3A_495 = tpu.vector_load %arg9[%get3A_494] {strides = array<i32>} : memref<1024xi32, #tpu.memory_space<vmem>>, vector<16xi32>,
    %add3A_496 = arith.addi %add3A_493, %get3A_495 : vector<16xi32>
    %get3A_497 = arith.constant 608 : index
    %get3A_498 = tpu.vector_load %arg9[%get3A_497] {strides = array<i32>} : memref<1024xi32, #tpu.memory_space<vmem>>, vector<16xi32>,
    %add3A_499 = arith.addi %add3A_496, %get3A_498 : vector<16xi32>
    %get3A_500 = arith.constant 672 : index
    %get3A_501 = tpu.vector_load %arg9[%get3A_500] {strides = array<i32>} : memref<1024xi32, #tpu.memory_space<vmem>>, vector<16xi32>,
    %add3A_502 = arith.addi %add3A_499, %get3A_501 : vector<16xi32>
    %get3A_503 = arith.constant 736 : index
    %get3A_504 = tpu.vector_load %arg9[%get3A_503] {strides = array<i32>} : memref<1024xi32, #tpu.memory_space<vmem>>, vector<16xi32>,
    %add3A_505 = arith.addi %add3A_502, %get3A_504 : vector<16xi32>
    %get3A_506 = arith.constant 800 : index
    %get3A_507 = tpu.vector_load %arg9[%get3A_506] {strides = array<i32>} : memref<1024xi32, #tpu.memory_space<vmem>>, vector<16xi32>,
    %add3A_508 = arith.addi %add3A_505, %get3A_507 : vector<16xi32>
    %get3A_509 = arith.constant 864 : index
    %get3A_510 = tpu.vector_load %arg9[%get3A_509] {strides = array<i32>} : memref<1024xi32, #tpu.memory_space<vmem>>, vector<16xi32>,
    %add3A_511 = arith.addi %add3A_508, %get3A_510 : vector<16xi32>
    %get3A_512 = arith.constant 928 : index
    %get3A_513 = tpu.vector_load %arg9[%get3A_512] {strides = array<i32>} : memref<1024xi32, #tpu.memory_space<vmem>>, vector<16xi32>,
    %add3A_514 = arith.addi %add3A_511, %get3A_513 : vector<16xi32>
    %get3A_515 = arith.constant 992 : index
    %get3A_516 = tpu.vector_load %arg9[%get3A_515] {strides = array<i32>} : memref<1024xi32, #tpu.memory_space<vmem>>, vector<16xi32>,
    %add3A_517 = arith.addi %add3A_514, %get3A_516 : vector<16xi32>
    %swap3A_518 = arith.constant 32 : index
    %swap3A_519 = tpu.vector_load %arg10[%swap3A_518] {strides = array<i32>} : memref<64xi32, #tpu.memory_space<vmem>>, vector<16xi32>,
    tpu.vector_store %arg10[%swap3A_518], %add3A_517 {strides = array<i32>} : memref<64xi32, #tpu.memory_space<vmem>>, vector<16xi32>,
    %get3A_520 = arith.constant 48 : index
    %get3A_521 = tpu.vector_load %arg9[%get3A_520] {strides = array<i32>} : memref<1024xi32, #tpu.memory_space<vmem>>, vector<16xi32>,
    %add3A_522 = arith.addi %broadcast_in_dim3A_22, %get3A_521 : vector<16xi32>
    %get3A_523 = arith.constant 112 : index
    %get3A_524 = tpu.vector_load %arg9[%get3A_523] {strides = array<i32>} : memref<1024xi32, #tpu.memory_space<vmem>>, vector<16xi32>,
    %add3A_525 = arith.addi %add3A_522, %get3A_524 : vector<16xi32>
    %get3A_526 = arith.constant 176 : index
    %get3A_527 = tpu.vector_load %arg9[%get3A_526] {strides = array<i32>} : memref<1024xi32, #tpu.memory_space<vmem>>, vector<16xi32>,
    %add3A_528 = arith.addi %add3A_525, %get3A_527 : vector<16xi32>
    %get3A_529 = arith.constant 240 : index
    %get3A_530 = tpu.vector_load %arg9[%get3A_529] {strides = array<i32>} : memref<1024xi32, #tpu.memory_space<vmem>>, vector<16xi32>,
    %add3A_531 = arith.addi %add3A_528, %get3A_530 : vector<16xi32>
    %get3A_532 = arith.constant 304 : index
    %get3A_533 = tpu.vector_load %arg9[%get3A_532] {strides = array<i32>} : memref<1024xi32, #tpu.memory_space<vmem>>, vector<16xi32>,
    %add3A_534 = arith.addi %add3A_531, %get3A_533 : vector<16xi32>
    %get3A_535 = arith.constant 368 : index
    %get3A_536 = tpu.vector_load %arg9[%get3A_535] {strides = array<i32>} : memref<1024xi32, #tpu.memory_space<vmem>>, vector<16xi32>,
    %add3A_537 = arith.addi %add3A_534, %get3A_536 : vector<16xi32>
    %get3A_538 = arith.constant 432 : index
    %get3A_539 = tpu.vector_load %arg9[%get3A_538] {strides = array<i32>} : memref<1024xi32, #tpu.memory_space<vmem>>, vector<16xi32>,
    %add3A_540 = arith.addi %add3A_537, %get3A_539 : vector<16xi32>
    %get3A_541 = arith.constant 496 : index
    %get3A_542 = tpu.vector_load %arg9[%get3A_541] {strides = array<i32>} : memref<1024xi32, #tpu.memory_space<vmem>>, vector<16xi32>,
    %add3A_543 = arith.addi %add3A_540, %get3A_542 : vector<16xi32>
    %get3A_544 = arith.constant 560 : index
    %get3A_545 = tpu.vector_load %arg9[%get3A_544] {strides = array<i32>} : memref<1024xi32, #tpu.memory_space<vmem>>, vector<16xi32>,
    %add3A_546 = arith.addi %add3A_543, %get3A_545 : vector<16xi32>
    %get3A_547 = arith.constant 624 : index
    %get3A_548 = tpu.vector_load %arg9[%get3A_547] {strides = array<i32>} : memref<1024xi32, #tpu.memory_space<vmem>>, vector<16xi32>,
    %add3A_549 = arith.addi %add3A_546, %get3A_548 : vector<16xi32>
    %get3A_550 = arith.constant 688 : index
    %get3A_551 = tpu.vector_load %arg9[%get3A_550] {strides = array<i32>} : memref<1024xi32, #tpu.memory_space<vmem>>, vector<16xi32>,
    %add3A_552 = arith.addi %add3A_549, %get3A_551 : vector<16xi32>
    %get3A_553 = arith.constant 752 : index
    %get3A_554 = tpu.vector_load %arg9[%get3A_553] {strides = array<i32>} : memref<1024xi32, #tpu.memory_space<vmem>>, vector<16xi32>,
    %add3A_555 = arith.addi %add3A_552, %get3A_554 : vector<16xi32>
    %get3A_556 = arith.constant 816 : index
    %get3A_557 = tpu.vector_load %arg9[%get3A_556] {strides = array<i32>} : memref<1024xi32, #tpu.memory_space<vmem>>, vector<16xi32>,
    %add3A_558 = arith.addi %add3A_555, %get3A_557 : vector<16xi32>
    %get3A_559 = arith.constant 880 : index
    %get3A_560 = tpu.vector_load %arg9[%get3A_559] {strides = array<i32>} : memref<1024xi32, #tpu.memory_space<vmem>>, vector<16xi32>,
    %add3A_561 = arith.addi %add3A_558, %get3A_560 : vector<16xi32>
    %get3A_562 = arith.constant 944 : index
    %get3A_563 = tpu.vector_load %arg9[%get3A_562] {strides = array<i32>} : memref<1024xi32, #tpu.memory_space<vmem>>, vector<16xi32>,
    %add3A_564 = arith.addi %add3A_561, %get3A_563 : vector<16xi32>
    %get3A_565 = arith.constant 1008 : index
    %get3A_566 = tpu.vector_load %arg9[%get3A_565] {strides = array<i32>} : memref<1024xi32, #tpu.memory_space<vmem>>, vector<16xi32>,
    %add3A_567 = arith.addi %add3A_564, %get3A_566 : vector<16xi32>
    %swap3A_568 = arith.constant 48 : index
    %swap3A_569 = tpu.vector_load %arg10[%swap3A_568] {strides = array<i32>} : memref<64xi32, #tpu.memory_space<vmem>>, vector<16xi32>,
    tpu.vector_store %arg10[%swap3A_568], %add3A_567 {strides = array<i32>} : memref<64xi32, #tpu.memory_space<vmem>>, vector<16xi32>,
    "tpu.region"() ({
      %run_scoped3A = tpu.sem_alloc : memref<!tpu.dma_semaphore, #tpu.memory_space<semaphore_mem>>
      %dma_start3A_570 = arith.constant 0 : i32
      %dma_start3A_571 = tpu.memref_slice %arg4[%add3A, %dma_start3A_570] : memref<32x64xi32, #tpu.memory_space<hbm>> -> memref<1x64xi32, #tpu.memory_space<hbm>>
      %dma_start3A_572 = tpu.memref_squeeze %dma_start3A_571 : memref<1x64xi32, #tpu.memory_space<hbm>> -> memref<64xi32, #tpu.memory_space<hbm>>
      %dma_start3A_573 = arith.constant 0 : i32
      %dma_start3A_574 = tpu.memref_slice %arg4[%add3A, %dma_start3A_573] : memref<32x64xi32, #tpu.memory_space<hbm>> -> memref<1x64xi32, #tpu.memory_space<hbm>>
      %dma_start3A_575 = tpu.memref_squeeze %dma_start3A_574 : memref<1x64xi32, #tpu.memory_space<hbm>> -> memref<64xi32, #tpu.memory_space<hbm>>
      tpu.enqueue_dma source(%arg10 : memref<64xi32, #tpu.memory_space<vmem>>) target(%dma_start3A_575 : memref<64xi32, #tpu.memory_space<hbm>>) target_semaphore(%run_scoped3A : memref<!tpu.dma_semaphore, #tpu.memory_space<semaphore_mem>>)
      %dma_wait3A_576 = arith.constant 0 : i32
      %dma_wait3A_577 = tpu.memref_slice %arg4[%add3A, %dma_wait3A_576] : memref<32x64xi32, #tpu.memory_space<hbm>> -> memref<1x64xi32, #tpu.memory_space<hbm>>
      %dma_wait3A_578 = tpu.memref_squeeze %dma_wait3A_577 : memref<1x64xi32, #tpu.memory_space<hbm>> -> memref<64xi32, #tpu.memory_space<hbm>>
      %dma_wait3A_579 = arith.constant 0 : i32
      %dma_wait3A_580 = tpu.memref_slice %arg4[%add3A, %dma_wait3A_579] : memref<32x64xi32, #tpu.memory_space<hbm>> -> memref<1x64xi32, #tpu.memory_space<hbm>>
      %dma_wait3A_581 = tpu.memref_squeeze %dma_wait3A_580 : memref<1x64xi32, #tpu.memory_space<hbm>> -> memref<64xi32, #tpu.memory_space<hbm>>
      tpu.wait_dma2 semaphore(%run_scoped3A : memref<!tpu.dma_semaphore, #tpu.memory_space<semaphore_mem>>) src(%arg10 : memref<64xi32, #tpu.memory_space<vmem>>) dst(%dma_wait3A_581 : memref<64xi32, #tpu.memory_space<hbm>>)
      tpu.yield
    }) : () -> ()
    return
  }
}

module attributes {stable_mosaic.version = 14 : i64} {
  func.func @_tc_hist_body(%arg0: i32, %arg1: memref<8x16384xf32, #tpu.memory_space<vmem>>, %arg2: memref<16384xi32, #tpu.memory_space<vmem>>, %arg3: memref<8x8xf32, #tpu.memory_space<vmem>>) attributes {dimension_semantics = [#tpu.dimension_semantics<arbitrary>], iteration_bounds = array<i64: 18>, scalar_prefetch = 0 : i64, scratch_operands = 0 : i64, tpu.core_type = #tpu.core_type<tc>, window_params = [{transform_indices = @transform_0, window_bounds = array<i64: 8, 16384>}, {transform_indices = @transform_1, window_bounds = array<i64: 16384>}, {pipeline_mode = #tpu.pipeline_mode<synchronous>, transform_indices = @transform_2, window_bounds = array<i64: 8, 8>}]} {
    %get3A = arith.constant 0 : index
    %get3A_0 = arith.constant 0 : index
    %get3A_1 = vector.load %arg1[%get3A, %get3A_0] : memref<8x16384xf32, #tpu.memory_space<vmem>>, vector<8x16384xf32>
    %get3A_2 = arith.constant 0 : index
    %get3A_3 = vector.load %arg2[%get3A_2] : memref<16384xi32, #tpu.memory_space<vmem>>, vector<16384xi32>
    %reshape3A = vector.shape_cast %get3A_3 : vector<16384xi32> to vector<1x16384xi32>
    %reduce_max3A = arith.constant dense<0xFF800000> : vector<16384xf32>
    %reduce_max3A_4 = vector.multi_reduction <maximumf>, %get3A_1, %reduce_max3A [0] : vector<8x16384xf32> to vector<16384xf32>
    %broadcast_in_dim3A = vector.shape_cast %reduce_max3A_4 : vector<16384xf32> to vector<1x16384xf32>
    %iota3A = tpu.iota {dimensions = array<i32: 0>} : vector<8x16384xi32>
    %ge3A = vector.broadcast %broadcast_in_dim3A : vector<1x16384xf32> to vector<8x16384xf32>
    %ge3A_5 = arith.cmpf oge, %get3A_1, %ge3A : vector<8x16384xf32>
    %jit3A = arith.constant 8 : i32
    %broadcast_in_dim3A_6 = vector.broadcast %jit3A : i32 to vector<8x16384xi32>
    %select_n3A = arith.select %ge3A_5, %iota3A, %broadcast_in_dim3A_6 : vector<8x16384xi1>, vector<8x16384xi32>
    %reduce_min3A = arith.constant dense<2147483647> : vector<16384xi32>
    %reduce_min3A_7 = vector.multi_reduction <minsi>, %select_n3A, %reduce_min3A [0] : vector<8x16384xi32> to vector<16384xi32>
    %broadcast_in_dim3A_8 = vector.shape_cast %reduce_min3A_7 : vector<16384xi32> to vector<1x16384xi32>
    %iota3A_9 = tpu.iota {dimensions = array<i32: 1>} : vector<1x16384xi32>
    %lt3A = arith.constant 17 : i32
    %lt3A_10 = arith.cmpi slt, %arg0, %lt3A : i32
    %lt3A_11 = arith.constant 576 : i32
    %lt3A_12 = vector.broadcast %lt3A_11 : i32 to vector<1x16384xi32>
    %lt3A_13 = arith.cmpi slt, %iota3A_9, %lt3A_12 : vector<1x16384xi32>
    %or3A = vector.broadcast %lt3A_10 : i1 to vector<1x16384xi1>
    %or3A_14 = arith.ori %or3A, %lt3A_13 : vector<1x16384xi1>
    %eq3A = vector.broadcast %reshape3A : vector<1x16384xi32> to vector<8x16384xi32>
    %eq3A_15 = arith.cmpi eq, %eq3A, %iota3A : vector<8x16384xi32>
    %and3A = vector.broadcast %or3A_14 : vector<1x16384xi1> to vector<8x16384xi1>
    %and3A_16 = arith.andi %eq3A_15, %and3A : vector<8x16384xi1>
    %convert_element_type3A = arith.extui %and3A_16 : vector<8x16384xi1> to vector<8x16384xi32>
    %convert_element_type3A_17 = arith.sitofp %convert_element_type3A : vector<8x16384xi32> to vector<8x16384xf32>
    %eq3A_18 = vector.broadcast %broadcast_in_dim3A_8 : vector<1x16384xi32> to vector<8x16384xi32>
    %eq3A_19 = arith.cmpi eq, %eq3A_18, %iota3A : vector<8x16384xi32>
    %convert_element_type3A_20 = arith.extui %eq3A_19 : vector<8x16384xi1> to vector<8x16384xi32>
    %convert_element_type3A_21 = arith.sitofp %convert_element_type3A_20 : vector<8x16384xi32> to vector<8x16384xf32>
    %dot_general3A = arith.constant dense<0.000000e+00> : vector<8x8xf32>
    %dot_general3A_22 = tpu.matmul %convert_element_type3A_17, %convert_element_type3A_21, %dot_general3A {dimension_numbers = #tpu.dot_dimension_numbers<[1], [1], [0], [0], [0, 0, 1, 0], [], []>, transpose_lhs_hint = false} : vector<8x16384xf32>, vector<8x16384xf32>, vector<8x8xf32> -> vector<8x8xf32>
    %eq3A_23 = arith.constant 0 : i32
    %eq3A_24 = arith.cmpi eq, %arg0, %eq3A_23 : i32
    %convert_element_type3A_25 = arith.extui %eq3A_24 : i1 to i32
    %cond3A = arith.constant 0 : i32
    %cond3A_26 = arith.cmpi ne, %convert_element_type3A_25, %cond3A : i32
    scf.if %cond3A_26 {
      %swap3A = arith.constant 0 : index
      %swap3A_31 = arith.constant 0 : index
      %swap3A_32 = vector.load %arg3[%swap3A, %swap3A_31] : memref<8x8xf32, #tpu.memory_space<vmem>>, vector<8x8xf32>
      tpu.vector_store %arg3[%swap3A, %swap3A_31], %dot_general3A_22 {strides = array<i32>} : memref<8x8xf32, #tpu.memory_space<vmem>>, vector<8x8xf32>,
    } else {
    }
    %gt3A = arith.constant 0 : i32
    %gt3A_27 = arith.cmpi sgt, %arg0, %gt3A : i32
    %convert_element_type3A_28 = arith.extui %gt3A_27 : i1 to i32
    %cond3A_29 = arith.constant 0 : i32
    %cond3A_30 = arith.cmpi ne, %convert_element_type3A_28, %cond3A_29 : i32
    scf.if %cond3A_30 {
      %get3A_31 = arith.constant 0 : index
      %get3A_32 = arith.constant 0 : index
      %get3A_33 = vector.load %arg3[%get3A_31, %get3A_32] : memref<8x8xf32, #tpu.memory_space<vmem>>, vector<8x8xf32>
      %add3A = arith.addf %get3A_33, %dot_general3A_22 : vector<8x8xf32>
      %swap3A = arith.constant 0 : index
      %swap3A_34 = arith.constant 0 : index
      %swap3A_35 = vector.load %arg3[%swap3A, %swap3A_34] : memref<8x8xf32, #tpu.memory_space<vmem>>, vector<8x8xf32>
      tpu.vector_store %arg3[%swap3A, %swap3A_34], %add3A {strides = array<i32>} : memref<8x8xf32, #tpu.memory_space<vmem>>, vector<8x8xf32>,
    } else {
    }
    return
  }
  func.func @transform_0(%arg0: i32) -> (i32, i32) {
    %add3A = arith.constant 44 : i32
    %add3A_0 = arith.addi %add3A, %arg0 : i32
    %c0_i32 = arith.constant 0 : i32
    %c0_i32_1 = arith.constant 0 : i32
    return %c0_i32, %add3A_0 : i32, i32
  }
  func.func @transform_1(%arg0: i32) -> i32 {
    %add3A = arith.constant 44 : i32
    %add3A_0 = arith.addi %add3A, %arg0 : i32
    %c0_i32 = arith.constant 0 : i32
    return %add3A_0 : i32
  }
  func.func @transform_2(%arg0: i32) -> (i32, i32) {
    %c0_i32 = arith.constant 0 : i32
    %c0_i32_0 = arith.constant 0 : i32
    %c0_i32_1 = arith.constant 0 : i32
    return %c0_i32, %c0_i32_0 : i32, i32
  }
}

module attributes {stable_mosaic.version = 14 : i64} {
  func.func @_qwk_epilogue(%arg0: memref<32x64xi32, #tpu.memory_space<vmem>>, %arg1: memref<8x8xf32, #tpu.memory_space<vmem>>, %arg2: memref<1x1xf32, #tpu.memory_space<vmem>>) attributes {dimension_semantics = [], scalar_prefetch = 0 : i64, scratch_operands = 0 : i64, tpu.core_type = #tpu.core_type<tc>} {
    %get3A = arith.constant 0 : index
    %get3A_0 = arith.constant 0 : index
    %get3A_1 = vector.load %arg0[%get3A, %get3A_0] : memref<32x64xi32, #tpu.memory_space<vmem>>, vector<32x64xi32>
    %convert_element_type3A = arith.sitofp %get3A_1 : vector<32x64xi32> to vector<32x64xf32>
    %reduce_sum3A = arith.constant dense<0.000000e+00> : vector<64xf32>
    %reduce_sum3A_2 = vector.multi_reduction <add>, %convert_element_type3A, %reduce_sum3A [0] : vector<32x64xf32> to vector<64xf32>
    %iota3A = tpu.iota {dimensions = array<i32: 1>} : vector<8x64xi32>
    %jit3A = arith.constant 8 : i32
    %div3A = vector.broadcast %jit3A : i32 to vector<8x64xi32>
    %div3A_3 = arith.divsi %iota3A, %div3A : vector<8x64xi32>
    %sign3A = arith.constant 0 : i32
    %sign3A_4 = vector.broadcast %sign3A : i32 to vector<8x64xi32>
    %sign3A_5 = arith.cmpi sgt, %iota3A, %sign3A_4 : vector<8x64xi32>
    %sign3A_6 = arith.extui %sign3A_5 : vector<8x64xi1> to vector<8x64xi32>
    %sign3A_7 = arith.constant 0 : i32
    %sign3A_8 = vector.broadcast %sign3A_7 : i32 to vector<8x64xi32>
    %sign3A_9 = arith.cmpi slt, %iota3A, %sign3A_8 : vector<8x64xi32>
    %sign3A_10 = arith.extui %sign3A_9 : vector<8x64xi1> to vector<8x64xi32>
    %sign3A_11 = arith.subi %sign3A_6, %sign3A_10 : vector<8x64xi32>
    %sign3A_12 = arith.constant 0 : i32
    %sign3A_13 = arith.cmpi sgt, %jit3A, %sign3A_12 : i32
    %sign3A_14 = arith.extui %sign3A_13 : i1 to i32
    %sign3A_15 = arith.constant 0 : i32
    %sign3A_16 = arith.cmpi slt, %jit3A, %sign3A_15 : i32
    %sign3A_17 = arith.extui %sign3A_16 : i1 to i32
    %sign3A_18 = arith.subi %sign3A_14, %sign3A_17 : i32
    %ne3A = vector.broadcast %sign3A_18 : i32 to vector<8x64xi32>
    %ne3A_19 = arith.cmpi ne, %sign3A_11, %ne3A : vector<8x64xi32>
    %rem3A = vector.broadcast %jit3A : i32 to vector<8x64xi32>
    %rem3A_20 = arith.remsi %iota3A, %rem3A : vector<8x64xi32>
    %ne3A_21 = arith.constant 0 : i32
    %ne3A_22 = vector.broadcast %ne3A_21 : i32 to vector<8x64xi32>
    %ne3A_23 = arith.cmpi ne, %rem3A_20, %ne3A_22 : vector<8x64xi32>
    %and3A = arith.andi %ne3A_19, %ne3A_23 : vector<8x64xi1>
    %sub3A = arith.constant 1 : i32
    %sub3A_24 = vector.broadcast %sub3A : i32 to vector<8x64xi32>
    %sub3A_25 = arith.subi %div3A_3, %sub3A_24 : vector<8x64xi32>
    %select_n3A = arith.select %and3A, %sub3A_25, %div3A_3 : vector<8x64xi1>, vector<8x64xi32>
    %iota3A_26 = tpu.iota {dimensions = array<i32: 0>} : vector<8x64xi32>
    %eq3A = arith.cmpi eq, %select_n3A, %iota3A_26 : vector<8x64xi32>
    %jit3A_27 = arith.constant 8 : i32
    %eq3A_28 = arith.constant 0 : i32
    %eq3A_29 = arith.cmpi eq, %jit3A_27, %eq3A_28 : i32
    %jit3A_30 = arith.constant 1 : i32
    %select_n3A_31 = arith.select %eq3A_29, %jit3A_30, %jit3A_27 : i32
    %rem3A_32 = vector.broadcast %select_n3A_31 : i32 to vector<8x64xi32>
    %rem3A_33 = arith.remsi %iota3A, %rem3A_32 : vector<8x64xi32>
    %ne3A_34 = arith.constant 0 : i32
    %ne3A_35 = vector.broadcast %ne3A_34 : i32 to vector<8x64xi32>
    %ne3A_36 = arith.cmpi ne, %rem3A_33, %ne3A_35 : vector<8x64xi32>
    %lt3A = arith.constant 0 : i32
    %lt3A_37 = vector.broadcast %lt3A : i32 to vector<8x64xi32>
    %lt3A_38 = arith.cmpi slt, %rem3A_33, %lt3A_37 : vector<8x64xi32>
    %lt3A_39 = arith.constant 0 : i32
    %lt3A_40 = arith.cmpi slt, %select_n3A_31, %lt3A_39 : i32
    %ne3A_41 = vector.broadcast %lt3A_40 : i1 to vector<8x64xi1>
    %ne3A_42 = vector.broadcast %ne3A_41 : vector<8x64xi1> to vector<8x64xi1>
    %ne3A_43 = arith.xori %lt3A_38, %ne3A_42 : vector<8x64xi1>
    %and3A_44 = arith.andi %ne3A_43, %ne3A_36 : vector<8x64xi1>
    %add3A = vector.broadcast %select_n3A_31 : i32 to vector<8x64xi32>
    %add3A_45 = arith.addi %rem3A_33, %add3A : vector<8x64xi32>
    %select_n3A_46 = arith.select %and3A_44, %add3A_45, %rem3A_33 : vector<8x64xi1>, vector<8x64xi32>
    %iota3A_47 = tpu.iota {dimensions = array<i32: 0>} : vector<8x64xi32>
    %eq3A_48 = arith.cmpi eq, %select_n3A_46, %iota3A_47 : vector<8x64xi32>
    %convert_element_type3A_49 = arith.extui %eq3A : vector<8x64xi1> to vector<8x64xi32>
    %convert_element_type3A_50 = arith.sitofp %convert_element_type3A_49 : vector<8x64xi32> to vector<8x64xf32>
    %broadcast_in_dim3A = vector.shape_cast %reduce_sum3A_2 : vector<64xf32> to vector<1x64xf32>
    %mul3A = vector.broadcast %broadcast_in_dim3A : vector<1x64xf32> to vector<8x64xf32>
    %mul3A_51 = arith.mulf %convert_element_type3A_50, %mul3A : vector<8x64xf32>
    %convert_element_type3A_52 = arith.extui %eq3A_48 : vector<8x64xi1> to vector<8x64xi32>
    %convert_element_type3A_53 = arith.sitofp %convert_element_type3A_52 : vector<8x64xi32> to vector<8x64xf32>
    %dot_general3A = arith.constant dense<0.000000e+00> : vector<8x8xf32>
    %dot_general3A_54 = tpu.matmul %mul3A_51, %convert_element_type3A_53, %dot_general3A {dimension_numbers = #tpu.dot_dimension_numbers<[1], [1], [0], [0], [0, 0, 1, 0], [], []>, precision = #tpu.contract_precision<fp32>, transpose_lhs_hint = false} : vector<8x64xf32>, vector<8x64xf32>, vector<8x8xf32> -> vector<8x8xf32>
    %get3A_55 = arith.constant 0 : index
    %get3A_56 = arith.constant 0 : index
    %get3A_57 = vector.load %arg1[%get3A_55, %get3A_56] : memref<8x8xf32, #tpu.memory_space<vmem>>, vector<8x8xf32>
    %add3A_58 = arith.addf %dot_general3A_54, %get3A_57 : vector<8x8xf32>
    %mul3A_59 = arith.constant 9.99999997E-7 : f32
    %mul3A_60 = vector.broadcast %mul3A_59 : f32 to vector<8x8xf32>
    %mul3A_61 = arith.mulf %add3A_58, %mul3A_60 : vector<8x8xf32>
    %reduce_sum3A_62 = arith.constant dense<0.000000e+00> : vector<8xf32>
    %reduce_sum3A_63 = vector.multi_reduction <add>, %mul3A_61, %reduce_sum3A_62 [1] : vector<8x8xf32> to vector<8xf32>
    %broadcast_in_dim3A_64 = vector.shape_cast %reduce_sum3A_63 : vector<8xf32> to vector<8x1xf32>
    %reduce_sum3A_65 = arith.constant dense<0.000000e+00> : vector<8xf32>
    %reduce_sum3A_66 = vector.multi_reduction <add>, %mul3A_61, %reduce_sum3A_65 [0] : vector<8x8xf32> to vector<8xf32>
    %broadcast_in_dim3A_67 = vector.shape_cast %reduce_sum3A_66 : vector<8xf32> to vector<1x8xf32>
    %mul3A_68 = vector.broadcast %broadcast_in_dim3A_64 : vector<8x1xf32> to vector<8x8xf32>
    %mul3A_69 = vector.broadcast %broadcast_in_dim3A_67 : vector<1x8xf32> to vector<8x8xf32>
    %mul3A_70 = arith.mulf %mul3A_68, %mul3A_69 : vector<8x8xf32>
    %iota3A_71 = tpu.iota {dimensions = array<i32: 0>} : vector<8x8xi32>
    %convert_element_type3A_72 = arith.sitofp %iota3A_71 : vector<8x8xi32> to vector<8x8xf32>
    %iota3A_73 = tpu.iota {dimensions = array<i32: 1>} : vector<8x8xi32>
    %convert_element_type3A_74 = arith.sitofp %iota3A_73 : vector<8x8xi32> to vector<8x8xf32>
    %sub3A_75 = arith.subf %convert_element_type3A_72, %convert_element_type3A_74 : vector<8x8xf32>
    %integer_pow3A = arith.mulf %sub3A_75, %sub3A_75 : vector<8x8xf32>
    %div3A_76 = arith.constant 4.900000e+01 : f32
    %div3A_77 = vector.broadcast %div3A_76 : f32 to vector<8x8xf32>
    %div3A_78 = arith.divf %integer_pow3A, %div3A_77 : vector<8x8xf32>
    %sub3A_79 = arith.constant 1.000000e+00 : f32
    %sub3A_80 = vector.broadcast %sub3A_79 : f32 to vector<8x8xf32>
    %sub3A_81 = arith.subf %sub3A_80, %div3A_78 : vector<8x8xf32>
    %mul3A_82 = arith.mulf %sub3A_81, %mul3A_61 : vector<8x8xf32>
    %reduce_sum3A_83 = vector.shape_cast %mul3A_82 : vector<8x8xf32> to vector<1x8x8xf32>
    %reduce_sum3A_84 = arith.constant dense<0.000000e+00> : vector<1xf32>
    %reduce_sum3A_85 = vector.multi_reduction <add>, %reduce_sum3A_83, %reduce_sum3A_84 [1, 2] : vector<1x8x8xf32> to vector<1xf32>
    %reduce_sum3A_86 = vector.shape_cast %reduce_sum3A_85 : vector<1xf32> to vector<1x1x1xf32>
    %reduce_sum3A_87 = vector.extract %reduce_sum3A_86[0, 0, 0] : f32 from vector<1x1x1xf32>
    %mul3A_88 = arith.mulf %sub3A_81, %mul3A_70 : vector<8x8xf32>
    %reduce_sum3A_89 = vector.shape_cast %mul3A_88 : vector<8x8xf32> to vector<1x8x8xf32>
    %reduce_sum3A_90 = arith.constant dense<0.000000e+00> : vector<1xf32>
    %reduce_sum3A_91 = vector.multi_reduction <add>, %reduce_sum3A_89, %reduce_sum3A_90 [1, 2] : vector<1x8x8xf32> to vector<1xf32>
    %reduce_sum3A_92 = vector.shape_cast %reduce_sum3A_91 : vector<1xf32> to vector<1x1x1xf32>
    %reduce_sum3A_93 = vector.extract %reduce_sum3A_92[0, 0, 0] : f32 from vector<1x1x1xf32>
    %jit3A_94 = arith.constant 0.000000e+00 : f32
    %jit3A_95 = arith.constant 0.99999988 : f32
    %max3A = arith.maximumf %jit3A_94, %reduce_sum3A_93 : f32
    %min3A = arith.minimumf %jit3A_95, %max3A : f32
    %ge3A = arith.constant 0.99999988 : f32
    %ge3A_96 = arith.cmpf oge, %min3A, %ge3A : f32
    %sub3A_97 = arith.subf %reduce_sum3A_87, %min3A : f32
    %sub3A_98 = arith.constant 1.000000e+00 : f32
    %sub3A_99 = arith.subf %sub3A_98, %min3A : f32
    %add3A_100 = arith.constant 1.000000e-07 : f32
    %add3A_101 = arith.addf %sub3A_99, %add3A_100 : f32
    %div3A_102 = arith.divf %sub3A_97, %add3A_101 : f32
    %jit3A_103 = arith.constant 0.000000e+00 : f32
    %select_n3A_104 = arith.select %ge3A_96, %jit3A_103, %div3A_102 : f32
    %jit3A_105 = arith.constant -1.000000e+00 : f32
    %jit3A_106 = arith.constant 1.000000e+00 : f32
    %max3A_107 = arith.maximumf %jit3A_105, %select_n3A_104 : f32
    %min3A_108 = arith.minimumf %jit3A_106, %max3A_107 : f32
    %sub3A_109 = arith.constant 1.000000e+00 : f32
    %sub3A_110 = arith.subf %sub3A_109, %min3A_108 : f32
    %broadcast_in_dim3A_111 = vector.broadcast %sub3A_110 : f32 to vector<1x1xf32>
    %swap3A = arith.constant 0 : index
    %swap3A_112 = arith.constant 0 : index
    %swap3A_113 = vector.load %arg2[%swap3A, %swap3A_112] : memref<1x1xf32, #tpu.memory_space<vmem>>, vector<1x1xf32>
    tpu.vector_store %arg2[%swap3A, %swap3A_112], %broadcast_in_dim3A_111 {strides = array<i32>} : memref<1x1xf32, #tpu.memory_space<vmem>>, vector<1x1xf32>,
    return
  }
}

</mosaic_0001>

<sc_bundles>
// kernel: kernel.5.cloned.1.call-start
scs
__scs_entry_jumppad:
0x0: {  	(pc) =	sbr.rel $0x88, $3  }
0x1: {  	(tag) =	ssettag $0x0;
	lr =	simm.s32 $0x1  }
0x2: {  	[smem:$0x3F9F] =	sst lr;
	_ =	strace $0xD0000000  }
0x3: {  	_ = 	snop  }
0x4: {  	_ = 	snop  }
0x5: {  	_ = 	snop  }
0x6: {  	_ = 	snop  }
0x7: {  	_ = 	snop  }
__scs_overlays_trampoline_lowered:
0x8: {  	[smem:$0x3FAE] =	sst s0  }
0x9: {  	[smem:$0x3FAF] =	sst s1  }
0xa: {  	[smem:$0x3FB0] =	sst s2  }
0xb: {  	[smem:$0x3FB1] =	sst s3  }
0xc: {  	[smem:$0x3FB2] =	sst s4  }
0xd: {  	[smem:$0x3FB3] =	sst s5  }
0xe: {  	[smem:$0x3FB4] =	sst s6  }
0xf: {  	[smem:$0x3FB5] =	sst s7  }
0x10: {  	[smem:$0x3FB6] =	sst s8  }
0x11: {  	[smem:$0x3FB7] =	sst s9;
	s0 =	simm.s32 @!p0 $0x0  }
0x12: {  	s1 =	sld [smem:$0x3F9D];
	s0 =	simm.s32 @p0 $0x1  }
0x13: {  	[smem:$0x3FB8] =	sst s0;
	s0 =	simm.s32 @!p1 $0x0  }
0x14: {  	s2 =	sld [smem:$0x3F9C];
	s0 =	simm.s32 @p1 $0x1  }
0x15: {  	[smem:$0x3FB9] =	sst s0;
	s0 =	simm.s32 @!p2 $0x0  }
0x16: {  	s3 =	sld [smem:$0x3FDB];
	s0 =	simm.s32 @p2 $0x1  }
0x17: {  	s4 =	simm.s32 $0x1BF5;
	[smem:$0x3FBB] =	sst s0  }
0x18: {  	s0 =	sld [smem:$0x3F9E];
	_ =	swait.ge [sflag:s4], $0x0  }
0x19: {  	s7 =	sld [smem:$0x3F9F]  }
0x1a: {  	s8 =	sadd.s32 $0xFFFFE003, lr  }
0x1b: {  	s9 =	sadd.s32 $0xFFFFFEF7, lr;
	s5 =	simm.s32 $0xFFFFFFFF;
	p2 =	slt.u32 s8, $0xFFFFF086  }
0x1c: {  	p1 =	slt.u32 s9, $0xF7A;
	s5 =	simm.s32 @!p2 $0x0  }
0x1d: {  	s5 =	simm.s32 @p1 $0x1;
	p0 =	seq.s32 s7, s2  }
0x1e: {  	s7 =	smul.u32 @!p0 $0xF7A, s2;
	p2 =	seq.s32 @!p0 s5, $0x0  }
0x1f: {  	s9 =	smul.u32 $0xF7A, s1;
	s8 =	simm.s32 @!p0 $0x1BF5;
	p2 =	por !p2, p0  }
0x20: {  	[sflag:s8] =	ssyncset.s32 @!p0 $0xFFFFF086;
	s6 =	sadd.s32 @!p0 s3, s7;
	s7 =	simm.s32 @!p0 $0x108  }
0x21: {  	s3 =	sadd.s32 s3, s9;
	s6 =	sadd.s32 @!p0 $0x88, s6;
	s7 =	simm.s32 @p2 $0x1082  }
0x22: {  	[simem:s7], [sflag:s8] =	dma.local @!p0 [hbm:s6], $0xF7A  }
0x23: {  	s9 =	sor.u32 $0xD0000000, s2;
	s6 =	simm.s32 $0x108;
	_ =	swait.ge @!p0 [sflag:s8], $0x0  }
0x24: {  	s3 =	sadd.s32 $0x88, s3;
	s6 =	simm.s32 @!p1 $0x1082;
	[sflag:s4] =	ssyncset.s32 $0xFFFFF086  }
0x25: {  	[simem:s6], [sflag:s4] =	dma.local [hbm:s3], $0xF7A  }
0x26: {  	[smem:$0x3F9F] =	sst s1;
	(tag) =	ssettag s2;
	_ =	strace s9  }
0x27: {  	s1 =	sld [smem:$0x3FAF]  }
0x28: {  	s2 =	sld [smem:$0x3FB0]  }
0x29: {  	s4 =	sld [smem:$0x3FB2]  }
0x2a: {  	p0 =	seq.s32 s5, $0x0;
	s5 =	sld [smem:$0x3FB3]  }
0x2b: {  	s6 =	sld [smem:$0x3FB4]  }
0x2c: {  	s7 =	sld [smem:$0x3FB5]  }
0x2d: {  	s3 =	simm.s32 $0x108;
	s8 =	sld [smem:$0x3FB6]  }
0x2e: {  	s3 =	simm.s32 @!p0 $0x1082;
	s9 =	sld [smem:$0x3FB7]  }
0x2f: {  	lr =	sadd.s32 s0, s3;
	s0 =	sld [smem:$0x3FAE]  }
0x30: {  	s3 =	sld [smem:$0x3FB1]  }
0x31: {  	[smem:$0x3FBA] =	sst s10  }
0x32: {  	s10 =	sld [smem:$0x3FB8];
	_ =	sdelay $0x3  }
0x33: {  	p0 =	seq.s32 s10, $0x1;
	s10 =	sld [smem:$0x3FBA];
	_ =	sdelay $0x3  }
0x34: {  	[smem:$0x3FBA] =	sst s10  }
0x35: {  	s10 =	sld [smem:$0x3FB9];
	_ =	sdelay $0x3  }
0x36: {  	p1 =	seq.s32 s10, $0x1;
	s10 =	sld [smem:$0x3FBA];
	_ =	sdelay $0x3  }
0x37: {  	[smem:$0x3FBA] =	sst s10  }
0x38: {  	s10 =	sld [smem:$0x3FBB]  }
0x39: {  	_ = 	snop;
	(pc) =	sbr.ind lr, $3  }
0x3a: {  	_ = 	snop  }
0x3b: {  	_ = 	snop  }
0x3c: {  	p2 =	seq.s32 s10, $0x1;
	s10 =	sld [smem:$0x3FBA]  }
0x3d: {  	_ =	shalt  }
0x3e: {  	_ =	shalt  }
0x3f: {  	_ =	shalt  }
0x40: {  	_ =	shalt  }
0x41: {  	_ =	shalt  }
0x42: {  	_ =	shalt  }
0x43: {  	_ =	shalt  }
0x44: {  	_ =	shalt  }
0x45: {  	_ =	shalt  }
0x46: {  	_ =	shalt  }
0x47: {  	_ =	shalt  }
0x48: {  	_ =	shalt  }
0x49: {  	_ =	shalt  }
0x4a: {  	_ =	shalt  }
0x4b: {  	_ =	shalt  }
0x4c: {  	_ =	shalt  }
0x4d: {  	_ =	shalt  }
0x4e: {  	_ =	shalt  }
0x4f: {  	_ =	shalt  }
0x50: {  	_ =	shalt  }
0x51: {  	_ =	shalt  }
0x52: {  	_ =	shalt  }
0x53: {  	_ =	shalt  }
0x54: {  	_ =	shalt  }
0x55: {  	_ =	shalt  }
0x56: {  	_ =	shalt  }
0x57: {  	_ =	shalt  }
0x58: {  	_ =	shalt  }
0x59: {  	_ =	shalt  }
0x5a: {  	_ =	shalt  }
0x5b: {  	_ =	shalt  }
0x5c: {  	_ =	shalt  }
0x5d: {  	_ =	shalt  }
0x5e: {  	_ =	shalt  }
0x5f: {  	_ =	shalt  }
0x60: {  	_ =	shalt  }
0x61: {  	_ =	shalt  }
0x62: {  	_ =	shalt  }
0x63: {  	_ =	shalt  }
0x64: {  	_ =	shalt  }
0x65: {  	_ =	shalt  }
0x66: {  	_ =	shalt  }
0x67: {  	_ =	shalt  }
0x68: {  	_ =	shalt  }
0x69: {  	_ =	shalt  }
0x6a: {  	_ =	shalt  }
0x6b: {  	_ =	shalt  }
0x6c: {  	_ =	shalt  }
0x6d: {  	_ =	shalt  }
0x6e: {  	_ =	shalt  }
0x6f: {  	_ =	shalt  }
0x70: {  	_ =	shalt  }
0x71: {  	_ =	shalt  }
0x72: {  	_ =	shalt  }
0x73: {  	_ =	shalt  }
0x74: {  	_ =	shalt  }
0x75: {  	_ =	shalt  }
0x76: {  	_ =	shalt  }
0x77: {  	_ =	shalt  }
0x78: {  	_ =	shalt  }
0x79: {  	_ =	shalt  }
0x7a: {  	_ =	shalt  }
0x7b: {  	_ =	shalt  }
0x7c: {  	_ =	shalt  }
0x7d: {  	_ =	shalt  }
0x7e: {  	_ =	shalt  }
0x7f: {  	_ =	shalt  }
0x80: {  	_ =	shalt  }
0x81: {  	_ =	shalt  }
0x82: {  	_ =	shalt  }
0x83: {  	_ =	shalt  }
0x84: {  	_ =	shalt  }
0x85: {  	_ =	shalt  }
0x86: {  	_ =	shalt  }
0x87: {  	_ =	shalt  }
.Lfunc_end0:
.L_simem_size_0:
called_computation_lowered:
.L_overlay_start_0:
0x88: {  	s2 =	sld [smem:$0x3FD9]  }
0x89: {  	s3 =	sld [smem:$0x3FFE];
	_ =	sdelay $0x1  }
0x8a: {  	s1 =	srdreg.scid  }
0x8b: {  	s0 =	sand.u32 $0x1, s1  }
0x8c: {  	s17 =	sshll.u32 s0, $0xA;
	s2 =	sadd.s32 s3, s2  }
0x8d: {  	s2 =	sadd.s32 s2, s17  }
0x8e: {  	[smem:$0x3FC6] =	sst s2  }
0x8f: {  	_ = 	snop  }
0x90: {  	s2 =	sld [smem:$0x3FC9]  }
0x91: {  	s18 =	sld [smem:$0x3FC8];
	(tm) =	ssettm $0x1  }
0x92: {  	s4 =	sld [smem:$0x3FFB];
	_ =	sdelay $0x3  }
0x93: {  	_ =	strace s4  }
0x94: {  	s4 =	sld [smem:$0x3FFC];
	_ =	sdelay $0x3  }
0x95: {  	_ =	strace s4  }
0x96: {  	s4 =	sld [smem:$0x3FFD];
	_ =	sdelay $0x3  }
0x97: {  	_ =	strace s4  }
0x98: {  	_ =	strace $0x8FFFFFFF  }
0x99: {  	s19 =	sld [smem:$0x3FDB];
	_ =	sdelay $0x1  }
0x9a: {  	s5 =	simm.s32 $_scs_section_size  }
0x9b: {  	s6 =	simm.s32 $_size__tile_overlayer_lowered;
	s7 =	simm.s32 $_tile_overlayer_lowered  }
0x9c: {  	s22 =	simm.s32 $0x1BFF;
	s21 =	sshll.u32 s7, $0x1;
	s4 =	sadd.s32 s5, s19  }
0x9d: {  	s8 =	simm.s32 $0x0;
	s20 =	sshll.u32 s6, $0x1;
	s6 =	sadd.s32 s21, s4  }
0x9e: {  	[timem:s8], [sflag:s22] =	dma.local [hbm:s6], s20  }
0x9f: {  	_ =	swait.ge [sflag:s22], s20  }
0xa0: {  	s5 =	ssub.s32 $0x0, s20;
	[sflag:s22] =	ssyncset.done $0x0  }
0xa1: {  	[sflag:s22] =	ssyncadd.s32 s5;
	_ =	sdelay $0x1  }
0xa2: {  	s23 =	simm.s32 $0x1B8B  }
0xa3: {  	_ =	swait.ge [sflag:s23], $0x1  }
0xa4: {  	[sflag:s23] =	ssyncset.done $0x0  }
0xa5: {  	s25 =	simm.s32 $0x1B8E;
	s24 =	sld [smem:$0x3FFE];
	[sflag:s23] =	ssyncadd.s32 $0xFFFFFFFF  }
0xa6: {  	s26 =	simm.s32 $execute0_lowered;
	[smem:$0x3FD2] =	sst s25  }
0xa7: {  	s6 =	sshll.u32 s26, $0x1;
	_ =	strace $0x80000046;
	[dreg:$0x1] =	wrdreg $0xFFFFFFFF  }
0xa8: {  	s28 =	simm.s32 $_size_execute0_lowered;
	s4 =	sadd.s32 s4, s6;
	[dreg:$0x0] =	wrdreg $0x0  }
0xa9: {  	s6 =	sshll.u32 s28, $0x1;
	[dreg:$0x2] =	wrdreg s4  }
0xaa: {  	[dreg:$0x3] =	wrdreg s6  }
0xab: {  	[dreg:$0x4] =	wrdreg $0xC0  }
0xac: {  	_ =	task [dreg:s8], $0x5FFFF  }
0xad: {  	[dreg:$0x1] =	wrdreg $0xFFFFFFFF  }
0xae: {  	[dreg:$0x0] =	wrdreg $0x60  }
0xaf: {  	[dreg:$0x2] =	wrdreg s2  }
0xb0: {  	[dreg:$0x3] =	wrdreg s18  }
0xb1: {  	[dreg:$0x4] =	wrdreg s24  }
0xb2: {  	[dreg:$0x5] =	wrdreg $0x9  }
0xb3: {  	_ =	task.clear_ibuf [dreg:s8], $0x6FFFF;
	_ =	strace $0x90000046  }
0xb4: {  	s29 =	simm.s32 $0x9;
	_ =	strace $0x80000048  }
0xb5: {  	_ =	swait.ge [sflag:s29], $0x1  }
0xb6: {  	[sflag:s29] =	ssyncadd.s32 $0xFFFFFFFF  }
0xb7: {  	_ =	strace $0x90000048  }
0xb8: {  	_ =	sfence  }
0xb9: {  	s30 =	sld [smem:$0x0];
	_ =	sdelay $0x2  }
0xba: {  	s31 =	sshll.u32 s1, $0xD;
	s1 =	sshrl.u32 s1, $0x2  }
0xbb: {  	s3 =	sand.u32 $0x4000, s31;
	s1 =	sadd.s32 s1, s30  }
0xbc: {  	s0 =	sor.u32 s3, s0;
	s1 =	sshll.u32 s1, $0x11  }
0xbd: {  	s0 =	sor.u32 s1, s0  }
0xbe: {  	s0 =	sadd.s32 $0x8F2B, s0  }
0xbf: {  	[sflag:s0] =	ssyncadd.remote.s32 $0x1  }
0xc0: {  	_ =	sfence.sel $0xFFFF  }
0xc1: {  	[dreg:$0x0] =	wrdreg $0xFFFFFFFF;
	(pc) =	sbr.abs _section_cstart, $3  }
0xc2: {  	[dreg:$0x1] =	wrdreg $0xFFFFFFFF  }
0xc3: {  	_ =	task.clear_ibuf [dreg:s8], $0x2FFFF;
	_ =	strace $0x9FFFFFFF  }
0xc4: {  	(tm) =	ssettm $0x7FFFFFFF  }
0xc5: {  	_ =	shalt  }
tec
execute0_lowered:
.L_overlay_start_1:
0x0: {  	(tag) =	ssettag $0x1  }
0x1: {  	s13 =	rddreg [dreg:$0x0]  }
0x2: {  	s14 =	rddreg [dreg:$0x1]  }
0x3: {  	s3 =	rddreg [dreg:$0x2]  }
0x4: {  	s0 =	rddreg [dreg:$0x3]  }
0x5: {  	s4 =	srdreg.scid;
	s1 =	stileid.u32  }
0x6: {  	s2 =	simm.s32 $0x0;
	s19 =	simm.s32 $0x3;
	s20 =	simm.s32 $0x8000  }
0x7: {  	s21 =	simm.s32 $0x11000;
	s22 =	simm.s32 $0x12000;
	s23 =	simm.s32 $0x2  }
0x8: {  	s24 =	simm.s32 $0x4;
	s4 =	sand.u32 $0x1, s4;
	s5 =	sshll.u32 s1, $0x1  }
0x9: {  	s25 =	simm.s32 $0x12400;
	s28 =	simm.s32 $0x0;
	s5 =	sor.u32 s4, s5  }
0xa: {  	[smem:$0x7FF] =	sst s2;
	s4 =	ssub.s32 $0x2, s4;
	s11 =	smul.u32 $0x5800, s5  }
0xb: {  	_ =	strace $0x80000047;
	s6 =	sshll.u32 s5, $0x4;
	s7 =	sshrl.u32 s4, $0x1  }
0xc: {  	s15 =	sadd.s32 s6, s3;
	s16 =	ssub.s32 s4, s7;
	s3 =	sadd.s32 s13, s11  }
0xd: {  	s26 =	sshrl.u32 s11, $0x3;
	s5 =	sadd.s32 $0x1000, s11;
	s30 =	sadd.s32 $0x2000, s11  }
0xe: {  	s10 =	sadd.s32 $0x3000, s11;
	s12 =	sadd.s32 $0x4000, s11;
	s18 =	sadd.s32 $0x5000, s11  }
0xf: {  	s15 =	sadd.s32 $0x800, s15;
	s16 =	smax.u32 s16, $0x1;
	s4 =	sadd.s32 s14, s26  }
0x10: {  	s29 =	sshrl.u32 s5, $0x3;
	s5 =	sadd.s32 s13, s5;
	s8 =	sshrl.u32 s30, $0x3  }
0x11: {  	s7 =	sadd.s32 s13, s30;
	s9 =	sadd.s32 s13, s10;
	s10 =	sshrl.u32 s10, $0x3  }
0x12: {  	s17 =	sshrl.u32 s12, $0x3;
	s11 =	sadd.s32 s13, s12;
	s31 =	sshrl.u32 s18, $0x3  }
0x13: {  	v0 =	vimm.s32 $0x0;
	s13 =	sadd.s32 s13, s18;
	s18 =	simm.s32 $0x1;
	s26 =	simm.s32 $0x5  }
0x14: {  	v1 =	vimm.s32 $0x2;
	v2 =	vimm.s32 $0x4;
	v4 =	vlaneseq.u32;
	s6 =	sadd.s32 s14, s29;
	s8 =	sadd.s32 s14, s8;
	s10 =	sadd.s32 s14, s10  }
0x15: {  	v3 =	vimm.s32 $0x6;
	v5 =	vimm.s32 $0x1;
	v4 =	vmul.u32 $0x40, v4;
	s12 =	sadd.s32 s14, s17;
	s14 =	sadd.s32 s14, s31;
	s17 =	simm.s32 $0x10000  }
.LBB2_1:
0x16: {  	[tilespmem:$0x12000] =	vst v0  }
0x17: {  	[tilespmem:$0x12010] =	vst v0  }
0x18: {  	[tilespmem:$0x12020] =	vst v0  }
0x19: {  	[tilespmem:$0x12030] =	vst v0  }
0x1a: {  	[tilespmem:$0x12040] =	vst v0  }
0x1b: {  	[tilespmem:$0x12050] =	vst v0  }
0x1c: {  	[tilespmem:$0x12060] =	vst v0  }
0x1d: {  	[tilespmem:$0x12070] =	vst v0  }
0x1e: {  	[tilespmem:$0x12080] =	vst v0  }
0x1f: {  	[tilespmem:$0x12090] =	vst v0  }
0x20: {  	[tilespmem:$0x120A0] =	vst v0  }
0x21: {  	[tilespmem:$0x120B0] =	vst v0  }
0x22: {  	[tilespmem:$0x120C0] =	vst v0  }
0x23: {  	[tilespmem:$0x120D0] =	vst v0  }
0x24: {  	[tilespmem:$0x120E0] =	vst v0  }
0x25: {  	[tilespmem:$0x120F0] =	vst v0  }
0x26: {  	[tilespmem:$0x12100] =	vst v0  }
0x27: {  	[tilespmem:$0x12110] =	vst v0  }
0x28: {  	[tilespmem:$0x12120] =	vst v0  }
0x29: {  	[tilespmem:$0x12130] =	vst v0  }
0x2a: {  	[tilespmem:$0x12140] =	vst v0  }
0x2b: {  	[tilespmem:$0x12150] =	vst v0  }
0x2c: {  	[tilespmem:$0x12160] =	vst v0  }
0x2d: {  	[tilespmem:$0x12170] =	vst v0  }
0x2e: {  	[tilespmem:$0x12180] =	vst v0  }
0x2f: {  	[tilespmem:$0x12190] =	vst v0  }
0x30: {  	[tilespmem:$0x121A0] =	vst v0  }
0x31: {  	[tilespmem:$0x121B0] =	vst v0  }
0x32: {  	[tilespmem:$0x121C0] =	vst v0  }
0x33: {  	[tilespmem:$0x121D0] =	vst v0  }
0x34: {  	[tilespmem:$0x121E0] =	vst v0  }
0x35: {  	[tilespmem:$0x121F0] =	vst v0  }
0x36: {  	[tilespmem:$0x12200] =	vst v0  }
0x37: {  	[tilespmem:$0x12210] =	vst v0  }
0x38: {  	[tilespmem:$0x12220] =	vst v0  }
0x39: {  	[tilespmem:$0x12230] =	vst v0  }
0x3a: {  	[tilespmem:$0x12240] =	vst v0  }
0x3b: {  	[tilespmem:$0x12250] =	vst v0  }
0x3c: {  	[tilespmem:$0x12260] =	vst v0  }
0x3d: {  	[tilespmem:$0x12270] =	vst v0  }
0x3e: {  	[tilespmem:$0x12280] =	vst v0  }
0x3f: {  	[tilespmem:$0x12290] =	vst v0  }
0x40: {  	[tilespmem:$0x122A0] =	vst v0  }
0x41: {  	[tilespmem:$0x122B0] =	vst v0  }
0x42: {  	[tilespmem:$0x122C0] =	vst v0  }
0x43: {  	[tilespmem:$0x122D0] =	vst v0  }
0x44: {  	[tilespmem:$0x122E0] =	vst v0  }
0x45: {  	[tilespmem:$0x122F0] =	vst v0  }
0x46: {  	[tilespmem:$0x12300] =	vst v0  }
0x47: {  	[tilespmem:$0x12310] =	vst v0  }
0x48: {  	[tilespmem:$0x12320] =	vst v0  }
0x49: {  	[tilespmem:$0x12330] =	vst v0  }
0x4a: {  	[tilespmem:$0x12340] =	vst v0  }
0x4b: {  	[tilespmem:$0x12350] =	vst v0  }
0x4c: {  	[tilespmem:$0x12360] =	vst v0  }
0x4d: {  	[tilespmem:$0x12370] =	vst v0  }
0x4e: {  	[tilespmem:$0x12380] =	vst v0  }
0x4f: {  	[tilespmem:$0x12390] =	vst v0  }
0x50: {  	[tilespmem:$0x123A0] =	vst v0  }
0x51: {  	[tilespmem:$0x123B0] =	vst v0  }
0x52: {  	[tilespmem:$0x123C0] =	vst v0  }
0x53: {  	[tilespmem:$0x123D0] =	vst v0  }
0x54: {  	[tilespmem:$0x123E0] =	vst v0  }
0x55: {  	[tilespmem:$0x123F0] =	vst v0  }
0x56: {  	[tilespmem:s2], [sflag:$0x1] =	stream.linear.gather [hbm4b:s3+s2], $0x8000, $0x38;
	[tilespmem:$0x12480] =	vst v63  }
0x57: {  	_ = 	snop  }
0x58: {  	[tilespmem:s17], [sflag:$0x3] =	stream.linear.gather [hbm4b:s4+s2], $0x1000, $0x38;
	[tilespmem:$0x12480] =	vst v63  }
0x59: {  	_ =	swait.ge [sflag:s18], $0x8000  }
0x5a: {  	[sflag:s18] =	ssyncset.done $0x0  }
0x5b: {  	[sflag:s18] =	ssyncadd.s32 $0xFFFF8000  }
0x5c: {  	_ =	swait.ge [sflag:s19], $0x1000  }
0x5d: {  	[sflag:s19] =	ssyncset.done $0x0  }
0x5e: {  	[sflag:s19] =	ssyncadd.s32 $0xFFFFF000  }
0x5f: {  	[tilespmem:s20], [sflag:$0x2] =	stream.linear.gather [hbm4b:s5+s2], $0x8000, $0x38;
	[tilespmem:$0x12480] =	vst v63  }
0x60: {  	s30 =	simm.s32 $0x200  }
0x61: {  	[tilespmem:s21], [sflag:$0x4] =	stream.linear.gather [hbm4b:s6+s2], $0x1000, $0x38;
	[tilespmem:$0x12480] =	vst v63  }
0x62: {  	v7 =	vld [tilespmem:s30+$0xFFFFFE70]  }
0x63: {  	v8 =	vld [tilespmem:s30+$0xFFFFFEF0]  }
0x64: {  	v9 =	vld [tilespmem:s30+$0xFFFFFF70]  }
0x65: {  	v10 =	vld [tilespmem:s30+$0xFFFFFFF0]  }
0x66: {  	v11 =	vld [tilespmem:s30+$0x70]  }
0x67: {  	v12 =	vld [tilespmem:s30+$0xF0]  }
0x68: {  	v13 =	vld [tilespmem:s30+$0x170]  }
0x69: {  	v14 =	vld [tilespmem:s30+$0x1F0]  }
0x6a: {  	v17 =	vld [tilespmem:s30+$0x0]  }
0x6b: {  	v18 =	vld [tilespmem:s30+$0x80]  }
0x6c: {  	v20 =	vld [tilespmem:s30+$0x100]  }
0x6d: {  	v21 =	vld [tilespmem:s30+$0x180]  }
0x6e: {  	v22 =	vld [tilespmem:s30+$0xFFFFFE10]  }
0x6f: {  	v23 =	vld [tilespmem:s30+$0xFFFFFE90]  }
0x70: {  	v24 =	vld [tilespmem:s30+$0xFFFFFF10]  }
0x71: {  	v25 =	vld [tilespmem:s30+$0xFFFFFF90]  }
0x72: {  	v26 =	vld [tilespmem:s30+$0x10]  }
0x73: {  	v27 =	vld [tilespmem:s30+$0x90]  }
0x74: {  	v60 =	vld [tilespmem:s30+$0xFFFFFE30]  }
0x75: {  	v62 =	vld [tilespmem:s30+$0xFFFFFEB0]  }
0x76: {  	v6 =	vld [tilespmem:s30+$0xFFFFFE80]  }
0x77: {  	v15 =	vld [tilespmem:s30+$0xFFFFFF00];
	vm0 =	vgt.f32 v8, v7  }
0x78: {  	s29 =	simm.s32 $0x10040;
	v16 =	vld [tilespmem:s30+$0xFFFFFF80];
	vm1 =	vgt.f32 v10, v9;
	vm2 =	vgt.f32 v12, v11;
	vm3 =	vgt.f32 v14, v13  }
0x79: {  	v19 =	vld [tilespmem:s29+$0x30];
	vm11 =	vgt.f32 v18, v17;
	vm12 =	vgt.f32 v21, v20;
	vm14 =	vgt.f32 v23, v22  }
0x7a: {  	v55 =	vld [tilespmem:s30+$0x120];
	vm15 =	vgt.f32 v25, v24;
	vm6 =	vgt.f32 v27, v26;
	vm5 =	vgt.f32 v62, v60  }
0x7b: {  	v57 =	vld [tilespmem:s30+$0x1A0];
	v7 =	vsel vm0, v8, v7;
	v8 =	vsel vm0, $0x1, v0;
	v28 =	vsel vm1, $0x3, v1  }
0x7c: {  	v47 =	vld [tilespmem:s30+$0x190];
	v9 =	vsel vm1, v10, v9;
	v11 =	vsel vm2, v12, v11;
	v46 =	vsel vm3, v14, v13  }
0x7d: {  	v29 =	vld [tilespmem:s30+$0xFFFFFE20];
	v48 =	vsel vm2, $0x5, v2;
	vm0 =	vgt.f32 v16, v15;
	v52 =	vsel vm12, v21, v20  }
0x7e: {  	v49 =	vld [tilespmem:s30+$0xFFFFFEA0];
	v54 =	vsel vm12, $0x7, v3;
	v56 =	vsel vm14, v23, v22;
	v58 =	vsel vm14, $0x1, v0  }
0x7f: {  	v63 =	vld [tilespmem:s30+$0xFFFFFF30];
	v59 =	vsel vm15, v25, v24;
	v61 =	vsel vm15, $0x3, v1;
	v26 =	vsel vm6, v27, v26  }
0x80: {  	v36 =	vld [tilespmem:s30+$0x30];
	v34 =	vsel vm6, $0x5, v2;
	vm14 =	vgt.f32 v57, v55;
	v23 =	vsel vm5, v62, v60  }
0x81: {  	v37 =	vld [tilespmem:s30+$0xB0];
	vm8 =	vgt.f32 v9, v7;
	vm9 =	vgt.f32 v46, v11;
	v20 =	vsel vm14, v57, v55  }
0x82: {  	v10 =	vld [tilespmem:s30+$0x110];
	v7 =	vsel vm8, v9, v7;
	v9 =	vsel vm9, v46, v11;
	v11 =	vsel vm3, $0x7, v3  }
0x83: {  	v39 =	vld [tilespmem:s30+$0x130];
	v8 =	vsel vm8, v28, v8;
	vm8 =	vgt.f32 v59, v56;
	v11 =	vsel vm9, v11, v48  }
0x84: {  	v40 =	vld [tilespmem:s30+$0x1B0];
	vm10 =	vgt.f32 v9, v7;
	v9 =	vshll.u32 v19, $0x3;
	v7 =	vsel vm0, v16, v15  }
0x85: {  	v33 =	vld [tilespmem:s30+$0xFFFFFFB0];
	v32 =	vsel vm8, v61, v58;
	v8 =	vsel vm10, v11, v8;
	vm10 =	vgt.f32 v49, v29  }
0x86: {  	v50 =	vld [tilespmem:s30+$0xFFFFFF20];
	v15 =	vor.u32 v8, v9;
	v8 =	vsel vm11, v18, v17;
	v9 =	vsel vm11, $0x5, v2  }
0x87: {  	v51 =	vld [tilespmem:s30+$0x20];
	vm7 =	vgt.f32 v47, v10;
	v17 =	vsel vm8, v59, v56;
	v12 =	vsel vm10, v49, v29  }
0x88: {  	v53 =	vld [tilespmem:s30+$0xA0];
	v38 =	vsel vm10, $0x1, v0;
	v49 =	vsel vm5, $0x1, v0;
	vm8 =	vgt.f32 v37, v36  }
0x89: {  	v46 =	vld [tilespmem:s30+$0xFFFFFF40];
	vm10 =	vgt.f32 v40, v39;
	vm13 =	vgt.f32 v52, v8;
	v10 =	vsel vm7, v47, v10  }
0x8a: {  	v48 =	vld [tilespmem:s30+$0xFFFFFFC0];
	v35 =	vsel vm7, $0x7, v3;
	v47 =	vsel vm14, $0x7, v3;
	vm7 =	vgt.f32 v33, v63  }
0x8b: {  	v11 =	vld [tilespmem:s30+$0xFFFFFFA0];
	v14 =	vsel vm10, v40, v39;
	v57 =	vsel vm10, $0x7, v3;
	v15 =	vadd.s32 v4, v15  }
0x8c: {  	v42 =	vld [tilespmem:s30+$0xFFFFFE40];
	v8 =	vsel vm13, v52, v8;
	v9 =	vsel vm13, v54, v9;
	vm9 =	vgt.f32 v10, v26  }
0x8d: {  	v44 =	vld [tilespmem:s30+$0xFFFFFEC0];
	vm13 =	vgt.f32 v53, v51;
	v13 =	vsel vm7, v33, v63;
	v54 =	vsel vm8, $0x5, v2  }
0x8e: {  	v30 =	vld [tilespmem:s30+$0xD0];
	v10 =	vsel vm9, v10, v26;
	v24 =	vsel vm9, v35, v34;
	v16 =	vsel vm13, v53, v51  }
0x8f: {  	v62 =	vld [tilespmem:s30+$0x50];
	v43 =	vsel vm13, $0x5, v2;
	v51 =	vsel vm7, $0x3, v1;
	vm9 =	vgt.f32 v13, v23  }
0x90: {  	v58 =	vld [tilespmem:s30+$0xFFFFFF50];
	vm14 =	vgt.f32 v48, v46;
	vm11 =	vgt.f32 v10, v17;
	vm12 =	vgt.f32 v11, v50  }
0x91: {  	v59 =	vld [tilespmem:s30+$0xFFFFFFD0];
	vm4 =	vgt.f32 v20, v16;
	v17 =	vsel vm8, v37, v36;
	v13 =	vsel vm9, v13, v23  }
0x92: {  	v55 =	vld [tilespmem:s30+$0xFFFFFE50];
	v61 =	vsel vm14, v48, v46;
	v63 =	vsel vm14, $0x3, v1;
	v10 =	vsel vm11, v24, v32  }
0x93: {  	v56 =	vld [tilespmem:s30+$0xFFFFFED0];
	v11 =	vsel vm12, v11, v50;
	v41 =	vsel vm12, $0x3, v1;
	v16 =	vsel vm4, v20, v16  }
0x94: {  	v52 =	vld [tilespmem:s30+$0x140];
	v24 =	vsel vm4, v47, v43;
	vm11 =	vgt.f32 v14, v17;
	vm12 =	vgt.f32 v44, v42  }
0x95: {  	v33 =	vld [tilespmem:s30+$0x1D0];
	vm15 =	vgt.f32 v11, v12;
	v14 =	vsel vm11, v14, v17;
	v18 =	vsel vm12, v44, v42  }
0x96: {  	v53 =	vld [tilespmem:s30+$0x1C0];
	v17 =	vsel vm11, v57, v54;
	v60 =	vsel vm12, $0x1, v0;
	vm11 =	vgt.f32 v59, v58  }
0x97: {  	v35 =	vld [tilespmem:s30+$0xFFFFFE60];
	vm12 =	vgt.f32 v30, v62;
	v44 =	vsel vm0, $0x3, v1;
	v11 =	vsel vm15, v11, v12  }
0x98: {  	v37 =	vld [tilespmem:s30+$0xFFFFFEE0];
	v45 =	vsel vm15, v41, v38;
	vm13 =	vgt.f32 v14, v13;
	vm7 =	vgt.f32 v61, v18  }
0x99: {  	v48 =	vld [tilespmem:s30+$0xFFFFFE00];
	v13 =	vsel vm11, v59, v58;
	v40 =	vsel vm11, $0x3, v1;
	v19 =	vsel vm12, v30, v62  }
0x9a: {  	v32 =	vld [tilespmem:s30+$0x150];
	v46 =	vsel vm12, $0x5, v2;
	vm6 =	vgt.f32 v16, v11;
	v16 =	vsel vm9, v51, v49  }
0x9b: {  	v14 =	vsel vm7, v63, v60;
	vm9 =	vgt.f32 v56, v55;
	v12 =	vsel vm6, v24, v45  }
0x9c: {  	v50 =	vld [tilespmem:s30+$0xC0];
	v16 =	vsel vm13, v17, v16;
	vm6 =	vgt.f32 v53, v52;
	v17 =	vsel vm7, v61, v18  }
0x9d: {  	v11 =	vld [tilespmem:s30+$0x40];
	v22 =	vsel vm9, v56, v55;
	v38 =	vsel vm9, $0x1, v0;
	vm5 =	vgt.f32 v37, v35  }
0x9e: {  	v43 =	vld [tilespmem:s30+$0x160];
	vm11 =	vgt.f32 v6, v48;
	v31 =	vsel vm6, v53, v52;
	v36 =	vsel vm6, $0x7, v3  }
0x9f: {  	v56 =	vld [tilespmem:s29+$0x0];
	vm13 =	vgt.f32 v33, v32;
	vm14 =	vgt.f32 v13, v22;
	v23 =	vsel vm5, v37, v35  }
0xa0: {  	v42 =	vld [tilespmem:s30+$0xE0];
	v49 =	vsel vm5, $0x1, v0;
	v6 =	vsel vm11, v6, v48;
	v59 =	vsel vm11, $0x1, v0  }
0xa1: {  	v41 =	vld [tilespmem:s30+$0x60];
	v18 =	vsel vm13, v33, v32;
	v47 =	vsel vm13, $0x7, v3;
	vm13 =	vgt.f32 v7, v6  }
0xa2: {  	v52 =	vld [tilespmem:s29+$0xFFFFFFD0];
	v13 =	vsel vm14, v13, v22;
	v6 =	vsel vm13, v7, v6;
	vm15 =	vgt.f32 v50, v11  }
0xa3: {  	v60 =	vld [tilespmem:s29+$0x20];
	v7 =	vsel vm13, v44, v59;
	v11 =	vsel vm15, v50, v11;
	v34 =	vsel vm15, $0x5, v2  }
0xa4: {  	v45 =	vld [tilespmem:s30+$0x1E0];
	vm15 =	vgt.f32 v18, v19;
	v61 =	vshll.u32 v56, $0x3;
	vm8 =	vgt.f32 v31, v11  }
0xa5: {  	v50 =	vld [tilespmem:s29+$0xFFFFFFC0];
	v18 =	vsel vm15, v18, v19;
	v27 =	vsel vm15, v47, v46;
	vm15 =	vgt.f32 v8, v6  }
0xa6: {  	v39 =	vld [tilespmem:s30+$0xFFFFFFE0];
	v11 =	vsel vm8, v31, v11;
	v20 =	vsel vm8, v36, v34;
	vm6 =	vgt.f32 v18, v13  }
0xa7: {  	v55 =	vld [tilespmem:s29+$0xFFFFFFF0];
	vm8 =	vgt.f32 v42, v41;
	v7 =	vsel vm15, v9, v7;
	v9 =	vshll.u32 v52, $0x3  }
0xa8: {  	vm10 =	vgt.f32 v11, v17;
	v11 =	vld [tilespmem:s30+$0xFFFFFF60];
	v17 =	vsel vm14, v40, v38;
	v25 =	vsel vm8, v42, v41  }
0xa9: {  	v58 =	vld [tilespmem:s29+$0x10];
	v54 =	vsel vm8, $0x5, v2;
	v9 =	vor.u32 v10, v9;
	v10 =	vshll.u32 v60, $0x3  }
0xaa: {  	v14 =	vsel vm10, v20, v14;
	vm10 =	vgt.f32 v45, v43;
	v6 =	vshll.u32 v50, $0x3  }
0xab: {  	v17 =	vsel vm6, v27, v17;
	v19 =	vsel vm10, v45, v43;
	v6 =	vor.u32 v7, v6  }
0xac: {  	v53 =	vld [tilespmem:s29+$0xFFFFFFE0];
	v57 =	vsel vm10, $0x7, v3;
	vm12 =	vgt.f32 v19, v25;
	v62 =	vadd.s32 v4, v6  }
0xad: {  	v7 =	vshll.u32 v55, $0x3;
	v19 =	vsel vm12, v19, v25;
	vm7 =	vgt.f32 v39, v11  }
0xae: {  	v21 =	vsel vm12, v57, v54;
	v6 =	vshll.u32 v58, $0x3;
	v11 =	vsel vm7, v39, v11  }
0xaf: {  	v7 =	vor.u32 v16, v7;
	v6 =	vor.u32 v17, v6;
	vm9 =	vgt.f32 v11, v23  }
0xb0: {  	[tilespmem:v15+s22+$0x0] =	vst.idx.add.s32.msk $0xffff, v5;
	v51 =	vsel vm7, $0x3, v1;
	v6 =	vadd.s32 v4, v6;
	v11 =	vsel vm9, v11, v23  }
0xb1: {  	v13 =	vsel vm9, v51, v49;
	vm14 =	vgt.f32 v19, v11;
	v11 =	vshll.u32 v53, $0x3;
	[tilespmem:v62+s22+$0x0] =	vst.idx.add.s32.msk $0xffff, v5  }
0xb2: {  	v8 =	vsel vm14, v21, v13;
	v12 =	vor.u32 v12, v11;
	v13 =	vor.u32 v14, v61  }
0xb3: {  	v11 =	vadd.s32 v4, v9;
	v9 =	vadd.s32 v4, v7;
	v63 =	vor.u32 v8, v10  }
0xb4: {  	s31 =	simm.s32 $0x600;
	s30 =	simm.s32 $0x0;
	v10 =	vadd.s32 v4, v12;
	v8 =	vadd.s32 v4, v13;
	v7 =	vadd.s32 v4, v63  }
.LBB2_2:
0xb5: {  	v13 =	vld [tilespmem:s31+$0xFFFFFE70]  }
0xb6: {  	v14 =	vld [tilespmem:s31+$0xFFFFFEF0]  }
0xb7: {  	v15 =	vld [tilespmem:s31+$0xFFFFFF70]  }
0xb8: {  	v16 =	vld [tilespmem:s31+$0xFFFFFFF0]  }
0xb9: {  	v17 =	vld [tilespmem:s31+$0x70]  }
0xba: {  	v18 =	vld [tilespmem:s31+$0xF0]  }
0xbb: {  	v19 =	vld [tilespmem:s31+$0x170]  }
0xbc: {  	v20 =	vld [tilespmem:s31+$0x1F0]  }
0xbd: {  	s30 =	sadd.s32 $0x8, s30;
	v12 =	vld [tilespmem:s31+$0xFFFFFE80]  }
0xbe: {  	p0 =	slt.u32 s30, $0xF8;
	v21 =	vld [tilespmem:s31+$0xFFFFFF00]  }
0xbf: {  	v22 =	vld [tilespmem:s31+$0xFFFFFF80]  }
0xc0: {  	vm0 =	vgt.f32 v14, v13;
	v23 =	vld [tilespmem:s31+$0x0]  }
0xc1: {  	s29 =	sadd.s32 $0x80, s29;
	vm1 =	vgt.f32 v16, v15;
	vm2 =	vgt.f32 v18, v17;
	v24 =	vld [tilespmem:s31+$0x80];
	vm3 =	vgt.f32 v20, v19  }
0xc2: {  	v13 =	vsel vm0, v14, v13;
	v14 =	vsel vm0, $0x1, v0;
	v25 =	vsel vm1, $0x3, v1;
	v26 =	vld [tilespmem:s29+$0x30]  }
0xc3: {  	v15 =	vsel vm1, v16, v15;
	v16 =	vsel vm2, v18, v17;
	v17 =	vsel vm3, v20, v19;
	v27 =	vld [tilespmem:s31+$0x100]  }
0xc4: {  	vm0 =	vgt.f32 v15, v13;
	v19 =	vsel vm2, $0x5, v2;
	vm1 =	vgt.f32 v17, v16;
	v18 =	vld [tilespmem:s31+$0x180]  }
0xc5: {  	v13 =	vsel vm0, v15, v13;
	v28 =	vsel vm3, $0x7, v3;
	v15 =	vsel vm1, v17, v16;
	v20 =	vld [tilespmem:s31+$0xFFFFFE10]  }
0xc6: {  	v14 =	vsel vm0, v25, v14;
	v17 =	vsel vm1, v28, v19;
	vm0 =	vgt.f32 v15, v13;
	v16 =	vld [tilespmem:s31+$0xFFFFFE90]  }
0xc7: {  	vm1 =	vgt.f32 v22, v21;
	v14 =	vsel vm0, v17, v14;
	v19 =	vld [tilespmem:s31+$0xFFFFFF10];
	v15 =	vshll.u32 v26, $0x3  }
0xc8: {  	v13 =	vsel vm1, v22, v21;
	vm0 =	vgt.f32 v24, v23;
	v17 =	vld [tilespmem:s31+$0xFFFFFF90];
	v14 =	vor.u32 v14, v15  }
0xc9: {  	v15 =	vsel vm0, v24, v23;
	vm2 =	vgt.f32 v18, v27;
	v21 =	vld [tilespmem:s31+$0x10];
	v22 =	vadd.s32 v4, v14  }
0xca: {  	v23 =	vsel vm0, $0x5, v2;
	v14 =	vsel vm1, $0x3, v1;
	v18 =	vsel vm2, v18, v27;
	v24 =	vld [tilespmem:s31+$0x90]  }
0xcb: {  	v25 =	vsel vm2, $0x7, v3;
	vm0 =	vgt.f32 v18, v15;
	v26 =	vld [tilespmem:s31+$0x110];
	vm1 =	vgt.f32 v16, v20  }
0xcc: {  	v15 =	vsel vm0, v18, v15;
	v18 =	vld [tilespmem:s31+$0x190];
	v20 =	vsel vm1, v16, v20;
	v27 =	vsel vm1, $0x1, v0  }
0xcd: {  	v16 =	vsel vm0, v25, v23;
	vm0 =	vgt.f32 v17, v19;
	v23 =	vld [tilespmem:s31+$0xFFFFFE20]  }
0xce: {  	v17 =	vsel vm0, v17, v19;
	v19 =	vsel vm0, $0x3, v1;
	[tilespmem:v22+s22+$0x0] =	vst.idx.add.s32.msk $0xffff, v5  }
0xcf: {  	vm0 =	vgt.f32 v24, v21;
	vm1 =	vgt.f32 v17, v20;
	v22 =	vld [tilespmem:s31+$0xFFFFFEA0]  }
0xd0: {  	v21 =	vsel vm0, v24, v21;
	v24 =	vsel vm0, $0x5, v2;
	v17 =	vsel vm1, v17, v20;
	v20 =	vld [tilespmem:s31+$0xFFFFFF20]  }
0xd1: {  	v19 =	vsel vm1, v19, v27;
	vm0 =	vgt.f32 v18, v26;
	v25 =	vld [tilespmem:s31+$0xFFFFFFA0]  }
0xd2: {  	v18 =	vsel vm0, v18, v26;
	v26 =	vsel vm0, $0x7, v3;
	v27 =	vld [tilespmem:s31+$0x20]  }
0xd3: {  	vm0 =	vgt.f32 v18, v21;
	v28 =	vld [tilespmem:s31+$0xA0]  }
0xd4: {  	v18 =	vsel vm0, v18, v21;
	v21 =	vsel vm0, v26, v24;
	v24 =	vld [tilespmem:s31+$0x120];
	vm0 =	vgt.f32 v22, v23  }
0xd5: {  	vm1 =	vgt.f32 v18, v17;
	v18 =	vld [tilespmem:s31+$0x1A0];
	v22 =	vsel vm0, v22, v23;
	v23 =	vsel vm0, $0x1, v0  }
0xd6: {  	v17 =	vsel vm1, v21, v19;
	vm0 =	vgt.f32 v25, v20;
	v19 =	vld [tilespmem:s31+$0xFFFFFE30]  }
0xd7: {  	v20 =	vsel vm0, v25, v20;
	v21 =	vsel vm0, $0x3, v1;
	v25 =	vld [tilespmem:s31+$0xFFFFFEB0]  }
0xd8: {  	vm0 =	vgt.f32 v28, v27;
	vm1 =	vgt.f32 v20, v22;
	v26 =	vld [tilespmem:s31+$0xFFFFFF30]  }
0xd9: {  	v27 =	vsel vm0, v28, v27;
	v28 =	vsel vm0, $0x5, v2;
	v20 =	vsel vm1, v20, v22;
	v22 =	vld [tilespmem:s31+$0xFFFFFFB0]  }
0xda: {  	v21 =	vsel vm1, v21, v23;
	vm0 =	vgt.f32 v18, v24;
	v23 =	vld [tilespmem:s31+$0x30]  }
0xdb: {  	v18 =	vsel vm0, v18, v24;
	v24 =	vsel vm0, $0x7, v3;
	v29 =	vld [tilespmem:s31+$0xB0]  }
0xdc: {  	vm0 =	vgt.f32 v18, v27;
	v30 =	vld [tilespmem:s31+$0x130];
	vm1 =	vgt.f32 v25, v19  }
0xdd: {  	v18 =	vsel vm0, v18, v27;
	v27 =	vld [tilespmem:s31+$0x1B0];
	v19 =	vsel vm1, v25, v19;
	v25 =	vsel vm1, $0x1, v0  }
0xde: {  	v24 =	vsel vm0, v24, v28;
	vm0 =	vgt.f32 v18, v20;
	vm1 =	vgt.f32 v22, v26;
	v20 =	vld [tilespmem:s31+$0xFFFFFE40]  }
0xdf: {  	v18 =	vsel vm0, v24, v21;
	v21 =	vsel vm1, v22, v26;
	v22 =	vsel vm1, $0x3, v1;
	v24 =	vld [tilespmem:s31+$0xFFFFFEC0]  }
0xe0: {  	vm0 =	vgt.f32 v29, v23;
	vm1 =	vgt.f32 v21, v19;
	v26 =	vld [tilespmem:s31+$0xFFFFFF40]  }
0xe1: {  	v23 =	vsel vm0, v29, v23;
	v28 =	vsel vm0, $0x5, v2;
	v19 =	vsel vm1, v21, v19;
	v21 =	vld [tilespmem:s31+$0xFFFFFFC0]  }
0xe2: {  	v22 =	vsel vm1, v22, v25;
	vm0 =	vgt.f32 v27, v30;
	v25 =	vld [tilespmem:s31+$0x40]  }
0xe3: {  	v27 =	vsel vm0, v27, v30;
	v29 =	vsel vm0, $0x7, v3;
	v30 =	vld [tilespmem:s31+$0xC0]  }
0xe4: {  	vm0 =	vgt.f32 v27, v23;
	v31 =	vld [tilespmem:s31+$0x140];
	vm1 =	vgt.f32 v24, v20  }
0xe5: {  	v23 =	vsel vm0, v27, v23;
	v27 =	vld [tilespmem:s31+$0x1C0];
	v20 =	vsel vm1, v24, v20;
	v24 =	vsel vm1, $0x1, v0  }
0xe6: {  	v28 =	vsel vm0, v29, v28;
	vm0 =	vgt.f32 v23, v19;
	vm1 =	vgt.f32 v21, v26;
	v23 =	vld [tilespmem:s31+$0xFFFFFE50]  }
0xe7: {  	v19 =	vsel vm0, v28, v22;
	v21 =	vsel vm1, v21, v26;
	v22 =	vsel vm1, $0x3, v1;
	v26 =	vld [tilespmem:s31+$0xFFFFFED0]  }
0xe8: {  	vm0 =	vgt.f32 v30, v25;
	vm1 =	vgt.f32 v21, v20;
	v28 =	vld [tilespmem:s31+$0xFFFFFF50]  }
0xe9: {  	v25 =	vsel vm0, v30, v25;
	v29 =	vsel vm0, $0x5, v2;
	v20 =	vsel vm1, v21, v20;
	v21 =	vld [tilespmem:s31+$0xFFFFFFD0]  }
0xea: {  	v22 =	vsel vm1, v22, v24;
	vm0 =	vgt.f32 v27, v31;
	v24 =	vld [tilespmem:s31+$0x50]  }
0xeb: {  	v27 =	vsel vm0, v27, v31;
	v30 =	vsel vm0, $0x7, v3;
	v31 =	vld [tilespmem:s31+$0xD0]  }
0xec: {  	vm0 =	vgt.f32 v27, v25;
	v32 =	vld [tilespmem:s31+$0x150];
	vm1 =	vgt.f32 v26, v23  }
0xed: {  	v25 =	vsel vm0, v27, v25;
	v27 =	vld [tilespmem:s31+$0x1D0];
	v23 =	vsel vm1, v26, v23;
	v26 =	vsel vm1, $0x1, v0  }
0xee: {  	v29 =	vsel vm0, v30, v29;
	vm0 =	vgt.f32 v25, v20;
	vm1 =	vgt.f32 v21, v28;
	v20 =	vld [tilespmem:s31+$0xFFFFFE60]  }
0xef: {  	v22 =	vsel vm0, v29, v22;
	v21 =	vsel vm1, v21, v28;
	v25 =	vsel vm1, $0x3, v1;
	v28 =	vld [tilespmem:s31+$0xFFFFFEE0]  }
0xf0: {  	vm0 =	vgt.f32 v31, v24;
	vm1 =	vgt.f32 v21, v23;
	v29 =	vld [tilespmem:s31+$0xFFFFFF60]  }
0xf1: {  	v24 =	vsel vm0, v31, v24;
	v30 =	vsel vm0, $0x5, v2;
	v21 =	vsel vm1, v21, v23;
	v23 =	vld [tilespmem:s31+$0xFFFFFFE0]  }
0xf2: {  	v25 =	vsel vm1, v25, v26;
	vm0 =	vgt.f32 v27, v32;
	v26 =	vld [tilespmem:s31+$0x60]  }
0xf3: {  	v27 =	vsel vm0, v27, v32;
	v31 =	vsel vm0, $0x7, v3;
	v32 =	vld [tilespmem:s31+$0xE0]  }
0xf4: {  	vm0 =	vgt.f32 v27, v24;
	v33 =	vld [tilespmem:s31+$0x160];
	vm1 =	vgt.f32 v28, v20  }
0xf5: {  	v24 =	vsel vm0, v27, v24;
	v27 =	vld [tilespmem:s31+$0x1E0];
	v20 =	vsel vm1, v28, v20;
	v28 =	vsel vm1, $0x1, v0  }
0xf6: {  	v30 =	vsel vm0, v31, v30;
	v34 =	vld [tilespmem:s31+$0xFFFFFE00];
	vm0 =	vgt.f32 v24, v21;
	vm1 =	vgt.f32 v23, v29  }
0xf7: {  	v21 =	vld [tilespmem:s29+$0xFFFFFFC0];
	v24 =	vsel vm0, v30, v25;
	v23 =	vsel vm1, v23, v29;
	v25 =	vsel vm1, $0x3, v1  }
0xf8: {  	v29 =	vld [tilespmem:s29+$0xFFFFFFD0];
	vm0 =	vgt.f32 v32, v26;
	vm1 =	vgt.f32 v23, v20  }
0xf9: {  	v30 =	vld [tilespmem:s29+$0xFFFFFFE0];
	v26 =	vsel vm0, v32, v26;
	v31 =	vsel vm0, $0x5, v2;
	v20 =	vsel vm1, v23, v20  }
0xfa: {  	v25 =	vsel vm1, v25, v28;
	v23 =	vld [tilespmem:s29+$0xFFFFFFF0];
	vm0 =	vgt.f32 v27, v33  }
0xfb: {  	vm1 =	vgt.f32 v12, v34;
	v28 =	vld [tilespmem:s29+$0x0];
	v27 =	vsel vm0, v27, v33;
	v32 =	vsel vm0, $0x7, v3  }
0xfc: {  	v12 =	vsel vm1, v12, v34;
	v33 =	vsel vm1, $0x1, v0;
	v34 =	vld [tilespmem:s29+$0x10];
	vm0 =	vgt.f32 v27, v26  }
0xfd: {  	vm1 =	vgt.f32 v13, v12;
	v26 =	vsel vm0, v27, v26;
	v27 =	vsel vm0, v32, v31;
	v31 =	vld [tilespmem:s29+$0x20]  }
0xfe: {  	v12 =	vsel vm1, v13, v12;
	v13 =	vsel vm1, v14, v33;
	vm0 =	vgt.f32 v26, v20  }
0xff: {  	vm1 =	vgt.f32 v15, v12;
	v12 =	vshll.u32 v21, $0x3;
	v14 =	vsel vm0, v27, v25;
	[tilespmem:v11+s22+$0x0] =	vst.idx.add.s32.msk $0xffff, v5  }
0x100: {  	v15 =	vshll.u32 v30, $0x3;
	v11 =	vsel vm1, v16, v13;
	v13 =	vshll.u32 v29, $0x3;
	[tilespmem:v10+s22+$0x0] =	vst.idx.add.s32.msk $0xffff, v5  }
0x101: {  	v10 =	vshll.u32 v23, $0x3;
	v16 =	vshll.u32 v28, $0x3;
	v20 =	vshll.u32 v34, $0x3;
	[tilespmem:v9+s22+$0x0] =	vst.idx.add.s32.msk $0xffff, v5  }
0x102: {  	v9 =	vor.u32 v11, v12;
	v11 =	vor.u32 v17, v13;
	v12 =	vshll.u32 v31, $0x3;
	[tilespmem:v8+s22+$0x0] =	vst.idx.add.s32.msk $0xffff, v5  }
0x103: {  	v13 =	vor.u32 v19, v10;
	v8 =	vor.u32 v18, v15;
	v15 =	vor.u32 v22, v16  }
0x104: {  	v16 =	vadd.s32 v4, v9;
	v17 =	vor.u32 v24, v20;
	v12 =	vor.u32 v14, v12  }
.Ltmp0:
0x105: {  	v11 =	vadd.s32 v4, v11;
	v9 =	vadd.s32 v4, v13;
	v10 =	vadd.s32 v4, v8;
	(pc) =	sbr.rel @p0 .LBB2_2-.Ltmp0, $4  }
0x106: {  	v8 =	vadd.s32 v4, v15;
	v13 =	vadd.s32 v4, v17;
	v12 =	vadd.s32 v4, v12  }
0x107: {  	[tilespmem:v6+s22+$0x0] =	vst.idx.add.s32.msk $0xffff, v5;
	v6 =	vmov v13  }
0x108: {  	[tilespmem:v7+s22+$0x0] =	vst.idx.add.s32.msk $0xffff, v5;
	v7 =	vmov v12  }
0x109: {  	s31 =	sadd.s32 $0x400, s31;
	[tilespmem:v16+s22+$0x0] =	vst.idx.add.s32.msk $0xffff, v5  }
0x10a: {  	_ =	sdelay $0x3  }
0x10b: {  	[tilespmem:v11+s22+$0x0] =	vst.idx.add.s32.msk $0xffff, v5  }
0x10c: {  	[tilespmem:v10+s22+$0x0] =	vst.idx.add.s32.msk $0xffff, v5  }
0x10d: {  	[tilespmem:v9+s22+$0x0] =	vst.idx.add.s32.msk $0xffff, v5  }
0x10e: {  	[tilespmem:v8+s22+$0x0] =	vst.idx.add.s32.msk $0xffff, v5  }
0x10f: {  	[tilespmem:v6+s22+$0x0] =	vst.idx.add.s32.msk $0xffff, v5  }
0x110: {  	[tilespmem:v7+s22+$0x0] =	vst.idx.add.s32.msk $0xffff, v5  }
0x111: {  	_ =	swait.ge [sflag:s23], $0x8000  }
0x112: {  	[sflag:s23] =	ssyncset.done $0x0  }
0x113: {  	[sflag:s23] =	ssyncadd.s32 $0xFFFF8000  }
0x114: {  	_ =	swait.ge [sflag:s24], $0x1000  }
0x115: {  	[sflag:s24] =	ssyncset.done $0x0  }
0x116: {  	[sflag:s24] =	ssyncadd.s32 $0xFFFFF000  }
0x117: {  	[tilespmem:s2], [sflag:$0x1] =	stream.linear.gather [hbm4b:s7+s2], $0x8000, $0x38;
	[tilespmem:$0x12480] =	vst v63  }
0x118: {  	s30 =	simm.s32 $0x8200  }
0x119: {  	[tilespmem:s17], [sflag:$0x3] =	stream.linear.gather [hbm4b:s8+s2], $0x1000, $0x38;
	[tilespmem:$0x12480] =	vst v63  }
0x11a: {  	v7 =	vld [tilespmem:s30+$0xFFFFFE70]  }
0x11b: {  	v8 =	vld [tilespmem:s30+$0xFFFFFEF0]  }
0x11c: {  	v9 =	vld [tilespmem:s30+$0xFFFFFF70]  }
0x11d: {  	v10 =	vld [tilespmem:s30+$0xFFFFFFF0]  }
0x11e: {  	v11 =	vld [tilespmem:s30+$0x70]  }
0x11f: {  	v12 =	vld [tilespmem:s30+$0xF0]  }
0x120: {  	v13 =	vld [tilespmem:s30+$0x170]  }
0x121: {  	v14 =	vld [tilespmem:s30+$0x1F0]  }
0x122: {  	v17 =	vld [tilespmem:s30+$0x0]  }
0x123: {  	v18 =	vld [tilespmem:s30+$0x80]  }
0x124: {  	v20 =	vld [tilespmem:s30+$0x100]  }
0x125: {  	v21 =	vld [tilespmem:s30+$0x180]  }
0x126: {  	v22 =	vld [tilespmem:s30+$0xFFFFFE10]  }
0x127: {  	v23 =	vld [tilespmem:s30+$0xFFFFFE90]  }
0x128: {  	v24 =	vld [tilespmem:s30+$0xFFFFFF10]  }
0x129: {  	v25 =	vld [tilespmem:s30+$0xFFFFFF90]  }
0x12a: {  	v26 =	vld [tilespmem:s30+$0x10]  }
0x12b: {  	v27 =	vld [tilespmem:s30+$0x90]  }
0x12c: {  	v60 =	vld [tilespmem:s30+$0xFFFFFE30]  }
0x12d: {  	v62 =	vld [tilespmem:s30+$0xFFFFFEB0]  }
0x12e: {  	v6 =	vld [tilespmem:s30+$0xFFFFFE80]  }
0x12f: {  	v15 =	vld [tilespmem:s30+$0xFFFFFF00];
	vm0 =	vgt.f32 v8, v7  }
0x130: {  	s29 =	simm.s32 $0x11040;
	v16 =	vld [tilespmem:s30+$0xFFFFFF80];
	vm1 =	vgt.f32 v10, v9;
	vm2 =	vgt.f32 v12, v11;
	vm3 =	vgt.f32 v14, v13  }
0x131: {  	v19 =	vld [tilespmem:s29+$0x30];
	vm11 =	vgt.f32 v18, v17;
	vm12 =	vgt.f32 v21, v20;
	vm14 =	vgt.f32 v23, v22  }
0x132: {  	v55 =	vld [tilespmem:s30+$0x120];
	vm15 =	vgt.f32 v25, v24;
	vm6 =	vgt.f32 v27, v26;
	vm5 =	vgt.f32 v62, v60  }
0x133: {  	v57 =	vld [tilespmem:s30+$0x1A0];
	v7 =	vsel vm0, v8, v7;
	v8 =	vsel vm0, $0x1, v0;
	v28 =	vsel vm1, $0x3, v1  }
0x134: {  	v47 =	vld [tilespmem:s30+$0x190];
	v9 =	vsel vm1, v10, v9;
	v11 =	vsel vm2, v12, v11;
	v46 =	vsel vm3, v14, v13  }
0x135: {  	v29 =	vld [tilespmem:s30+$0xFFFFFE20];
	v48 =	vsel vm2, $0x5, v2;
	vm0 =	vgt.f32 v16, v15;
	v52 =	vsel vm12, v21, v20  }
0x136: {  	v49 =	vld [tilespmem:s30+$0xFFFFFEA0];
	v54 =	vsel vm12, $0x7, v3;
	v56 =	vsel vm14, v23, v22;
	v58 =	vsel vm14, $0x1, v0  }
0x137: {  	v63 =	vld [tilespmem:s30+$0xFFFFFF30];
	v59 =	vsel vm15, v25, v24;
	v61 =	vsel vm15, $0x3, v1;
	v26 =	vsel vm6, v27, v26  }
0x138: {  	v36 =	vld [tilespmem:s30+$0x30];
	v34 =	vsel vm6, $0x5, v2;
	vm14 =	vgt.f32 v57, v55;
	v23 =	vsel vm5, v62, v60  }
0x139: {  	v37 =	vld [tilespmem:s30+$0xB0];
	vm8 =	vgt.f32 v9, v7;
	vm9 =	vgt.f32 v46, v11;
	v20 =	vsel vm14, v57, v55  }
0x13a: {  	v10 =	vld [tilespmem:s30+$0x110];
	v7 =	vsel vm8, v9, v7;
	v9 =	vsel vm9, v46, v11;
	v11 =	vsel vm3, $0x7, v3  }
0x13b: {  	v39 =	vld [tilespmem:s30+$0x130];
	v8 =	vsel vm8, v28, v8;
	vm8 =	vgt.f32 v59, v56;
	v11 =	vsel vm9, v11, v48  }
0x13c: {  	v40 =	vld [tilespmem:s30+$0x1B0];
	vm10 =	vgt.f32 v9, v7;
	v9 =	vshll.u32 v19, $0x3;
	v7 =	vsel vm0, v16, v15  }
0x13d: {  	v33 =	vld [tilespmem:s30+$0xFFFFFFB0];
	v32 =	vsel vm8, v61, v58;
	v8 =	vsel vm10, v11, v8;
	vm10 =	vgt.f32 v49, v29  }
0x13e: {  	v50 =	vld [tilespmem:s30+$0xFFFFFF20];
	v15 =	vor.u32 v8, v9;
	v8 =	vsel vm11, v18, v17;
	v9 =	vsel vm11, $0x5, v2  }
0x13f: {  	v51 =	vld [tilespmem:s30+$0x20];
	vm7 =	vgt.f32 v47, v10;
	v17 =	vsel vm8, v59, v56;
	v12 =	vsel vm10, v49, v29  }
0x140: {  	v53 =	vld [tilespmem:s30+$0xA0];
	v38 =	vsel vm10, $0x1, v0;
	v49 =	vsel vm5, $0x1, v0;
	vm8 =	vgt.f32 v37, v36  }
0x141: {  	v46 =	vld [tilespmem:s30+$0xFFFFFF40];
	vm10 =	vgt.f32 v40, v39;
	vm13 =	vgt.f32 v52, v8;
	v10 =	vsel vm7, v47, v10  }
0x142: {  	v48 =	vld [tilespmem:s30+$0xFFFFFFC0];
	v35 =	vsel vm7, $0x7, v3;
	v47 =	vsel vm14, $0x7, v3;
	vm7 =	vgt.f32 v33, v63  }
0x143: {  	v11 =	vld [tilespmem:s30+$0xFFFFFFA0];
	v14 =	vsel vm10, v40, v39;
	v57 =	vsel vm10, $0x7, v3;
	v15 =	vadd.s32 v4, v15  }
0x144: {  	v42 =	vld [tilespmem:s30+$0xFFFFFE40];
	v8 =	vsel vm13, v52, v8;
	v9 =	vsel vm13, v54, v9;
	vm9 =	vgt.f32 v10, v26  }
0x145: {  	v44 =	vld [tilespmem:s30+$0xFFFFFEC0];
	vm13 =	vgt.f32 v53, v51;
	v13 =	vsel vm7, v33, v63;
	v54 =	vsel vm8, $0x5, v2  }
0x146: {  	v30 =	vld [tilespmem:s30+$0xD0];
	v10 =	vsel vm9, v10, v26;
	v24 =	vsel vm9, v35, v34;
	v16 =	vsel vm13, v53, v51  }
0x147: {  	v62 =	vld [tilespmem:s30+$0x50];
	v43 =	vsel vm13, $0x5, v2;
	v51 =	vsel vm7, $0x3, v1;
	vm9 =	vgt.f32 v13, v23  }
0x148: {  	v58 =	vld [tilespmem:s30+$0xFFFFFF50];
	vm14 =	vgt.f32 v48, v46;
	vm11 =	vgt.f32 v10, v17;
	vm12 =	vgt.f32 v11, v50  }
0x149: {  	v59 =	vld [tilespmem:s30+$0xFFFFFFD0];
	vm4 =	vgt.f32 v20, v16;
	v17 =	vsel vm8, v37, v36;
	v13 =	vsel vm9, v13, v23  }
0x14a: {  	v55 =	vld [tilespmem:s30+$0xFFFFFE50];
	v61 =	vsel vm14, v48, v46;
	v63 =	vsel vm14, $0x3, v1;
	v10 =	vsel vm11, v24, v32  }
0x14b: {  	v56 =	vld [tilespmem:s30+$0xFFFFFED0];
	v11 =	vsel vm12, v11, v50;
	v41 =	vsel vm12, $0x3, v1;
	v16 =	vsel vm4, v20, v16  }
0x14c: {  	v52 =	vld [tilespmem:s30+$0x140];
	v24 =	vsel vm4, v47, v43;
	vm11 =	vgt.f32 v14, v17;
	vm12 =	vgt.f32 v44, v42  }
0x14d: {  	v33 =	vld [tilespmem:s30+$0x1D0];
	vm15 =	vgt.f32 v11, v12;
	v14 =	vsel vm11, v14, v17;
	v18 =	vsel vm12, v44, v42  }
0x14e: {  	v53 =	vld [tilespmem:s30+$0x1C0];
	v17 =	vsel vm11, v57, v54;
	v60 =	vsel vm12, $0x1, v0;
	vm11 =	vgt.f32 v59, v58  }
0x14f: {  	v35 =	vld [tilespmem:s30+$0xFFFFFE60];
	vm12 =	vgt.f32 v30, v62;
	v44 =	vsel vm0, $0x3, v1;
	v11 =	vsel vm15, v11, v12  }
0x150: {  	v37 =	vld [tilespmem:s30+$0xFFFFFEE0];
	v45 =	vsel vm15, v41, v38;
	vm13 =	vgt.f32 v14, v13;
	vm7 =	vgt.f32 v61, v18  }
0x151: {  	v48 =	vld [tilespmem:s30+$0xFFFFFE00];
	v13 =	vsel vm11, v59, v58;
	v40 =	vsel vm11, $0x3, v1;
	v19 =	vsel vm12, v30, v62  }
0x152: {  	v32 =	vld [tilespmem:s30+$0x150];
	v46 =	vsel vm12, $0x5, v2;
	vm6 =	vgt.f32 v16, v11;
	v16 =	vsel vm9, v51, v49  }
0x153: {  	v14 =	vsel vm7, v63, v60;
	vm9 =	vgt.f32 v56, v55;
	v12 =	vsel vm6, v24, v45  }
0x154: {  	v50 =	vld [tilespmem:s30+$0xC0];
	v16 =	vsel vm13, v17, v16;
	vm6 =	vgt.f32 v53, v52;
	v17 =	vsel vm7, v61, v18  }
0x155: {  	v11 =	vld [tilespmem:s30+$0x40];
	v22 =	vsel vm9, v56, v55;
	v38 =	vsel vm9, $0x1, v0;
	vm5 =	vgt.f32 v37, v35  }
0x156: {  	v43 =	vld [tilespmem:s30+$0x160];
	vm11 =	vgt.f32 v6, v48;
	v31 =	vsel vm6, v53, v52;
	v36 =	vsel vm6, $0x7, v3  }
0x157: {  	v56 =	vld [tilespmem:s29+$0x0];
	vm13 =	vgt.f32 v33, v32;
	vm14 =	vgt.f32 v13, v22;
	v23 =	vsel vm5, v37, v35  }
0x158: {  	v42 =	vld [tilespmem:s30+$0xE0];
	v49 =	vsel vm5, $0x1, v0;
	v6 =	vsel vm11, v6, v48;
	v59 =	vsel vm11, $0x1, v0  }
0x159: {  	v41 =	vld [tilespmem:s30+$0x60];
	v18 =	vsel vm13, v33, v32;
	v47 =	vsel vm13, $0x7, v3;
	vm13 =	vgt.f32 v7, v6  }
0x15a: {  	v52 =	vld [tilespmem:s29+$0xFFFFFFD0];
	v13 =	vsel vm14, v13, v22;
	v6 =	vsel vm13, v7, v6;
	vm15 =	vgt.f32 v50, v11  }
0x15b: {  	v60 =	vld [tilespmem:s29+$0x20];
	v7 =	vsel vm13, v44, v59;
	v11 =	vsel vm15, v50, v11;
	v34 =	vsel vm15, $0x5, v2  }
0x15c: {  	v45 =	vld [tilespmem:s30+$0x1E0];
	vm15 =	vgt.f32 v18, v19;
	v61 =	vshll.u32 v56, $0x3;
	vm8 =	vgt.f32 v31, v11  }
0x15d: {  	v50 =	vld [tilespmem:s29+$0xFFFFFFC0];
	v18 =	vsel vm15, v18, v19;
	v27 =	vsel vm15, v47, v46;
	vm15 =	vgt.f32 v8, v6  }
0x15e: {  	v39 =	vld [tilespmem:s30+$0xFFFFFFE0];
	v11 =	vsel vm8, v31, v11;
	v20 =	vsel vm8, v36, v34;
	vm6 =	vgt.f32 v18, v13  }
0x15f: {  	v55 =	vld [tilespmem:s29+$0xFFFFFFF0];
	vm8 =	vgt.f32 v42, v41;
	v7 =	vsel vm15, v9, v7;
	v9 =	vshll.u32 v52, $0x3  }
0x160: {  	vm10 =	vgt.f32 v11, v17;
	v11 =	vld [tilespmem:s30+$0xFFFFFF60];
	v17 =	vsel vm14, v40, v38;
	v25 =	vsel vm8, v42, v41  }
0x161: {  	v58 =	vld [tilespmem:s29+$0x10];
	v54 =	vsel vm8, $0x5, v2;
	v9 =	vor.u32 v10, v9;
	v10 =	vshll.u32 v60, $0x3  }
0x162: {  	v14 =	vsel vm10, v20, v14;
	vm10 =	vgt.f32 v45, v43;
	v6 =	vshll.u32 v50, $0x3  }
0x163: {  	v17 =	vsel vm6, v27, v17;
	v19 =	vsel vm10, v45, v43;
	v6 =	vor.u32 v7, v6  }
0x164: {  	v53 =	vld [tilespmem:s29+$0xFFFFFFE0];
	v57 =	vsel vm10, $0x7, v3;
	vm12 =	vgt.f32 v19, v25;
	v62 =	vadd.s32 v4, v6  }
0x165: {  	v7 =	vshll.u32 v55, $0x3;
	v19 =	vsel vm12, v19, v25;
	vm7 =	vgt.f32 v39, v11  }
0x166: {  	v21 =	vsel vm12, v57, v54;
	v6 =	vshll.u32 v58, $0x3;
	v11 =	vsel vm7, v39, v11  }
0x167: {  	v7 =	vor.u32 v16, v7;
	v6 =	vor.u32 v17, v6;
	vm9 =	vgt.f32 v11, v23  }
0x168: {  	[tilespmem:v15+s22+$0x0] =	vst.idx.add.s32.msk $0xffff, v5;
	v51 =	vsel vm7, $0x3, v1;
	v6 =	vadd.s32 v4, v6;
	v11 =	vsel vm9, v11, v23  }
0x169: {  	v13 =	vsel vm9, v51, v49;
	vm14 =	vgt.f32 v19, v11;
	v11 =	vshll.u32 v53, $0x3;
	[tilespmem:v62+s22+$0x0] =	vst.idx.add.s32.msk $0xffff, v5  }
0x16a: {  	v8 =	vsel vm14, v21, v13;
	v12 =	vor.u32 v12, v11;
	v13 =	vor.u32 v14, v61  }
0x16b: {  	v11 =	vadd.s32 v4, v9;
	v9 =	vadd.s32 v4, v7;
	v63 =	vor.u32 v8, v10  }
0x16c: {  	s31 =	simm.s32 $0x8600;
	s30 =	simm.s32 $0x0;
	v10 =	vadd.s32 v4, v12;
	v8 =	vadd.s32 v4, v13;
	v7 =	vadd.s32 v4, v63  }
.LBB2_4:
0x16d: {  	v13 =	vld [tilespmem:s31+$0xFFFFFE70]  }
0x16e: {  	v14 =	vld [tilespmem:s31+$0xFFFFFEF0]  }
0x16f: {  	v15 =	vld [tilespmem:s31+$0xFFFFFF70]  }
0x170: {  	v16 =	vld [tilespmem:s31+$0xFFFFFFF0]  }
0x171: {  	v17 =	vld [tilespmem:s31+$0x70]  }
0x172: {  	v18 =	vld [tilespmem:s31+$0xF0]  }
0x173: {  	v19 =	vld [tilespmem:s31+$0x170]  }
0x174: {  	v20 =	vld [tilespmem:s31+$0x1F0]  }
0x175: {  	s30 =	sadd.s32 $0x8, s30;
	v12 =	vld [tilespmem:s31+$0xFFFFFE80]  }
0x176: {  	p0 =	slt.u32 s30, $0xF8;
	v21 =	vld [tilespmem:s31+$0xFFFFFF00]  }
0x177: {  	v22 =	vld [tilespmem:s31+$0xFFFFFF80]  }
0x178: {  	vm0 =	vgt.f32 v14, v13;
	v23 =	vld [tilespmem:s31+$0x0]  }
0x179: {  	s29 =	sadd.s32 $0x80, s29;
	vm1 =	vgt.f32 v16, v15;
	vm2 =	vgt.f32 v18, v17;
	v24 =	vld [tilespmem:s31+$0x80];
	vm3 =	vgt.f32 v20, v19  }
0x17a: {  	v13 =	vsel vm0, v14, v13;
	v14 =	vsel vm0, $0x1, v0;
	v25 =	vsel vm1, $0x3, v1;
	v26 =	vld [tilespmem:s29+$0x30]  }
0x17b: {  	v15 =	vsel vm1, v16, v15;
	v16 =	vsel vm2, v18, v17;
	v17 =	vsel vm3, v20, v19;
	v27 =	vld [tilespmem:s31+$0x100]  }
0x17c: {  	vm0 =	vgt.f32 v15, v13;
	v19 =	vsel vm2, $0x5, v2;
	vm1 =	vgt.f32 v17, v16;
	v18 =	vld [tilespmem:s31+$0x180]  }
0x17d: {  	v13 =	vsel vm0, v15, v13;
	v28 =	vsel vm3, $0x7, v3;
	v15 =	vsel vm1, v17, v16;
	v20 =	vld [tilespmem:s31+$0xFFFFFE10]  }
0x17e: {  	v14 =	vsel vm0, v25, v14;
	v17 =	vsel vm1, v28, v19;
	vm0 =	vgt.f32 v15, v13;
	v16 =	vld [tilespmem:s31+$0xFFFFFE90]  }
0x17f: {  	vm1 =	vgt.f32 v22, v21;
	v14 =	vsel vm0, v17, v14;
	v19 =	vld [tilespmem:s31+$0xFFFFFF10];
	v15 =	vshll.u32 v26, $0x3  }
0x180: {  	v13 =	vsel vm1, v22, v21;
	vm0 =	vgt.f32 v24, v23;
	v17 =	vld [tilespmem:s31+$0xFFFFFF90];
	v14 =	vor.u32 v14, v15  }
0x181: {  	v15 =	vsel vm0, v24, v23;
	vm2 =	vgt.f32 v18, v27;
	v21 =	vld [tilespmem:s31+$0x10];
	v22 =	vadd.s32 v4, v14  }
0x182: {  	v23 =	vsel vm0, $0x5, v2;
	v14 =	vsel vm1, $0x3, v1;
	v18 =	vsel vm2, v18, v27;
	v24 =	vld [tilespmem:s31+$0x90]  }
0x183: {  	v25 =	vsel vm2, $0x7, v3;
	vm0 =	vgt.f32 v18, v15;
	v26 =	vld [tilespmem:s31+$0x110];
	vm1 =	vgt.f32 v16, v20  }
0x184: {  	v15 =	vsel vm0, v18, v15;
	v18 =	vld [tilespmem:s31+$0x190];
	v20 =	vsel vm1, v16, v20;
	v27 =	vsel vm1, $0x1, v0  }
0x185: {  	v16 =	vsel vm0, v25, v23;
	vm0 =	vgt.f32 v17, v19;
	v23 =	vld [tilespmem:s31+$0xFFFFFE20]  }
0x186: {  	v17 =	vsel vm0, v17, v19;
	v19 =	vsel vm0, $0x3, v1;
	[tilespmem:v22+s22+$0x0] =	vst.idx.add.s32.msk $0xffff, v5  }
0x187: {  	vm0 =	vgt.f32 v24, v21;
	vm1 =	vgt.f32 v17, v20;
	v22 =	vld [tilespmem:s31+$0xFFFFFEA0]  }
0x188: {  	v21 =	vsel vm0, v24, v21;
	v24 =	vsel vm0, $0x5, v2;
	v17 =	vsel vm1, v17, v20;
	v20 =	vld [tilespmem:s31+$0xFFFFFF20]  }
0x189: {  	v19 =	vsel vm1, v19, v27;
	vm0 =	vgt.f32 v18, v26;
	v25 =	vld [tilespmem:s31+$0xFFFFFFA0]  }
0x18a: {  	v18 =	vsel vm0, v18, v26;
	v26 =	vsel vm0, $0x7, v3;
	v27 =	vld [tilespmem:s31+$0x20]  }
0x18b: {  	vm0 =	vgt.f32 v18, v21;
	v28 =	vld [tilespmem:s31+$0xA0]  }
0x18c: {  	v18 =	vsel vm0, v18, v21;
	v21 =	vsel vm0, v26, v24;
	v24 =	vld [tilespmem:s31+$0x120];
	vm0 =	vgt.f32 v22, v23  }
0x18d: {  	vm1 =	vgt.f32 v18, v17;
	v18 =	vld [tilespmem:s31+$0x1A0];
	v22 =	vsel vm0, v22, v23;
	v23 =	vsel vm0, $0x1, v0  }
0x18e: {  	v17 =	vsel vm1, v21, v19;
	vm0 =	vgt.f32 v25, v20;
	v19 =	vld [tilespmem:s31+$0xFFFFFE30]  }
0x18f: {  	v20 =	vsel vm0, v25, v20;
	v21 =	vsel vm0, $0x3, v1;
	v25 =	vld [tilespmem:s31+$0xFFFFFEB0]  }
0x190: {  	vm0 =	vgt.f32 v28, v27;
	vm1 =	vgt.f32 v20, v22;
	v26 =	vld [tilespmem:s31+$0xFFFFFF30]  }
0x191: {  	v27 =	vsel vm0, v28, v27;
	v28 =	vsel vm0, $0x5, v2;
	v20 =	vsel vm1, v20, v22;
	v22 =	vld [tilespmem:s31+$0xFFFFFFB0]  }
0x192: {  	v21 =	vsel vm1, v21, v23;
	vm0 =	vgt.f32 v18, v24;
	v23 =	vld [tilespmem:s31+$0x30]  }
0x193: {  	v18 =	vsel vm0, v18, v24;
	v24 =	vsel vm0, $0x7, v3;
	v29 =	vld [tilespmem:s31+$0xB0]  }
0x194: {  	vm0 =	vgt.f32 v18, v27;
	v30 =	vld [tilespmem:s31+$0x130];
	vm1 =	vgt.f32 v25, v19  }
0x195: {  	v18 =	vsel vm0, v18, v27;
	v27 =	vld [tilespmem:s31+$0x1B0];
	v19 =	vsel vm1, v25, v19;
	v25 =	vsel vm1, $0x1, v0  }
0x196: {  	v24 =	vsel vm0, v24, v28;
	vm0 =	vgt.f32 v18, v20;
	vm1 =	vgt.f32 v22, v26;
	v20 =	vld [tilespmem:s31+$0xFFFFFE40]  }
0x197: {  	v18 =	vsel vm0, v24, v21;
	v21 =	vsel vm1, v22, v26;
	v22 =	vsel vm1, $0x3, v1;
	v24 =	vld [tilespmem:s31+$0xFFFFFEC0]  }
0x198: {  	vm0 =	vgt.f32 v29, v23;
	vm1 =	vgt.f32 v21, v19;
	v26 =	vld [tilespmem:s31+$0xFFFFFF40]  }
0x199: {  	v23 =	vsel vm0, v29, v23;
	v28 =	vsel vm0, $0x5, v2;
	v19 =	vsel vm1, v21, v19;
	v21 =	vld [tilespmem:s31+$0xFFFFFFC0]  }
0x19a: {  	v22 =	vsel vm1, v22, v25;
	vm0 =	vgt.f32 v27, v30;
	v25 =	vld [tilespmem:s31+$0x40]  }
0x19b: {  	v27 =	vsel vm0, v27, v30;
	v29 =	vsel vm0, $0x7, v3;
	v30 =	vld [tilespmem:s31+$0xC0]  }
0x19c: {  	vm0 =	vgt.f32 v27, v23;
	v31 =	vld [tilespmem:s31+$0x140];
	vm1 =	vgt.f32 v24, v20  }
0x19d: {  	v23 =	vsel vm0, v27, v23;
	v27 =	vld [tilespmem:s31+$0x1C0];
	v20 =	vsel vm1, v24, v20;
	v24 =	vsel vm1, $0x1, v0  }
0x19e: {  	v28 =	vsel vm0, v29, v28;
	vm0 =	vgt.f32 v23, v19;
	vm1 =	vgt.f32 v21, v26;
	v23 =	vld [tilespmem:s31+$0xFFFFFE50]  }
0x19f: {  	v19 =	vsel vm0, v28, v22;
	v21 =	vsel vm1, v21, v26;
	v22 =	vsel vm1, $0x3, v1;
	v26 =	vld [tilespmem:s31+$0xFFFFFED0]  }
0x1a0: {  	vm0 =	vgt.f32 v30, v25;
	vm1 =	vgt.f32 v21, v20;
	v28 =	vld [tilespmem:s31+$0xFFFFFF50]  }
0x1a1: {  	v25 =	vsel vm0, v30, v25;
	v29 =	vsel vm0, $0x5, v2;
	v20 =	vsel vm1, v21, v20;
	v21 =	vld [tilespmem:s31+$0xFFFFFFD0]  }
0x1a2: {  	v22 =	vsel vm1, v22, v24;
	vm0 =	vgt.f32 v27, v31;
	v24 =	vld [tilespmem:s31+$0x50]  }
0x1a3: {  	v27 =	vsel vm0, v27, v31;
	v30 =	vsel vm0, $0x7, v3;
	v31 =	vld [tilespmem:s31+$0xD0]  }
0x1a4: {  	vm0 =	vgt.f32 v27, v25;
	v32 =	vld [tilespmem:s31+$0x150];
	vm1 =	vgt.f32 v26, v23  }
0x1a5: {  	v25 =	vsel vm0, v27, v25;
	v27 =	vld [tilespmem:s31+$0x1D0];
	v23 =	vsel vm1, v26, v23;
	v26 =	vsel vm1, $0x1, v0  }
0x1a6: {  	v29 =	vsel vm0, v30, v29;
	vm0 =	vgt.f32 v25, v20;
	vm1 =	vgt.f32 v21, v28;
	v20 =	vld [tilespmem:s31+$0xFFFFFE60]  }
0x1a7: {  	v22 =	vsel vm0, v29, v22;
	v21 =	vsel vm1, v21, v28;
	v25 =	vsel vm1, $0x3, v1;
	v28 =	vld [tilespmem:s31+$0xFFFFFEE0]  }
0x1a8: {  	vm0 =	vgt.f32 v31, v24;
	vm1 =	vgt.f32 v21, v23;
	v29 =	vld [tilespmem:s31+$0xFFFFFF60]  }
0x1a9: {  	v24 =	vsel vm0, v31, v24;
	v30 =	vsel vm0, $0x5, v2;
	v21 =	vsel vm1, v21, v23;
	v23 =	vld [tilespmem:s31+$0xFFFFFFE0]  }
0x1aa: {  	v25 =	vsel vm1, v25, v26;
	vm0 =	vgt.f32 v27, v32;
	v26 =	vld [tilespmem:s31+$0x60]  }
0x1ab: {  	v27 =	vsel vm0, v27, v32;
	v31 =	vsel vm0, $0x7, v3;
	v32 =	vld [tilespmem:s31+$0xE0]  }
0x1ac: {  	vm0 =	vgt.f32 v27, v24;
	v33 =	vld [tilespmem:s31+$0x160];
	vm1 =	vgt.f32 v28, v20  }
0x1ad: {  	v24 =	vsel vm0, v27, v24;
	v27 =	vld [tilespmem:s31+$0x1E0];
	v20 =	vsel vm1, v28, v20;
	v28 =	vsel vm1, $0x1, v0  }
0x1ae: {  	v30 =	vsel vm0, v31, v30;
	v34 =	vld [tilespmem:s31+$0xFFFFFE00];
	vm0 =	vgt.f32 v24, v21;
	vm1 =	vgt.f32 v23, v29  }
0x1af: {  	v21 =	vld [tilespmem:s29+$0xFFFFFFC0];
	v24 =	vsel vm0, v30, v25;
	v23 =	vsel vm1, v23, v29;
	v25 =	vsel vm1, $0x3, v1  }
0x1b0: {  	v29 =	vld [tilespmem:s29+$0xFFFFFFD0];
	vm0 =	vgt.f32 v32, v26;
	vm1 =	vgt.f32 v23, v20  }
0x1b1: {  	v30 =	vld [tilespmem:s29+$0xFFFFFFE0];
	v26 =	vsel vm0, v32, v26;
	v31 =	vsel vm0, $0x5, v2;
	v20 =	vsel vm1, v23, v20  }
0x1b2: {  	v25 =	vsel vm1, v25, v28;
	v23 =	vld [tilespmem:s29+$0xFFFFFFF0];
	vm0 =	vgt.f32 v27, v33  }
0x1b3: {  	vm1 =	vgt.f32 v12, v34;
	v28 =	vld [tilespmem:s29+$0x0];
	v27 =	vsel vm0, v27, v33;
	v32 =	vsel vm0, $0x7, v3  }
0x1b4: {  	v12 =	vsel vm1, v12, v34;
	v33 =	vsel vm1, $0x1, v0;
	v34 =	vld [tilespmem:s29+$0x10];
	vm0 =	vgt.f32 v27, v26  }
0x1b5: {  	vm1 =	vgt.f32 v13, v12;
	v26 =	vsel vm0, v27, v26;
	v27 =	vsel vm0, v32, v31;
	v31 =	vld [tilespmem:s29+$0x20]  }
0x1b6: {  	v12 =	vsel vm1, v13, v12;
	v13 =	vsel vm1, v14, v33;
	vm0 =	vgt.f32 v26, v20  }
0x1b7: {  	vm1 =	vgt.f32 v15, v12;
	v12 =	vshll.u32 v21, $0x3;
	v14 =	vsel vm0, v27, v25;
	[tilespmem:v11+s22+$0x0] =	vst.idx.add.s32.msk $0xffff, v5  }
0x1b8: {  	v15 =	vshll.u32 v30, $0x3;
	v11 =	vsel vm1, v16, v13;
	v13 =	vshll.u32 v29, $0x3;
	[tilespmem:v10+s22+$0x0] =	vst.idx.add.s32.msk $0xffff, v5  }
0x1b9: {  	v10 =	vshll.u32 v23, $0x3;
	v16 =	vshll.u32 v28, $0x3;
	v20 =	vshll.u32 v34, $0x3;
	[tilespmem:v9+s22+$0x0] =	vst.idx.add.s32.msk $0xffff, v5  }
0x1ba: {  	v9 =	vor.u32 v11, v12;
	v11 =	vor.u32 v17, v13;
	v12 =	vshll.u32 v31, $0x3;
	[tilespmem:v8+s22+$0x0] =	vst.idx.add.s32.msk $0xffff, v5  }
0x1bb: {  	v13 =	vor.u32 v19, v10;
	v8 =	vor.u32 v18, v15;
	v15 =	vor.u32 v22, v16  }
0x1bc: {  	v16 =	vadd.s32 v4, v9;
	v17 =	vor.u32 v24, v20;
	v12 =	vor.u32 v14, v12  }
.Ltmp1:
0x1bd: {  	v11 =	vadd.s32 v4, v11;
	v9 =	vadd.s32 v4, v13;
	v10 =	vadd.s32 v4, v8;
	(pc) =	sbr.rel @p0 .LBB2_4-.Ltmp1, $4  }
0x1be: {  	v8 =	vadd.s32 v4, v15;
	v13 =	vadd.s32 v4, v17;
	v12 =	vadd.s32 v4, v12  }
0x1bf: {  	[tilespmem:v6+s22+$0x0] =	vst.idx.add.s32.msk $0xffff, v5;
	v6 =	vmov v13  }
0x1c0: {  	[tilespmem:v7+s22+$0x0] =	vst.idx.add.s32.msk $0xffff, v5;
	v7 =	vmov v12  }
0x1c1: {  	s31 =	sadd.s32 $0x400, s31;
	[tilespmem:v16+s22+$0x0] =	vst.idx.add.s32.msk $0xffff, v5  }
0x1c2: {  	_ =	sdelay $0x3  }
0x1c3: {  	[tilespmem:v11+s22+$0x0] =	vst.idx.add.s32.msk $0xffff, v5  }
0x1c4: {  	[tilespmem:v10+s22+$0x0] =	vst.idx.add.s32.msk $0xffff, v5  }
0x1c5: {  	[tilespmem:v9+s22+$0x0] =	vst.idx.add.s32.msk $0xffff, v5  }
0x1c6: {  	[tilespmem:v8+s22+$0x0] =	vst.idx.add.s32.msk $0xffff, v5  }
0x1c7: {  	[tilespmem:v6+s22+$0x0] =	vst.idx.add.s32.msk $0xffff, v5  }
0x1c8: {  	[tilespmem:v7+s22+$0x0] =	vst.idx.add.s32.msk $0xffff, v5  }
0x1c9: {  	_ =	swait.ge [sflag:s18], $0x8000  }
0x1ca: {  	[sflag:s18] =	ssyncset.done $0x0  }
0x1cb: {  	[sflag:s18] =	ssyncadd.s32 $0xFFFF8000  }
0x1cc: {  	_ =	swait.ge [sflag:s19], $0x1000  }
0x1cd: {  	[sflag:s19] =	ssyncset.done $0x0  }
0x1ce: {  	[sflag:s19] =	ssyncadd.s32 $0xFFFFF000  }
0x1cf: {  	[tilespmem:s20], [sflag:$0x2] =	stream.linear.gather [hbm4b:s9+s2], $0x8000, $0x38;
	[tilespmem:$0x12480] =	vst v63  }
0x1d0: {  	s30 =	simm.s32 $0x200  }
0x1d1: {  	[tilespmem:s21], [sflag:$0x4] =	stream.linear.gather [hbm4b:s10+s2], $0x1000, $0x38;
	[tilespmem:$0x12480] =	vst v63  }
0x1d2: {  	v7 =	vld [tilespmem:s30+$0xFFFFFE70]  }
0x1d3: {  	v8 =	vld [tilespmem:s30+$0xFFFFFEF0]  }
0x1d4: {  	v9 =	vld [tilespmem:s30+$0xFFFFFF70]  }
0x1d5: {  	v10 =	vld [tilespmem:s30+$0xFFFFFFF0]  }
0x1d6: {  	v11 =	vld [tilespmem:s30+$0x70]  }
0x1d7: {  	v12 =	vld [tilespmem:s30+$0xF0]  }
0x1d8: {  	v13 =	vld [tilespmem:s30+$0x170]  }
0x1d9: {  	v14 =	vld [tilespmem:s30+$0x1F0]  }
0x1da: {  	v17 =	vld [tilespmem:s30+$0x0]  }
0x1db: {  	v18 =	vld [tilespmem:s30+$0x80]  }
0x1dc: {  	v20 =	vld [tilespmem:s30+$0x100]  }
0x1dd: {  	v21 =	vld [tilespmem:s30+$0x180]  }
0x1de: {  	v22 =	vld [tilespmem:s30+$0xFFFFFE10]  }
0x1df: {  	v23 =	vld [tilespmem:s30+$0xFFFFFE90]  }
0x1e0: {  	v24 =	vld [tilespmem:s30+$0xFFFFFF10]  }
0x1e1: {  	v25 =	vld [tilespmem:s30+$0xFFFFFF90]  }
0x1e2: {  	v26 =	vld [tilespmem:s30+$0x10]  }
0x1e3: {  	v27 =	vld [tilespmem:s30+$0x90]  }
0x1e4: {  	v60 =	vld [tilespmem:s30+$0xFFFFFE30]  }
0x1e5: {  	v62 =	vld [tilespmem:s30+$0xFFFFFEB0]  }
0x1e6: {  	v6 =	vld [tilespmem:s30+$0xFFFFFE80]  }
0x1e7: {  	v15 =	vld [tilespmem:s30+$0xFFFFFF00];
	vm0 =	vgt.f32 v8, v7  }
0x1e8: {  	s29 =	simm.s32 $0x10040;
	v16 =	vld [tilespmem:s30+$0xFFFFFF80];
	vm1 =	vgt.f32 v10, v9;
	vm2 =	vgt.f32 v12, v11;
	vm3 =	vgt.f32 v14, v13  }
0x1e9: {  	v19 =	vld [tilespmem:s29+$0x30];
	vm11 =	vgt.f32 v18, v17;
	vm12 =	vgt.f32 v21, v20;
	vm14 =	vgt.f32 v23, v22  }
0x1ea: {  	v55 =	vld [tilespmem:s30+$0x120];
	vm15 =	vgt.f32 v25, v24;
	vm6 =	vgt.f32 v27, v26;
	vm5 =	vgt.f32 v62, v60  }
0x1eb: {  	v57 =	vld [tilespmem:s30+$0x1A0];
	v7 =	vsel vm0, v8, v7;
	v8 =	vsel vm0, $0x1, v0;
	v28 =	vsel vm1, $0x3, v1  }
0x1ec: {  	v47 =	vld [tilespmem:s30+$0x190];
	v9 =	vsel vm1, v10, v9;
	v11 =	vsel vm2, v12, v11;
	v46 =	vsel vm3, v14, v13  }
0x1ed: {  	v29 =	vld [tilespmem:s30+$0xFFFFFE20];
	v48 =	vsel vm2, $0x5, v2;
	vm0 =	vgt.f32 v16, v15;
	v52 =	vsel vm12, v21, v20  }
0x1ee: {  	v49 =	vld [tilespmem:s30+$0xFFFFFEA0];
	v54 =	vsel vm12, $0x7, v3;
	v56 =	vsel vm14, v23, v22;
	v58 =	vsel vm14, $0x1, v0  }
0x1ef: {  	v63 =	vld [tilespmem:s30+$0xFFFFFF30];
	v59 =	vsel vm15, v25, v24;
	v61 =	vsel vm15, $0x3, v1;
	v26 =	vsel vm6, v27, v26  }
0x1f0: {  	v36 =	vld [tilespmem:s30+$0x30];
	v34 =	vsel vm6, $0x5, v2;
	vm14 =	vgt.f32 v57, v55;
	v23 =	vsel vm5, v62, v60  }
0x1f1: {  	v37 =	vld [tilespmem:s30+$0xB0];
	vm8 =	vgt.f32 v9, v7;
	vm9 =	vgt.f32 v46, v11;
	v20 =	vsel vm14, v57, v55  }
0x1f2: {  	v10 =	vld [tilespmem:s30+$0x110];
	v7 =	vsel vm8, v9, v7;
	v9 =	vsel vm9, v46, v11;
	v11 =	vsel vm3, $0x7, v3  }
0x1f3: {  	v39 =	vld [tilespmem:s30+$0x130];
	v8 =	vsel vm8, v28, v8;
	vm8 =	vgt.f32 v59, v56;
	v11 =	vsel vm9, v11, v48  }
0x1f4: {  	v40 =	vld [tilespmem:s30+$0x1B0];
	vm10 =	vgt.f32 v9, v7;
	v9 =	vshll.u32 v19, $0x3;
	v7 =	vsel vm0, v16, v15  }
0x1f5: {  	v33 =	vld [tilespmem:s30+$0xFFFFFFB0];
	v32 =	vsel vm8, v61, v58;
	v8 =	vsel vm10, v11, v8;
	vm10 =	vgt.f32 v49, v29  }
0x1f6: {  	v50 =	vld [tilespmem:s30+$0xFFFFFF20];
	v15 =	vor.u32 v8, v9;
	v8 =	vsel vm11, v18, v17;
	v9 =	vsel vm11, $0x5, v2  }
0x1f7: {  	v51 =	vld [tilespmem:s30+$0x20];
	vm7 =	vgt.f32 v47, v10;
	v17 =	vsel vm8, v59, v56;
	v12 =	vsel vm10, v49, v29  }
0x1f8: {  	v53 =	vld [tilespmem:s30+$0xA0];
	v38 =	vsel vm10, $0x1, v0;
	v49 =	vsel vm5, $0x1, v0;
	vm8 =	vgt.f32 v37, v36  }
0x1f9: {  	v46 =	vld [tilespmem:s30+$0xFFFFFF40];
	vm10 =	vgt.f32 v40, v39;
	vm13 =	vgt.f32 v52, v8;
	v10 =	vsel vm7, v47, v10  }
0x1fa: {  	v48 =	vld [tilespmem:s30+$0xFFFFFFC0];
	v35 =	vsel vm7, $0x7, v3;
	v47 =	vsel vm14, $0x7, v3;
	vm7 =	vgt.f32 v33, v63  }
0x1fb: {  	v11 =	vld [tilespmem:s30+$0xFFFFFFA0];
	v14 =	vsel vm10, v40, v39;
	v57 =	vsel vm10, $0x7, v3;
	v15 =	vadd.s32 v4, v15  }
0x1fc: {  	v42 =	vld [tilespmem:s30+$0xFFFFFE40];
	v8 =	vsel vm13, v52, v8;
	v9 =	vsel vm13, v54, v9;
	vm9 =	vgt.f32 v10, v26  }
0x1fd: {  	v44 =	vld [tilespmem:s30+$0xFFFFFEC0];
	vm13 =	vgt.f32 v53, v51;
	v13 =	vsel vm7, v33, v63;
	v54 =	vsel vm8, $0x5, v2  }
0x1fe: {  	v30 =	vld [tilespmem:s30+$0xD0];
	v10 =	vsel vm9, v10, v26;
	v24 =	vsel vm9, v35, v34;
	v16 =	vsel vm13, v53, v51  }
0x1ff: {  	v62 =	vld [tilespmem:s30+$0x50];
	v43 =	vsel vm13, $0x5, v2;
	v51 =	vsel vm7, $0x3, v1;
	vm9 =	vgt.f32 v13, v23  }
0x200: {  	v58 =	vld [tilespmem:s30+$0xFFFFFF50];
	vm14 =	vgt.f32 v48, v46;
	vm11 =	vgt.f32 v10, v17;
	vm12 =	vgt.f32 v11, v50  }
0x201: {  	v59 =	vld [tilespmem:s30+$0xFFFFFFD0];
	vm4 =	vgt.f32 v20, v16;
	v17 =	vsel vm8, v37, v36;
	v13 =	vsel vm9, v13, v23  }
0x202: {  	v55 =	vld [tilespmem:s30+$0xFFFFFE50];
	v61 =	vsel vm14, v48, v46;
	v63 =	vsel vm14, $0x3, v1;
	v10 =	vsel vm11, v24, v32  }
0x203: {  	v56 =	vld [tilespmem:s30+$0xFFFFFED0];
	v11 =	vsel vm12, v11, v50;
	v41 =	vsel vm12, $0x3, v1;
	v16 =	vsel vm4, v20, v16  }
0x204: {  	v52 =	vld [tilespmem:s30+$0x140];
	v24 =	vsel vm4, v47, v43;
	vm11 =	vgt.f32 v14, v17;
	vm12 =	vgt.f32 v44, v42  }
0x205: {  	v33 =	vld [tilespmem:s30+$0x1D0];
	vm15 =	vgt.f32 v11, v12;
	v14 =	vsel vm11, v14, v17;
	v18 =	vsel vm12, v44, v42  }
0x206: {  	v53 =	vld [tilespmem:s30+$0x1C0];
	v17 =	vsel vm11, v57, v54;
	v60 =	vsel vm12, $0x1, v0;
	vm11 =	vgt.f32 v59, v58  }
0x207: {  	v35 =	vld [tilespmem:s30+$0xFFFFFE60];
	vm12 =	vgt.f32 v30, v62;
	v44 =	vsel vm0, $0x3, v1;
	v11 =	vsel vm15, v11, v12  }
0x208: {  	v37 =	vld [tilespmem:s30+$0xFFFFFEE0];
	v45 =	vsel vm15, v41, v38;
	vm13 =	vgt.f32 v14, v13;
	vm7 =	vgt.f32 v61, v18  }
0x209: {  	v48 =	vld [tilespmem:s30+$0xFFFFFE00];
	v13 =	vsel vm11, v59, v58;
	v40 =	vsel vm11, $0x3, v1;
	v19 =	vsel vm12, v30, v62  }
0x20a: {  	v32 =	vld [tilespmem:s30+$0x150];
	v46 =	vsel vm12, $0x5, v2;
	vm6 =	vgt.f32 v16, v11;
	v16 =	vsel vm9, v51, v49  }
0x20b: {  	v14 =	vsel vm7, v63, v60;
	vm9 =	vgt.f32 v56, v55;
	v12 =	vsel vm6, v24, v45  }
0x20c: {  	v50 =	vld [tilespmem:s30+$0xC0];
	v16 =	vsel vm13, v17, v16;
	vm6 =	vgt.f32 v53, v52;
	v17 =	vsel vm7, v61, v18  }
0x20d: {  	v11 =	vld [tilespmem:s30+$0x40];
	v22 =	vsel vm9, v56, v55;
	v38 =	vsel vm9, $0x1, v0;
	vm5 =	vgt.f32 v37, v35  }
0x20e: {  	v43 =	vld [tilespmem:s30+$0x160];
	vm11 =	vgt.f32 v6, v48;
	v31 =	vsel vm6, v53, v52;
	v36 =	vsel vm6, $0x7, v3  }
0x20f: {  	v56 =	vld [tilespmem:s29+$0x0];
	vm13 =	vgt.f32 v33, v32;
	vm14 =	vgt.f32 v13, v22;
	v23 =	vsel vm5, v37, v35  }
0x210: {  	v42 =	vld [tilespmem:s30+$0xE0];
	v49 =	vsel vm5, $0x1, v0;
	v6 =	vsel vm11, v6, v48;
	v59 =	vsel vm11, $0x1, v0  }
0x211: {  	v41 =	vld [tilespmem:s30+$0x60];
	v18 =	vsel vm13, v33, v32;
	v47 =	vsel vm13, $0x7, v3;
	vm13 =	vgt.f32 v7, v6  }
0x212: {  	v52 =	vld [tilespmem:s29+$0xFFFFFFD0];
	v13 =	vsel vm14, v13, v22;
	v6 =	vsel vm13, v7, v6;
	vm15 =	vgt.f32 v50, v11  }
0x213: {  	v60 =	vld [tilespmem:s29+$0x20];
	v7 =	vsel vm13, v44, v59;
	v11 =	vsel vm15, v50, v11;
	v34 =	vsel vm15, $0x5, v2  }
0x214: {  	v45 =	vld [tilespmem:s30+$0x1E0];
	vm15 =	vgt.f32 v18, v19;
	v61 =	vshll.u32 v56, $0x3;
	vm8 =	vgt.f32 v31, v11  }
0x215: {  	v50 =	vld [tilespmem:s29+$0xFFFFFFC0];
	v18 =	vsel vm15, v18, v19;
	v27 =	vsel vm15, v47, v46;
	vm15 =	vgt.f32 v8, v6  }
0x216: {  	v39 =	vld [tilespmem:s30+$0xFFFFFFE0];
	v11 =	vsel vm8, v31, v11;
	v20 =	vsel vm8, v36, v34;
	vm6 =	vgt.f32 v18, v13  }
0x217: {  	v55 =	vld [tilespmem:s29+$0xFFFFFFF0];
	vm8 =	vgt.f32 v42, v41;
	v7 =	vsel vm15, v9, v7;
	v9 =	vshll.u32 v52, $0x3  }
0x218: {  	vm10 =	vgt.f32 v11, v17;
	v11 =	vld [tilespmem:s30+$0xFFFFFF60];
	v17 =	vsel vm14, v40, v38;
	v25 =	vsel vm8, v42, v41  }
0x219: {  	v58 =	vld [tilespmem:s29+$0x10];
	v54 =	vsel vm8, $0x5, v2;
	v9 =	vor.u32 v10, v9;
	v10 =	vshll.u32 v60, $0x3  }
0x21a: {  	v14 =	vsel vm10, v20, v14;
	vm10 =	vgt.f32 v45, v43;
	v6 =	vshll.u32 v50, $0x3  }
0x21b: {  	v17 =	vsel vm6, v27, v17;
	v19 =	vsel vm10, v45, v43;
	v6 =	vor.u32 v7, v6  }
0x21c: {  	v53 =	vld [tilespmem:s29+$0xFFFFFFE0];
	v57 =	vsel vm10, $0x7, v3;
	vm12 =	vgt.f32 v19, v25;
	v62 =	vadd.s32 v4, v6  }
0x21d: {  	v7 =	vshll.u32 v55, $0x3;
	v19 =	vsel vm12, v19, v25;
	vm7 =	vgt.f32 v39, v11  }
0x21e: {  	v21 =	vsel vm12, v57, v54;
	v6 =	vshll.u32 v58, $0x3;
	v11 =	vsel vm7, v39, v11  }
0x21f: {  	v7 =	vor.u32 v16, v7;
	v6 =	vor.u32 v17, v6;
	vm9 =	vgt.f32 v11, v23  }
0x220: {  	[tilespmem:v15+s22+$0x0] =	vst.idx.add.s32.msk $0xffff, v5;
	v51 =	vsel vm7, $0x3, v1;
	v6 =	vadd.s32 v4, v6;
	v11 =	vsel vm9, v11, v23  }
0x221: {  	v13 =	vsel vm9, v51, v49;
	vm14 =	vgt.f32 v19, v11;
	v11 =	vshll.u32 v53, $0x3;
	[tilespmem:v62+s22+$0x0] =	vst.idx.add.s32.msk $0xffff, v5  }
0x222: {  	v8 =	vsel vm14, v21, v13;
	v12 =	vor.u32 v12, v11;
	v13 =	vor.u32 v14, v61  }
0x223: {  	v11 =	vadd.s32 v4, v9;
	v9 =	vadd.s32 v4, v7;
	v63 =	vor.u32 v8, v10  }
0x224: {  	s31 =	simm.s32 $0x600;
	s30 =	simm.s32 $0x0;
	v10 =	vadd.s32 v4, v12;
	v8 =	vadd.s32 v4, v13;
	v7 =	vadd.s32 v4, v63  }
.LBB2_6:
0x225: {  	v13 =	vld [tilespmem:s31+$0xFFFFFE70]  }
0x226: {  	v14 =	vld [tilespmem:s31+$0xFFFFFEF0]  }
0x227: {  	v15 =	vld [tilespmem:s31+$0xFFFFFF70]  }
0x228: {  	v16 =	vld [tilespmem:s31+$0xFFFFFFF0]  }
0x229: {  	v17 =	vld [tilespmem:s31+$0x70]  }
0x22a: {  	v18 =	vld [tilespmem:s31+$0xF0]  }
0x22b: {  	v19 =	vld [tilespmem:s31+$0x170]  }
0x22c: {  	v20 =	vld [tilespmem:s31+$0x1F0]  }
0x22d: {  	s30 =	sadd.s32 $0x8, s30;
	v12 =	vld [tilespmem:s31+$0xFFFFFE80]  }
0x22e: {  	p0 =	slt.u32 s30, $0xF8;
	v21 =	vld [tilespmem:s31+$0xFFFFFF00]  }
0x22f: {  	v22 =	vld [tilespmem:s31+$0xFFFFFF80]  }
0x230: {  	vm0 =	vgt.f32 v14, v13;
	v23 =	vld [tilespmem:s31+$0x0]  }
0x231: {  	s29 =	sadd.s32 $0x80, s29;
	vm1 =	vgt.f32 v16, v15;
	vm2 =	vgt.f32 v18, v17;
	v24 =	vld [tilespmem:s31+$0x80];
	vm3 =	vgt.f32 v20, v19  }
0x232: {  	v13 =	vsel vm0, v14, v13;
	v14 =	vsel vm0, $0x1, v0;
	v25 =	vsel vm1, $0x3, v1;
	v26 =	vld [tilespmem:s29+$0x30]  }
0x233: {  	v15 =	vsel vm1, v16, v15;
	v16 =	vsel vm2, v18, v17;
	v17 =	vsel vm3, v20, v19;
	v27 =	vld [tilespmem:s31+$0x100]  }
0x234: {  	vm0 =	vgt.f32 v15, v13;
	v19 =	vsel vm2, $0x5, v2;
	vm1 =	vgt.f32 v17, v16;
	v18 =	vld [tilespmem:s31+$0x180]  }
0x235: {  	v13 =	vsel vm0, v15, v13;
	v28 =	vsel vm3, $0x7, v3;
	v15 =	vsel vm1, v17, v16;
	v20 =	vld [tilespmem:s31+$0xFFFFFE10]  }
0x236: {  	v14 =	vsel vm0, v25, v14;
	v17 =	vsel vm1, v28, v19;
	vm0 =	vgt.f32 v15, v13;
	v16 =	vld [tilespmem:s31+$0xFFFFFE90]  }
0x237: {  	vm1 =	vgt.f32 v22, v21;
	v14 =	vsel vm0, v17, v14;
	v19 =	vld [tilespmem:s31+$0xFFFFFF10];
	v15 =	vshll.u32 v26, $0x3  }
0x238: {  	v13 =	vsel vm1, v22, v21;
	vm0 =	vgt.f32 v24, v23;
	v17 =	vld [tilespmem:s31+$0xFFFFFF90];
	v14 =	vor.u32 v14, v15  }
0x239: {  	v15 =	vsel vm0, v24, v23;
	vm2 =	vgt.f32 v18, v27;
	v21 =	vld [tilespmem:s31+$0x10];
	v22 =	vadd.s32 v4, v14  }
0x23a: {  	v23 =	vsel vm0, $0x5, v2;
	v14 =	vsel vm1, $0x3, v1;
	v18 =	vsel vm2, v18, v27;
	v24 =	vld [tilespmem:s31+$0x90]  }
0x23b: {  	v25 =	vsel vm2, $0x7, v3;
	vm0 =	vgt.f32 v18, v15;
	v26 =	vld [tilespmem:s31+$0x110];
	vm1 =	vgt.f32 v16, v20  }
0x23c: {  	v15 =	vsel vm0, v18, v15;
	v18 =	vld [tilespmem:s31+$0x190];
	v20 =	vsel vm1, v16, v20;
	v27 =	vsel vm1, $0x1, v0  }
0x23d: {  	v16 =	vsel vm0, v25, v23;
	vm0 =	vgt.f32 v17, v19;
	v23 =	vld [tilespmem:s31+$0xFFFFFE20]  }
0x23e: {  	v17 =	vsel vm0, v17, v19;
	v19 =	vsel vm0, $0x3, v1;
	[tilespmem:v22+s22+$0x0] =	vst.idx.add.s32.msk $0xffff, v5  }
0x23f: {  	vm0 =	vgt.f32 v24, v21;
	vm1 =	vgt.f32 v17, v20;
	v22 =	vld [tilespmem:s31+$0xFFFFFEA0]  }
0x240: {  	v21 =	vsel vm0, v24, v21;
	v24 =	vsel vm0, $0x5, v2;
	v17 =	vsel vm1, v17, v20;
	v20 =	vld [tilespmem:s31+$0xFFFFFF20]  }
0x241: {  	v19 =	vsel vm1, v19, v27;
	vm0 =	vgt.f32 v18, v26;
	v25 =	vld [tilespmem:s31+$0xFFFFFFA0]  }
0x242: {  	v18 =	vsel vm0, v18, v26;
	v26 =	vsel vm0, $0x7, v3;
	v27 =	vld [tilespmem:s31+$0x20]  }
0x243: {  	vm0 =	vgt.f32 v18, v21;
	v28 =	vld [tilespmem:s31+$0xA0]  }
0x244: {  	v18 =	vsel vm0, v18, v21;
	v21 =	vsel vm0, v26, v24;
	v24 =	vld [tilespmem:s31+$0x120];
	vm0 =	vgt.f32 v22, v23  }
0x245: {  	vm1 =	vgt.f32 v18, v17;
	v18 =	vld [tilespmem:s31+$0x1A0];
	v22 =	vsel vm0, v22, v23;
	v23 =	vsel vm0, $0x1, v0  }
0x246: {  	v17 =	vsel vm1, v21, v19;
	vm0 =	vgt.f32 v25, v20;
	v19 =	vld [tilespmem:s31+$0xFFFFFE30]  }
0x247: {  	v20 =	vsel vm0, v25, v20;
	v21 =	vsel vm0, $0x3, v1;
	v25 =	vld [tilespmem:s31+$0xFFFFFEB0]  }
0x248: {  	vm0 =	vgt.f32 v28, v27;
	vm1 =	vgt.f32 v20, v22;
	v26 =	vld [tilespmem:s31+$0xFFFFFF30]  }
0x249: {  	v27 =	vsel vm0, v28, v27;
	v28 =	vsel vm0, $0x5, v2;
	v20 =	vsel vm1, v20, v22;
	v22 =	vld [tilespmem:s31+$0xFFFFFFB0]  }
0x24a: {  	v21 =	vsel vm1, v21, v23;
	vm0 =	vgt.f32 v18, v24;
	v23 =	vld [tilespmem:s31+$0x30]  }
0x24b: {  	v18 =	vsel vm0, v18, v24;
	v24 =	vsel vm0, $0x7, v3;
	v29 =	vld [tilespmem:s31+$0xB0]  }
0x24c: {  	vm0 =	vgt.f32 v18, v27;
	v30 =	vld [tilespmem:s31+$0x130];
	vm1 =	vgt.f32 v25, v19  }
0x24d: {  	v18 =	vsel vm0, v18, v27;
	v27 =	vld [tilespmem:s31+$0x1B0];
	v19 =	vsel vm1, v25, v19;
	v25 =	vsel vm1, $0x1, v0  }
0x24e: {  	v24 =	vsel vm0, v24, v28;
	vm0 =	vgt.f32 v18, v20;
	vm1 =	vgt.f32 v22, v26;
	v20 =	vld [tilespmem:s31+$0xFFFFFE40]  }
0x24f: {  	v18 =	vsel vm0, v24, v21;
	v21 =	vsel vm1, v22, v26;
	v22 =	vsel vm1, $0x3, v1;
	v24 =	vld [tilespmem:s31+$0xFFFFFEC0]  }
0x250: {  	vm0 =	vgt.f32 v29, v23;
	vm1 =	vgt.f32 v21, v19;
	v26 =	vld [tilespmem:s31+$0xFFFFFF40]  }
0x251: {  	v23 =	vsel vm0, v29, v23;
	v28 =	vsel vm0, $0x5, v2;
	v19 =	vsel vm1, v21, v19;
	v21 =	vld [tilespmem:s31+$0xFFFFFFC0]  }
0x252: {  	v22 =	vsel vm1, v22, v25;
	vm0 =	vgt.f32 v27, v30;
	v25 =	vld [tilespmem:s31+$0x40]  }
0x253: {  	v27 =	vsel vm0, v27, v30;
	v29 =	vsel vm0, $0x7, v3;
	v30 =	vld [tilespmem:s31+$0xC0]  }
0x254: {  	vm0 =	vgt.f32 v27, v23;
	v31 =	vld [tilespmem:s31+$0x140];
	vm1 =	vgt.f32 v24, v20  }
0x255: {  	v23 =	vsel vm0, v27, v23;
	v27 =	vld [tilespmem:s31+$0x1C0];
	v20 =	vsel vm1, v24, v20;
	v24 =	vsel vm1, $0x1, v0  }
0x256: {  	v28 =	vsel vm0, v29, v28;
	vm0 =	vgt.f32 v23, v19;
	vm1 =	vgt.f32 v21, v26;
	v23 =	vld [tilespmem:s31+$0xFFFFFE50]  }
0x257: {  	v19 =	vsel vm0, v28, v22;
	v21 =	vsel vm1, v21, v26;
	v22 =	vsel vm1, $0x3, v1;
	v26 =	vld [tilespmem:s31+$0xFFFFFED0]  }
0x258: {  	vm0 =	vgt.f32 v30, v25;
	vm1 =	vgt.f32 v21, v20;
	v28 =	vld [tilespmem:s31+$0xFFFFFF50]  }
0x259: {  	v25 =	vsel vm0, v30, v25;
	v29 =	vsel vm0, $0x5, v2;
	v20 =	vsel vm1, v21, v20;
	v21 =	vld [tilespmem:s31+$0xFFFFFFD0]  }
0x25a: {  	v22 =	vsel vm1, v22, v24;
	vm0 =	vgt.f32 v27, v31;
	v24 =	vld [tilespmem:s31+$0x50]  }
0x25b: {  	v27 =	vsel vm0, v27, v31;
	v30 =	vsel vm0, $0x7, v3;
	v31 =	vld [tilespmem:s31+$0xD0]  }
0x25c: {  	vm0 =	vgt.f32 v27, v25;
	v32 =	vld [tilespmem:s31+$0x150];
	vm1 =	vgt.f32 v26, v23  }
0x25d: {  	v25 =	vsel vm0, v27, v25;
	v27 =	vld [tilespmem:s31+$0x1D0];
	v23 =	vsel vm1, v26, v23;
	v26 =	vsel vm1, $0x1, v0  }
0x25e: {  	v29 =	vsel vm0, v30, v29;
	vm0 =	vgt.f32 v25, v20;
	vm1 =	vgt.f32 v21, v28;
	v20 =	vld [tilespmem:s31+$0xFFFFFE60]  }
0x25f: {  	v22 =	vsel vm0, v29, v22;
	v21 =	vsel vm1, v21, v28;
	v25 =	vsel vm1, $0x3, v1;
	v28 =	vld [tilespmem:s31+$0xFFFFFEE0]  }
0x260: {  	vm0 =	vgt.f32 v31, v24;
	vm1 =	vgt.f32 v21, v23;
	v29 =	vld [tilespmem:s31+$0xFFFFFF60]  }
0x261: {  	v24 =	vsel vm0, v31, v24;
	v30 =	vsel vm0, $0x5, v2;
	v21 =	vsel vm1, v21, v23;
	v23 =	vld [tilespmem:s31+$0xFFFFFFE0]  }
0x262: {  	v25 =	vsel vm1, v25, v26;
	vm0 =	vgt.f32 v27, v32;
	v26 =	vld [tilespmem:s31+$0x60]  }
0x263: {  	v27 =	vsel vm0, v27, v32;
	v31 =	vsel vm0, $0x7, v3;
	v32 =	vld [tilespmem:s31+$0xE0]  }
0x264: {  	vm0 =	vgt.f32 v27, v24;
	v33 =	vld [tilespmem:s31+$0x160];
	vm1 =	vgt.f32 v28, v20  }
0x265: {  	v24 =	vsel vm0, v27, v24;
	v27 =	vld [tilespmem:s31+$0x1E0];
	v20 =	vsel vm1, v28, v20;
	v28 =	vsel vm1, $0x1, v0  }
0x266: {  	v30 =	vsel vm0, v31, v30;
	v34 =	vld [tilespmem:s31+$0xFFFFFE00];
	vm0 =	vgt.f32 v24, v21;
	vm1 =	vgt.f32 v23, v29  }
0x267: {  	v21 =	vld [tilespmem:s29+$0xFFFFFFC0];
	v24 =	vsel vm0, v30, v25;
	v23 =	vsel vm1, v23, v29;
	v25 =	vsel vm1, $0x3, v1  }
0x268: {  	v29 =	vld [tilespmem:s29+$0xFFFFFFD0];
	vm0 =	vgt.f32 v32, v26;
	vm1 =	vgt.f32 v23, v20  }
0x269: {  	v30 =	vld [tilespmem:s29+$0xFFFFFFE0];
	v26 =	vsel vm0, v32, v26;
	v31 =	vsel vm0, $0x5, v2;
	v20 =	vsel vm1, v23, v20  }
0x26a: {  	v25 =	vsel vm1, v25, v28;
	v23 =	vld [tilespmem:s29+$0xFFFFFFF0];
	vm0 =	vgt.f32 v27, v33  }
0x26b: {  	vm1 =	vgt.f32 v12, v34;
	v28 =	vld [tilespmem:s29+$0x0];
	v27 =	vsel vm0, v27, v33;
	v32 =	vsel vm0, $0x7, v3  }
0x26c: {  	v12 =	vsel vm1, v12, v34;
	v33 =	vsel vm1, $0x1, v0;
	v34 =	vld [tilespmem:s29+$0x10];
	vm0 =	vgt.f32 v27, v26  }
0x26d: {  	vm1 =	vgt.f32 v13, v12;
	v26 =	vsel vm0, v27, v26;
	v27 =	vsel vm0, v32, v31;
	v31 =	vld [tilespmem:s29+$0x20]  }
0x26e: {  	v12 =	vsel vm1, v13, v12;
	v13 =	vsel vm1, v14, v33;
	vm0 =	vgt.f32 v26, v20  }
0x26f: {  	vm1 =	vgt.f32 v15, v12;
	v12 =	vshll.u32 v21, $0x3;
	v14 =	vsel vm0, v27, v25;
	[tilespmem:v11+s22+$0x0] =	vst.idx.add.s32.msk $0xffff, v5  }
0x270: {  	v15 =	vshll.u32 v30, $0x3;
	v11 =	vsel vm1, v16, v13;
	v13 =	vshll.u32 v29, $0x3;
	[tilespmem:v10+s22+$0x0] =	vst.idx.add.s32.msk $0xffff, v5  }
0x271: {  	v10 =	vshll.u32 v23, $0x3;
	v16 =	vshll.u32 v28, $0x3;
	v20 =	vshll.u32 v34, $0x3;
	[tilespmem:v9+s22+$0x0] =	vst.idx.add.s32.msk $0xffff, v5  }
0x272: {  	v9 =	vor.u32 v11, v12;
	v11 =	vor.u32 v17, v13;
	v12 =	vshll.u32 v31, $0x3;
	[tilespmem:v8+s22+$0x0] =	vst.idx.add.s32.msk $0xffff, v5  }
0x273: {  	v13 =	vor.u32 v19, v10;
	v8 =	vor.u32 v18, v15;
	v15 =	vor.u32 v22, v16  }
0x274: {  	v16 =	vadd.s32 v4, v9;
	v17 =	vor.u32 v24, v20;
	v12 =	vor.u32 v14, v12  }
.Ltmp2:
0x275: {  	v11 =	vadd.s32 v4, v11;
	v9 =	vadd.s32 v4, v13;
	v10 =	vadd.s32 v4, v8;
	(pc) =	sbr.rel @p0 .LBB2_6-.Ltmp2, $4  }
0x276: {  	v8 =	vadd.s32 v4, v15;
	v13 =	vadd.s32 v4, v17;
	v12 =	vadd.s32 v4, v12  }
0x277: {  	[tilespmem:v6+s22+$0x0] =	vst.idx.add.s32.msk $0xffff, v5;
	v6 =	vmov v13  }
0x278: {  	[tilespmem:v7+s22+$0x0] =	vst.idx.add.s32.msk $0xffff, v5;
	v7 =	vmov v12  }
0x279: {  	s31 =	sadd.s32 $0x400, s31;
	[tilespmem:v16+s22+$0x0] =	vst.idx.add.s32.msk $0xffff, v5  }
0x27a: {  	_ =	sdelay $0x3  }
0x27b: {  	[tilespmem:v11+s22+$0x0] =	vst.idx.add.s32.msk $0xffff, v5  }
0x27c: {  	[tilespmem:v10+s22+$0x0] =	vst.idx.add.s32.msk $0xffff, v5  }
0x27d: {  	[tilespmem:v9+s22+$0x0] =	vst.idx.add.s32.msk $0xffff, v5  }
0x27e: {  	[tilespmem:v8+s22+$0x0] =	vst.idx.add.s32.msk $0xffff, v5  }
0x27f: {  	[tilespmem:v6+s22+$0x0] =	vst.idx.add.s32.msk $0xffff, v5  }
0x280: {  	[tilespmem:v7+s22+$0x0] =	vst.idx.add.s32.msk $0xffff, v5  }
0x281: {  	_ =	swait.ge [sflag:s23], $0x8000  }
0x282: {  	[sflag:s23] =	ssyncset.done $0x0  }
0x283: {  	[sflag:s23] =	ssyncadd.s32 $0xFFFF8000  }
0x284: {  	_ =	swait.ge [sflag:s24], $0x1000  }
0x285: {  	[sflag:s24] =	ssyncset.done $0x0  }
0x286: {  	[sflag:s24] =	ssyncadd.s32 $0xFFFFF000  }
0x287: {  	[tilespmem:s2], [sflag:$0x1] =	stream.linear.gather [hbm4b:s11+s2], $0x8000, $0x38;
	[tilespmem:$0x12480] =	vst v63  }
0x288: {  	s30 =	simm.s32 $0x8200  }
0x289: {  	[tilespmem:s17], [sflag:$0x3] =	stream.linear.gather [hbm4b:s12+s2], $0x1000, $0x38;
	[tilespmem:$0x12480] =	vst v63  }
0x28a: {  	v7 =	vld [tilespmem:s30+$0xFFFFFE70]  }
0x28b: {  	v8 =	vld [tilespmem:s30+$0xFFFFFEF0]  }
0x28c: {  	v9 =	vld [tilespmem:s30+$0xFFFFFF70]  }
0x28d: {  	v10 =	vld [tilespmem:s30+$0xFFFFFFF0]  }
0x28e: {  	v11 =	vld [tilespmem:s30+$0x70]  }
0x28f: {  	v12 =	vld [tilespmem:s30+$0xF0]  }
0x290: {  	v13 =	vld [tilespmem:s30+$0x170]  }
0x291: {  	v14 =	vld [tilespmem:s30+$0x1F0]  }
0x292: {  	v17 =	vld [tilespmem:s30+$0x0]  }
0x293: {  	v18 =	vld [tilespmem:s30+$0x80]  }
0x294: {  	v20 =	vld [tilespmem:s30+$0x100]  }
0x295: {  	v21 =	vld [tilespmem:s30+$0x180]  }
0x296: {  	v22 =	vld [tilespmem:s30+$0xFFFFFE10]  }
0x297: {  	v23 =	vld [tilespmem:s30+$0xFFFFFE90]  }
0x298: {  	v24 =	vld [tilespmem:s30+$0xFFFFFF10]  }
0x299: {  	v25 =	vld [tilespmem:s30+$0xFFFFFF90]  }
0x29a: {  	v26 =	vld [tilespmem:s30+$0x10]  }
0x29b: {  	v27 =	vld [tilespmem:s30+$0x90]  }
0x29c: {  	v60 =	vld [tilespmem:s30+$0xFFFFFE30]  }
0x29d: {  	v62 =	vld [tilespmem:s30+$0xFFFFFEB0]  }
0x29e: {  	v6 =	vld [tilespmem:s30+$0xFFFFFE80]  }
0x29f: {  	v15 =	vld [tilespmem:s30+$0xFFFFFF00];
	vm0 =	vgt.f32 v8, v7  }
0x2a0: {  	s29 =	simm.s32 $0x11040;
	v16 =	vld [tilespmem:s30+$0xFFFFFF80];
	vm1 =	vgt.f32 v10, v9;
	vm2 =	vgt.f32 v12, v11;
	vm3 =	vgt.f32 v14, v13  }
0x2a1: {  	v19 =	vld [tilespmem:s29+$0x30];
	vm11 =	vgt.f32 v18, v17;
	vm12 =	vgt.f32 v21, v20;
	vm14 =	vgt.f32 v23, v22  }
0x2a2: {  	v55 =	vld [tilespmem:s30+$0x120];
	vm15 =	vgt.f32 v25, v24;
	vm6 =	vgt.f32 v27, v26;
	vm5 =	vgt.f32 v62, v60  }
0x2a3: {  	v57 =	vld [tilespmem:s30+$0x1A0];
	v7 =	vsel vm0, v8, v7;
	v8 =	vsel vm0, $0x1, v0;
	v28 =	vsel vm1, $0x3, v1  }
0x2a4: {  	v47 =	vld [tilespmem:s30+$0x190];
	v9 =	vsel vm1, v10, v9;
	v11 =	vsel vm2, v12, v11;
	v46 =	vsel vm3, v14, v13  }
0x2a5: {  	v29 =	vld [tilespmem:s30+$0xFFFFFE20];
	v48 =	vsel vm2, $0x5, v2;
	vm0 =	vgt.f32 v16, v15;
	v52 =	vsel vm12, v21, v20  }
0x2a6: {  	v49 =	vld [tilespmem:s30+$0xFFFFFEA0];
	v54 =	vsel vm12, $0x7, v3;
	v56 =	vsel vm14, v23, v22;
	v58 =	vsel vm14, $0x1, v0  }
0x2a7: {  	v63 =	vld [tilespmem:s30+$0xFFFFFF30];
	v59 =	vsel vm15, v25, v24;
	v61 =	vsel vm15, $0x3, v1;
	v26 =	vsel vm6, v27, v26  }
0x2a8: {  	v36 =	vld [tilespmem:s30+$0x30];
	v34 =	vsel vm6, $0x5, v2;
	vm14 =	vgt.f32 v57, v55;
	v23 =	vsel vm5, v62, v60  }
0x2a9: {  	v37 =	vld [tilespmem:s30+$0xB0];
	vm8 =	vgt.f32 v9, v7;
	vm9 =	vgt.f32 v46, v11;
	v20 =	vsel vm14, v57, v55  }
0x2aa: {  	v10 =	vld [tilespmem:s30+$0x110];
	v7 =	vsel vm8, v9, v7;
	v9 =	vsel vm9, v46, v11;
	v11 =	vsel vm3, $0x7, v3  }
0x2ab: {  	v39 =	vld [tilespmem:s30+$0x130];
	v8 =	vsel vm8, v28, v8;
	vm8 =	vgt.f32 v59, v56;
	v11 =	vsel vm9, v11, v48  }
0x2ac: {  	v40 =	vld [tilespmem:s30+$0x1B0];
	vm10 =	vgt.f32 v9, v7;
	v9 =	vshll.u32 v19, $0x3;
	v7 =	vsel vm0, v16, v15  }
0x2ad: {  	v33 =	vld [tilespmem:s30+$0xFFFFFFB0];
	v32 =	vsel vm8, v61, v58;
	v8 =	vsel vm10, v11, v8;
	vm10 =	vgt.f32 v49, v29  }
0x2ae: {  	v50 =	vld [tilespmem:s30+$0xFFFFFF20];
	v15 =	vor.u32 v8, v9;
	v8 =	vsel vm11, v18, v17;
	v9 =	vsel vm11, $0x5, v2  }
0x2af: {  	v51 =	vld [tilespmem:s30+$0x20];
	vm7 =	vgt.f32 v47, v10;
	v17 =	vsel vm8, v59, v56;
	v12 =	vsel vm10, v49, v29  }
0x2b0: {  	v53 =	vld [tilespmem:s30+$0xA0];
	v38 =	vsel vm10, $0x1, v0;
	v49 =	vsel vm5, $0x1, v0;
	vm8 =	vgt.f32 v37, v36  }
0x2b1: {  	v46 =	vld [tilespmem:s30+$0xFFFFFF40];
	vm10 =	vgt.f32 v40, v39;
	vm13 =	vgt.f32 v52, v8;
	v10 =	vsel vm7, v47, v10  }
0x2b2: {  	v48 =	vld [tilespmem:s30+$0xFFFFFFC0];
	v35 =	vsel vm7, $0x7, v3;
	v47 =	vsel vm14, $0x7, v3;
	vm7 =	vgt.f32 v33, v63  }
0x2b3: {  	v11 =	vld [tilespmem:s30+$0xFFFFFFA0];
	v14 =	vsel vm10, v40, v39;
	v57 =	vsel vm10, $0x7, v3;
	v15 =	vadd.s32 v4, v15  }
0x2b4: {  	v42 =	vld [tilespmem:s30+$0xFFFFFE40];
	v8 =	vsel vm13, v52, v8;
	v9 =	vsel vm13, v54, v9;
	vm9 =	vgt.f32 v10, v26  }
0x2b5: {  	v44 =	vld [tilespmem:s30+$0xFFFFFEC0];
	vm13 =	vgt.f32 v53, v51;
	v13 =	vsel vm7, v33, v63;
	v54 =	vsel vm8, $0x5, v2  }
0x2b6: {  	v30 =	vld [tilespmem:s30+$0xD0];
	v10 =	vsel vm9, v10, v26;
	v24 =	vsel vm9, v35, v34;
	v16 =	vsel vm13, v53, v51  }
0x2b7: {  	v62 =	vld [tilespmem:s30+$0x50];
	v43 =	vsel vm13, $0x5, v2;
	v51 =	vsel vm7, $0x3, v1;
	vm9 =	vgt.f32 v13, v23  }
0x2b8: {  	v58 =	vld [tilespmem:s30+$0xFFFFFF50];
	vm14 =	vgt.f32 v48, v46;
	vm11 =	vgt.f32 v10, v17;
	vm12 =	vgt.f32 v11, v50  }
0x2b9: {  	v59 =	vld [tilespmem:s30+$0xFFFFFFD0];
	vm4 =	vgt.f32 v20, v16;
	v17 =	vsel vm8, v37, v36;
	v13 =	vsel vm9, v13, v23  }
0x2ba: {  	v55 =	vld [tilespmem:s30+$0xFFFFFE50];
	v61 =	vsel vm14, v48, v46;
	v63 =	vsel vm14, $0x3, v1;
	v10 =	vsel vm11, v24, v32  }
0x2bb: {  	v56 =	vld [tilespmem:s30+$0xFFFFFED0];
	v11 =	vsel vm12, v11, v50;
	v41 =	vsel vm12, $0x3, v1;
	v16 =	vsel vm4, v20, v16  }
0x2bc: {  	v52 =	vld [tilespmem:s30+$0x140];
	v24 =	vsel vm4, v47, v43;
	vm11 =	vgt.f32 v14, v17;
	vm12 =	vgt.f32 v44, v42  }
0x2bd: {  	v33 =	vld [tilespmem:s30+$0x1D0];
	vm15 =	vgt.f32 v11, v12;
	v14 =	vsel vm11, v14, v17;
	v18 =	vsel vm12, v44, v42  }
0x2be: {  	v53 =	vld [tilespmem:s30+$0x1C0];
	v17 =	vsel vm11, v57, v54;
	v60 =	vsel vm12, $0x1, v0;
	vm11 =	vgt.f32 v59, v58  }
0x2bf: {  	v35 =	vld [tilespmem:s30+$0xFFFFFE60];
	vm12 =	vgt.f32 v30, v62;
	v44 =	vsel vm0, $0x3, v1;
	v11 =	vsel vm15, v11, v12  }
0x2c0: {  	v37 =	vld [tilespmem:s30+$0xFFFFFEE0];
	v45 =	vsel vm15, v41, v38;
	vm13 =	vgt.f32 v14, v13;
	vm7 =	vgt.f32 v61, v18  }
0x2c1: {  	v48 =	vld [tilespmem:s30+$0xFFFFFE00];
	v13 =	vsel vm11, v59, v58;
	v40 =	vsel vm11, $0x3, v1;
	v19 =	vsel vm12, v30, v62  }
0x2c2: {  	v32 =	vld [tilespmem:s30+$0x150];
	v46 =	vsel vm12, $0x5, v2;
	vm6 =	vgt.f32 v16, v11;
	v16 =	vsel vm9, v51, v49  }
0x2c3: {  	v14 =	vsel vm7, v63, v60;
	vm9 =	vgt.f32 v56, v55;
	v12 =	vsel vm6, v24, v45  }
0x2c4: {  	v50 =	vld [tilespmem:s30+$0xC0];
	v16 =	vsel vm13, v17, v16;
	vm6 =	vgt.f32 v53, v52;
	v17 =	vsel vm7, v61, v18  }
0x2c5: {  	v11 =	vld [tilespmem:s30+$0x40];
	v22 =	vsel vm9, v56, v55;
	v38 =	vsel vm9, $0x1, v0;
	vm5 =	vgt.f32 v37, v35  }
0x2c6: {  	v43 =	vld [tilespmem:s30+$0x160];
	vm11 =	vgt.f32 v6, v48;
	v31 =	vsel vm6, v53, v52;
	v36 =	vsel vm6, $0x7, v3  }
0x2c7: {  	v56 =	vld [tilespmem:s29+$0x0];
	vm13 =	vgt.f32 v33, v32;
	vm14 =	vgt.f32 v13, v22;
	v23 =	vsel vm5, v37, v35  }
0x2c8: {  	v42 =	vld [tilespmem:s30+$0xE0];
	v49 =	vsel vm5, $0x1, v0;
	v6 =	vsel vm11, v6, v48;
	v59 =	vsel vm11, $0x1, v0  }
0x2c9: {  	v41 =	vld [tilespmem:s30+$0x60];
	v18 =	vsel vm13, v33, v32;
	v47 =	vsel vm13, $0x7, v3;
	vm13 =	vgt.f32 v7, v6  }
0x2ca: {  	v52 =	vld [tilespmem:s29+$0xFFFFFFD0];
	v13 =	vsel vm14, v13, v22;
	v6 =	vsel vm13, v7, v6;
	vm15 =	vgt.f32 v50, v11  }
0x2cb: {  	v60 =	vld [tilespmem:s29+$0x20];
	v7 =	vsel vm13, v44, v59;
	v11 =	vsel vm15, v50, v11;
	v34 =	vsel vm15, $0x5, v2  }
0x2cc: {  	v45 =	vld [tilespmem:s30+$0x1E0];
	vm15 =	vgt.f32 v18, v19;
	v61 =	vshll.u32 v56, $0x3;
	vm8 =	vgt.f32 v31, v11  }
0x2cd: {  	v50 =	vld [tilespmem:s29+$0xFFFFFFC0];
	v18 =	vsel vm15, v18, v19;
	v27 =	vsel vm15, v47, v46;
	vm15 =	vgt.f32 v8, v6  }
0x2ce: {  	v39 =	vld [tilespmem:s30+$0xFFFFFFE0];
	v11 =	vsel vm8, v31, v11;
	v20 =	vsel vm8, v36, v34;
	vm6 =	vgt.f32 v18, v13  }
0x2cf: {  	v55 =	vld [tilespmem:s29+$0xFFFFFFF0];
	vm8 =	vgt.f32 v42, v41;
	v7 =	vsel vm15, v9, v7;
	v9 =	vshll.u32 v52, $0x3  }
0x2d0: {  	vm10 =	vgt.f32 v11, v17;
	v11 =	vld [tilespmem:s30+$0xFFFFFF60];
	v17 =	vsel vm14, v40, v38;
	v25 =	vsel vm8, v42, v41  }
0x2d1: {  	v58 =	vld [tilespmem:s29+$0x10];
	v54 =	vsel vm8, $0x5, v2;
	v9 =	vor.u32 v10, v9;
	v10 =	vshll.u32 v60, $0x3  }
0x2d2: {  	v14 =	vsel vm10, v20, v14;
	vm10 =	vgt.f32 v45, v43;
	v6 =	vshll.u32 v50, $0x3  }
0x2d3: {  	v17 =	vsel vm6, v27, v17;
	v19 =	vsel vm10, v45, v43;
	v6 =	vor.u32 v7, v6  }
0x2d4: {  	v53 =	vld [tilespmem:s29+$0xFFFFFFE0];
	v57 =	vsel vm10, $0x7, v3;
	vm12 =	vgt.f32 v19, v25;
	v62 =	vadd.s32 v4, v6  }
0x2d5: {  	v7 =	vshll.u32 v55, $0x3;
	v19 =	vsel vm12, v19, v25;
	vm7 =	vgt.f32 v39, v11  }
0x2d6: {  	v21 =	vsel vm12, v57, v54;
	v6 =	vshll.u32 v58, $0x3;
	v11 =	vsel vm7, v39, v11  }
0x2d7: {  	v7 =	vor.u32 v16, v7;
	v6 =	vor.u32 v17, v6;
	vm9 =	vgt.f32 v11, v23  }
0x2d8: {  	[tilespmem:v15+s22+$0x0] =	vst.idx.add.s32.msk $0xffff, v5;
	v51 =	vsel vm7, $0x3, v1;
	v6 =	vadd.s32 v4, v6;
	v11 =	vsel vm9, v11, v23  }
0x2d9: {  	v13 =	vsel vm9, v51, v49;
	vm14 =	vgt.f32 v19, v11;
	v11 =	vshll.u32 v53, $0x3;
	[tilespmem:v62+s22+$0x0] =	vst.idx.add.s32.msk $0xffff, v5  }
0x2da: {  	v8 =	vsel vm14, v21, v13;
	v12 =	vor.u32 v12, v11;
	v13 =	vor.u32 v14, v61  }
0x2db: {  	v11 =	vadd.s32 v4, v9;
	v9 =	vadd.s32 v4, v7;
	v63 =	vor.u32 v8, v10  }
0x2dc: {  	s31 =	simm.s32 $0x8600;
	s30 =	simm.s32 $0x0;
	v10 =	vadd.s32 v4, v12;
	v8 =	vadd.s32 v4, v13;
	v7 =	vadd.s32 v4, v63  }
.LBB2_8:
0x2dd: {  	v13 =	vld [tilespmem:s31+$0xFFFFFE70]  }
0x2de: {  	v14 =	vld [tilespmem:s31+$0xFFFFFEF0]  }
0x2df: {  	v15 =	vld [tilespmem:s31+$0xFFFFFF70]  }
0x2e0: {  	v16 =	vld [tilespmem:s31+$0xFFFFFFF0]  }
0x2e1: {  	v17 =	vld [tilespmem:s31+$0x70]  }
0x2e2: {  	v18 =	vld [tilespmem:s31+$0xF0]  }
0x2e3: {  	v19 =	vld [tilespmem:s31+$0x170]  }
0x2e4: {  	v20 =	vld [tilespmem:s31+$0x1F0]  }
0x2e5: {  	s30 =	sadd.s32 $0x8, s30;
	v12 =	vld [tilespmem:s31+$0xFFFFFE80]  }
0x2e6: {  	p0 =	slt.u32 s30, $0xF8;
	v21 =	vld [tilespmem:s31+$0xFFFFFF00]  }
0x2e7: {  	v22 =	vld [tilespmem:s31+$0xFFFFFF80]  }
0x2e8: {  	vm0 =	vgt.f32 v14, v13;
	v23 =	vld [tilespmem:s31+$0x0]  }
0x2e9: {  	s29 =	sadd.s32 $0x80, s29;
	vm1 =	vgt.f32 v16, v15;
	vm2 =	vgt.f32 v18, v17;
	v24 =	vld [tilespmem:s31+$0x80];
	vm3 =	vgt.f32 v20, v19  }
0x2ea: {  	v13 =	vsel vm0, v14, v13;
	v14 =	vsel vm0, $0x1, v0;
	v25 =	vsel vm1, $0x3, v1;
	v26 =	vld [tilespmem:s29+$0x30]  }
0x2eb: {  	v15 =	vsel vm1, v16, v15;
	v16 =	vsel vm2, v18, v17;
	v17 =	vsel vm3, v20, v19;
	v27 =	vld [tilespmem:s31+$0x100]  }
0x2ec: {  	vm0 =	vgt.f32 v15, v13;
	v19 =	vsel vm2, $0x5, v2;
	vm1 =	vgt.f32 v17, v16;
	v18 =	vld [tilespmem:s31+$0x180]  }
0x2ed: {  	v13 =	vsel vm0, v15, v13;
	v28 =	vsel vm3, $0x7, v3;
	v15 =	vsel vm1, v17, v16;
	v20 =	vld [tilespmem:s31+$0xFFFFFE10]  }
0x2ee: {  	v14 =	vsel vm0, v25, v14;
	v17 =	vsel vm1, v28, v19;
	vm0 =	vgt.f32 v15, v13;
	v16 =	vld [tilespmem:s31+$0xFFFFFE90]  }
0x2ef: {  	vm1 =	vgt.f32 v22, v21;
	v14 =	vsel vm0, v17, v14;
	v19 =	vld [tilespmem:s31+$0xFFFFFF10];
	v15 =	vshll.u32 v26, $0x3  }
0x2f0: {  	v13 =	vsel vm1, v22, v21;
	vm0 =	vgt.f32 v24, v23;
	v17 =	vld [tilespmem:s31+$0xFFFFFF90];
	v14 =	vor.u32 v14, v15  }
0x2f1: {  	v15 =	vsel vm0, v24, v23;
	vm2 =	vgt.f32 v18, v27;
	v21 =	vld [tilespmem:s31+$0x10];
	v22 =	vadd.s32 v4, v14  }
0x2f2: {  	v23 =	vsel vm0, $0x5, v2;
	v14 =	vsel vm1, $0x3, v1;
	v18 =	vsel vm2, v18, v27;
	v24 =	vld [tilespmem:s31+$0x90]  }
0x2f3: {  	v25 =	vsel vm2, $0x7, v3;
	vm0 =	vgt.f32 v18, v15;
	v26 =	vld [tilespmem:s31+$0x110];
	vm1 =	vgt.f32 v16, v20  }
0x2f4: {  	v15 =	vsel vm0, v18, v15;
	v18 =	vld [tilespmem:s31+$0x190];
	v20 =	vsel vm1, v16, v20;
	v27 =	vsel vm1, $0x1, v0  }
0x2f5: {  	v16 =	vsel vm0, v25, v23;
	vm0 =	vgt.f32 v17, v19;
	v23 =	vld [tilespmem:s31+$0xFFFFFE20]  }
0x2f6: {  	v17 =	vsel vm0, v17, v19;
	v19 =	vsel vm0, $0x3, v1;
	[tilespmem:v22+s22+$0x0] =	vst.idx.add.s32.msk $0xffff, v5  }
0x2f7: {  	vm0 =	vgt.f32 v24, v21;
	vm1 =	vgt.f32 v17, v20;
	v22 =	vld [tilespmem:s31+$0xFFFFFEA0]  }
0x2f8: {  	v21 =	vsel vm0, v24, v21;
	v24 =	vsel vm0, $0x5, v2;
	v17 =	vsel vm1, v17, v20;
	v20 =	vld [tilespmem:s31+$0xFFFFFF20]  }
0x2f9: {  	v19 =	vsel vm1, v19, v27;
	vm0 =	vgt.f32 v18, v26;
	v25 =	vld [tilespmem:s31+$0xFFFFFFA0]  }
0x2fa: {  	v18 =	vsel vm0, v18, v26;
	v26 =	vsel vm0, $0x7, v3;
	v27 =	vld [tilespmem:s31+$0x20]  }
0x2fb: {  	vm0 =	vgt.f32 v18, v21;
	v28 =	vld [tilespmem:s31+$0xA0]  }
0x2fc: {  	v18 =	vsel vm0, v18, v21;
	v21 =	vsel vm0, v26, v24;
	v24 =	vld [tilespmem:s31+$0x120];
	vm0 =	vgt.f32 v22, v23  }
0x2fd: {  	vm1 =	vgt.f32 v18, v17;
	v18 =	vld [tilespmem:s31+$0x1A0];
	v22 =	vsel vm0, v22, v23;
	v23 =	vsel vm0, $0x1, v0  }
0x2fe: {  	v17 =	vsel vm1, v21, v19;
	vm0 =	vgt.f32 v25, v20;
	v19 =	vld [tilespmem:s31+$0xFFFFFE30]  }
0x2ff: {  	v20 =	vsel vm0, v25, v20;
	v21 =	vsel vm0, $0x3, v1;
	v25 =	vld [tilespmem:s31+$0xFFFFFEB0]  }
0x300: {  	vm0 =	vgt.f32 v28, v27;
	vm1 =	vgt.f32 v20, v22;
	v26 =	vld [tilespmem:s31+$0xFFFFFF30]  }
0x301: {  	v27 =	vsel vm0, v28, v27;
	v28 =	vsel vm0, $0x5, v2;
	v20 =	vsel vm1, v20, v22;
	v22 =	vld [tilespmem:s31+$0xFFFFFFB0]  }
0x302: {  	v21 =	vsel vm1, v21, v23;
	vm0 =	vgt.f32 v18, v24;
	v23 =	vld [tilespmem:s31+$0x30]  }
0x303: {  	v18 =	vsel vm0, v18, v24;
	v24 =	vsel vm0, $0x7, v3;
	v29 =	vld [tilespmem:s31+$0xB0]  }
0x304: {  	vm0 =	vgt.f32 v18, v27;
	v30 =	vld [tilespmem:s31+$0x130];
	vm1 =	vgt.f32 v25, v19  }
0x305: {  	v18 =	vsel vm0, v18, v27;
	v27 =	vld [tilespmem:s31+$0x1B0];
	v19 =	vsel vm1, v25, v19;
	v25 =	vsel vm1, $0x1, v0  }
0x306: {  	v24 =	vsel vm0, v24, v28;
	vm0 =	vgt.f32 v18, v20;
	vm1 =	vgt.f32 v22, v26;
	v20 =	vld [tilespmem:s31+$0xFFFFFE40]  }
0x307: {  	v18 =	vsel vm0, v24, v21;
	v21 =	vsel vm1, v22, v26;
	v22 =	vsel vm1, $0x3, v1;
	v24 =	vld [tilespmem:s31+$0xFFFFFEC0]  }
0x308: {  	vm0 =	vgt.f32 v29, v23;
	vm1 =	vgt.f32 v21, v19;
	v26 =	vld [tilespmem:s31+$0xFFFFFF40]  }
0x309: {  	v23 =	vsel vm0, v29, v23;
	v28 =	vsel vm0, $0x5, v2;
	v19 =	vsel vm1, v21, v19;
	v21 =	vld [tilespmem:s31+$0xFFFFFFC0]  }
0x30a: {  	v22 =	vsel vm1, v22, v25;
	vm0 =	vgt.f32 v27, v30;
	v25 =	vld [tilespmem:s31+$0x40]  }
0x30b: {  	v27 =	vsel vm0, v27, v30;
	v29 =	vsel vm0, $0x7, v3;
	v30 =	vld [tilespmem:s31+$0xC0]  }
0x30c: {  	vm0 =	vgt.f32 v27, v23;
	v31 =	vld [tilespmem:s31+$0x140];
	vm1 =	vgt.f32 v24, v20  }
0x30d: {  	v23 =	vsel vm0, v27, v23;
	v27 =	vld [tilespmem:s31+$0x1C0];
	v20 =	vsel vm1, v24, v20;
	v24 =	vsel vm1, $0x1, v0  }
0x30e: {  	v28 =	vsel vm0, v29, v28;
	vm0 =	vgt.f32 v23, v19;
	vm1 =	vgt.f32 v21, v26;
	v23 =	vld [tilespmem:s31+$0xFFFFFE50]  }
0x30f: {  	v19 =	vsel vm0, v28, v22;
	v21 =	vsel vm1, v21, v26;
	v22 =	vsel vm1, $0x3, v1;
	v26 =	vld [tilespmem:s31+$0xFFFFFED0]  }
0x310: {  	vm0 =	vgt.f32 v30, v25;
	vm1 =	vgt.f32 v21, v20;
	v28 =	vld [tilespmem:s31+$0xFFFFFF50]  }
0x311: {  	v25 =	vsel vm0, v30, v25;
	v29 =	vsel vm0, $0x5, v2;
	v20 =	vsel vm1, v21, v20;
	v21 =	vld [tilespmem:s31+$0xFFFFFFD0]  }
0x312: {  	v22 =	vsel vm1, v22, v24;
	vm0 =	vgt.f32 v27, v31;
	v24 =	vld [tilespmem:s31+$0x50]  }
0x313: {  	v27 =	vsel vm0, v27, v31;
	v30 =	vsel vm0, $0x7, v3;
	v31 =	vld [tilespmem:s31+$0xD0]  }
0x314: {  	vm0 =	vgt.f32 v27, v25;
	v32 =	vld [tilespmem:s31+$0x150];
	vm1 =	vgt.f32 v26, v23  }
0x315: {  	v25 =	vsel vm0, v27, v25;
	v27 =	vld [tilespmem:s31+$0x1D0];
	v23 =	vsel vm1, v26, v23;
	v26 =	vsel vm1, $0x1, v0  }
0x316: {  	v29 =	vsel vm0, v30, v29;
	vm0 =	vgt.f32 v25, v20;
	vm1 =	vgt.f32 v21, v28;
	v20 =	vld [tilespmem:s31+$0xFFFFFE60]  }
0x317: {  	v22 =	vsel vm0, v29, v22;
	v21 =	vsel vm1, v21, v28;
	v25 =	vsel vm1, $0x3, v1;
	v28 =	vld [tilespmem:s31+$0xFFFFFEE0]  }
0x318: {  	vm0 =	vgt.f32 v31, v24;
	vm1 =	vgt.f32 v21, v23;
	v29 =	vld [tilespmem:s31+$0xFFFFFF60]  }
0x319: {  	v24 =	vsel vm0, v31, v24;
	v30 =	vsel vm0, $0x5, v2;
	v21 =	vsel vm1, v21, v23;
	v23 =	vld [tilespmem:s31+$0xFFFFFFE0]  }
0x31a: {  	v25 =	vsel vm1, v25, v26;
	vm0 =	vgt.f32 v27, v32;
	v26 =	vld [tilespmem:s31+$0x60]  }
0x31b: {  	v27 =	vsel vm0, v27, v32;
	v31 =	vsel vm0, $0x7, v3;
	v32 =	vld [tilespmem:s31+$0xE0]  }
0x31c: {  	vm0 =	vgt.f32 v27, v24;
	v33 =	vld [tilespmem:s31+$0x160];
	vm1 =	vgt.f32 v28, v20  }
0x31d: {  	v24 =	vsel vm0, v27, v24;
	v27 =	vld [tilespmem:s31+$0x1E0];
	v20 =	vsel vm1, v28, v20;
	v28 =	vsel vm1, $0x1, v0  }
0x31e: {  	v30 =	vsel vm0, v31, v30;
	v34 =	vld [tilespmem:s31+$0xFFFFFE00];
	vm0 =	vgt.f32 v24, v21;
	vm1 =	vgt.f32 v23, v29  }
0x31f: {  	v21 =	vld [tilespmem:s29+$0xFFFFFFC0];
	v24 =	vsel vm0, v30, v25;
	v23 =	vsel vm1, v23, v29;
	v25 =	vsel vm1, $0x3, v1  }
0x320: {  	v29 =	vld [tilespmem:s29+$0xFFFFFFD0];
	vm0 =	vgt.f32 v32, v26;
	vm1 =	vgt.f32 v23, v20  }
0x321: {  	v30 =	vld [tilespmem:s29+$0xFFFFFFE0];
	v26 =	vsel vm0, v32, v26;
	v31 =	vsel vm0, $0x5, v2;
	v20 =	vsel vm1, v23, v20  }
0x322: {  	v25 =	vsel vm1, v25, v28;
	v23 =	vld [tilespmem:s29+$0xFFFFFFF0];
	vm0 =	vgt.f32 v27, v33  }
0x323: {  	vm1 =	vgt.f32 v12, v34;
	v28 =	vld [tilespmem:s29+$0x0];
	v27 =	vsel vm0, v27, v33;
	v32 =	vsel vm0, $0x7, v3  }
0x324: {  	v12 =	vsel vm1, v12, v34;
	v33 =	vsel vm1, $0x1, v0;
	v34 =	vld [tilespmem:s29+$0x10];
	vm0 =	vgt.f32 v27, v26  }
0x325: {  	vm1 =	vgt.f32 v13, v12;
	v26 =	vsel vm0, v27, v26;
	v27 =	vsel vm0, v32, v31;
	v31 =	vld [tilespmem:s29+$0x20]  }
0x326: {  	v12 =	vsel vm1, v13, v12;
	v13 =	vsel vm1, v14, v33;
	vm0 =	vgt.f32 v26, v20  }
0x327: {  	vm1 =	vgt.f32 v15, v12;
	v12 =	vshll.u32 v21, $0x3;
	v14 =	vsel vm0, v27, v25;
	[tilespmem:v11+s22+$0x0] =	vst.idx.add.s32.msk $0xffff, v5  }
0x328: {  	v15 =	vshll.u32 v30, $0x3;
	v11 =	vsel vm1, v16, v13;
	v13 =	vshll.u32 v29, $0x3;
	[tilespmem:v10+s22+$0x0] =	vst.idx.add.s32.msk $0xffff, v5  }
0x329: {  	v10 =	vshll.u32 v23, $0x3;
	v16 =	vshll.u32 v28, $0x3;
	v20 =	vshll.u32 v34, $0x3;
	[tilespmem:v9+s22+$0x0] =	vst.idx.add.s32.msk $0xffff, v5  }
0x32a: {  	v9 =	vor.u32 v11, v12;
	v11 =	vor.u32 v17, v13;
	v12 =	vshll.u32 v31, $0x3;
	[tilespmem:v8+s22+$0x0] =	vst.idx.add.s32.msk $0xffff, v5  }
0x32b: {  	v13 =	vor.u32 v19, v10;
	v8 =	vor.u32 v18, v15;
	v15 =	vor.u32 v22, v16  }
0x32c: {  	v16 =	vadd.s32 v4, v9;
	v17 =	vor.u32 v24, v20;
	v12 =	vor.u32 v14, v12  }
.Ltmp3:
0x32d: {  	v11 =	vadd.s32 v4, v11;
	v9 =	vadd.s32 v4, v13;
	v10 =	vadd.s32 v4, v8;
	(pc) =	sbr.rel @p0 .LBB2_8-.Ltmp3, $4  }
0x32e: {  	v8 =	vadd.s32 v4, v15;
	v13 =	vadd.s32 v4, v17;
	v12 =	vadd.s32 v4, v12  }
0x32f: {  	[tilespmem:v6+s22+$0x0] =	vst.idx.add.s32.msk $0xffff, v5;
	v6 =	vmov v13  }
0x330: {  	[tilespmem:v7+s22+$0x0] =	vst.idx.add.s32.msk $0xffff, v5;
	v7 =	vmov v12  }
0x331: {  	s31 =	sadd.s32 $0x400, s31;
	[tilespmem:v16+s22+$0x0] =	vst.idx.add.s32.msk $0xffff, v5  }
0x332: {  	_ =	sdelay $0x3  }
0x333: {  	[tilespmem:v11+s22+$0x0] =	vst.idx.add.s32.msk $0xffff, v5  }
0x334: {  	[tilespmem:v10+s22+$0x0] =	vst.idx.add.s32.msk $0xffff, v5  }
0x335: {  	[tilespmem:v9+s22+$0x0] =	vst.idx.add.s32.msk $0xffff, v5  }
0x336: {  	[tilespmem:v8+s22+$0x0] =	vst.idx.add.s32.msk $0xffff, v5  }
0x337: {  	[tilespmem:v6+s22+$0x0] =	vst.idx.add.s32.msk $0xffff, v5  }
0x338: {  	[tilespmem:v7+s22+$0x0] =	vst.idx.add.s32.msk $0xffff, v5  }
0x339: {  	_ =	swait.ge [sflag:s18], $0x8000  }
0x33a: {  	[sflag:s18] =	ssyncset.done $0x0  }
0x33b: {  	[sflag:s18] =	ssyncadd.s32 $0xFFFF8000  }
0x33c: {  	_ =	swait.ge [sflag:s19], $0x1000  }
0x33d: {  	[sflag:s19] =	ssyncset.done $0x0  }
0x33e: {  	[sflag:s19] =	ssyncadd.s32 $0xFFFFF000  }
0x33f: {  	[tilespmem:s20], [sflag:$0x2] =	stream.linear.gather [hbm4b:s13+s2], $0x4000, $0x38;
	[tilespmem:$0x12480] =	vst v63  }
0x340: {  	s30 =	simm.s32 $0x200  }
0x341: {  	[tilespmem:s21], [sflag:$0x4] =	stream.linear.gather [hbm4b:s14+s2], $0x800, $0x38;
	[tilespmem:$0x12480] =	vst v63  }
0x342: {  	v7 =	vld [tilespmem:s30+$0xFFFFFE70]  }
0x343: {  	v8 =	vld [tilespmem:s30+$0xFFFFFEF0]  }
0x344: {  	v9 =	vld [tilespmem:s30+$0xFFFFFF70]  }
0x345: {  	v10 =	vld [tilespmem:s30+$0xFFFFFFF0]  }
0x346: {  	v11 =	vld [tilespmem:s30+$0x70]  }
0x347: {  	v12 =	vld [tilespmem:s30+$0xF0]  }
0x348: {  	v13 =	vld [tilespmem:s30+$0x170]  }
0x349: {  	v14 =	vld [tilespmem:s30+$0x1F0]  }
0x34a: {  	v17 =	vld [tilespmem:s30+$0x0]  }
0x34b: {  	v18 =	vld [tilespmem:s30+$0x80]  }
0x34c: {  	v20 =	vld [tilespmem:s30+$0x100]  }
0x34d: {  	v21 =	vld [tilespmem:s30+$0x180]  }
0x34e: {  	v22 =	vld [tilespmem:s30+$0xFFFFFE10]  }
0x34f: {  	v23 =	vld [tilespmem:s30+$0xFFFFFE90]  }
0x350: {  	v24 =	vld [tilespmem:s30+$0xFFFFFF10]  }
0x351: {  	v25 =	vld [tilespmem:s30+$0xFFFFFF90]  }
0x352: {  	v26 =	vld [tilespmem:s30+$0x10]  }
0x353: {  	v27 =	vld [tilespmem:s30+$0x90]  }
0x354: {  	v60 =	vld [tilespmem:s30+$0xFFFFFE30]  }
0x355: {  	v62 =	vld [tilespmem:s30+$0xFFFFFEB0]  }
0x356: {  	v6 =	vld [tilespmem:s30+$0xFFFFFE80]  }
0x357: {  	v15 =	vld [tilespmem:s30+$0xFFFFFF00];
	vm0 =	vgt.f32 v8, v7  }
0x358: {  	s29 =	simm.s32 $0x10040;
	v16 =	vld [tilespmem:s30+$0xFFFFFF80];
	vm1 =	vgt.f32 v10, v9;
	vm2 =	vgt.f32 v12, v11;
	vm3 =	vgt.f32 v14, v13  }
0x359: {  	v19 =	vld [tilespmem:s29+$0x30];
	vm11 =	vgt.f32 v18, v17;
	vm12 =	vgt.f32 v21, v20;
	vm14 =	vgt.f32 v23, v22  }
0x35a: {  	v55 =	vld [tilespmem:s30+$0x120];
	vm15 =	vgt.f32 v25, v24;
	vm6 =	vgt.f32 v27, v26;
	vm5 =	vgt.f32 v62, v60  }
0x35b: {  	v57 =	vld [tilespmem:s30+$0x1A0];
	v7 =	vsel vm0, v8, v7;
	v8 =	vsel vm0, $0x1, v0;
	v28 =	vsel vm1, $0x3, v1  }
0x35c: {  	v47 =	vld [tilespmem:s30+$0x190];
	v9 =	vsel vm1, v10, v9;
	v11 =	vsel vm2, v12, v11;
	v46 =	vsel vm3, v14, v13  }
0x35d: {  	v29 =	vld [tilespmem:s30+$0xFFFFFE20];
	v48 =	vsel vm2, $0x5, v2;
	vm0 =	vgt.f32 v16, v15;
	v52 =	vsel vm12, v21, v20  }
0x35e: {  	v49 =	vld [tilespmem:s30+$0xFFFFFEA0];
	v54 =	vsel vm12, $0x7, v3;
	v56 =	vsel vm14, v23, v22;
	v58 =	vsel vm14, $0x1, v0  }
0x35f: {  	v63 =	vld [tilespmem:s30+$0xFFFFFF30];
	v59 =	vsel vm15, v25, v24;
	v61 =	vsel vm15, $0x3, v1;
	v26 =	vsel vm6, v27, v26  }
0x360: {  	v36 =	vld [tilespmem:s30+$0x30];
	v34 =	vsel vm6, $0x5, v2;
	vm14 =	vgt.f32 v57, v55;
	v23 =	vsel vm5, v62, v60  }
0x361: {  	v37 =	vld [tilespmem:s30+$0xB0];
	vm8 =	vgt.f32 v9, v7;
	vm9 =	vgt.f32 v46, v11;
	v20 =	vsel vm14, v57, v55  }
0x362: {  	v10 =	vld [tilespmem:s30+$0x110];
	v7 =	vsel vm8, v9, v7;
	v9 =	vsel vm9, v46, v11;
	v11 =	vsel vm3, $0x7, v3  }
0x363: {  	v39 =	vld [tilespmem:s30+$0x130];
	v8 =	vsel vm8, v28, v8;
	vm8 =	vgt.f32 v59, v56;
	v11 =	vsel vm9, v11, v48  }
0x364: {  	v40 =	vld [tilespmem:s30+$0x1B0];
	vm10 =	vgt.f32 v9, v7;
	v9 =	vshll.u32 v19, $0x3;
	v7 =	vsel vm0, v16, v15  }
0x365: {  	v33 =	vld [tilespmem:s30+$0xFFFFFFB0];
	v32 =	vsel vm8, v61, v58;
	v8 =	vsel vm10, v11, v8;
	vm10 =	vgt.f32 v49, v29  }
0x366: {  	v50 =	vld [tilespmem:s30+$0xFFFFFF20];
	v15 =	vor.u32 v8, v9;
	v8 =	vsel vm11, v18, v17;
	v9 =	vsel vm11, $0x5, v2  }
0x367: {  	v51 =	vld [tilespmem:s30+$0x20];
	vm7 =	vgt.f32 v47, v10;
	v17 =	vsel vm8, v59, v56;
	v12 =	vsel vm10, v49, v29  }
0x368: {  	v53 =	vld [tilespmem:s30+$0xA0];
	v38 =	vsel vm10, $0x1, v0;
	v49 =	vsel vm5, $0x1, v0;
	vm8 =	vgt.f32 v37, v36  }
0x369: {  	v46 =	vld [tilespmem:s30+$0xFFFFFF40];
	vm10 =	vgt.f32 v40, v39;
	vm13 =	vgt.f32 v52, v8;
	v10 =	vsel vm7, v47, v10  }
0x36a: {  	v48 =	vld [tilespmem:s30+$0xFFFFFFC0];
	v35 =	vsel vm7, $0x7, v3;
	v47 =	vsel vm14, $0x7, v3;
	vm7 =	vgt.f32 v33, v63  }
0x36b: {  	v11 =	vld [tilespmem:s30+$0xFFFFFFA0];
	v14 =	vsel vm10, v40, v39;
	v57 =	vsel vm10, $0x7, v3;
	v15 =	vadd.s32 v4, v15  }
0x36c: {  	v42 =	vld [tilespmem:s30+$0xFFFFFE40];
	v8 =	vsel vm13, v52, v8;
	v9 =	vsel vm13, v54, v9;
	vm9 =	vgt.f32 v10, v26  }
0x36d: {  	v44 =	vld [tilespmem:s30+$0xFFFFFEC0];
	vm13 =	vgt.f32 v53, v51;
	v13 =	vsel vm7, v33, v63;
	v54 =	vsel vm8, $0x5, v2  }
0x36e: {  	v30 =	vld [tilespmem:s30+$0xD0];
	v10 =	vsel vm9, v10, v26;
	v24 =	vsel vm9, v35, v34;
	v16 =	vsel vm13, v53, v51  }
0x36f: {  	v62 =	vld [tilespmem:s30+$0x50];
	v43 =	vsel vm13, $0x5, v2;
	v51 =	vsel vm7, $0x3, v1;
	vm9 =	vgt.f32 v13, v23  }
0x370: {  	v58 =	vld [tilespmem:s30+$0xFFFFFF50];
	vm14 =	vgt.f32 v48, v46;
	vm11 =	vgt.f32 v10, v17;
	vm12 =	vgt.f32 v11, v50  }
0x371: {  	v59 =	vld [tilespmem:s30+$0xFFFFFFD0];
	vm4 =	vgt.f32 v20, v16;
	v17 =	vsel vm8, v37, v36;
	v13 =	vsel vm9, v13, v23  }
0x372: {  	v55 =	vld [tilespmem:s30+$0xFFFFFE50];
	v61 =	vsel vm14, v48, v46;
	v63 =	vsel vm14, $0x3, v1;
	v10 =	vsel vm11, v24, v32  }
0x373: {  	v56 =	vld [tilespmem:s30+$0xFFFFFED0];
	v11 =	vsel vm12, v11, v50;
	v41 =	vsel vm12, $0x3, v1;
	v16 =	vsel vm4, v20, v16  }
0x374: {  	v52 =	vld [tilespmem:s30+$0x140];
	v24 =	vsel vm4, v47, v43;
	vm11 =	vgt.f32 v14, v17;
	vm12 =	vgt.f32 v44, v42  }
0x375: {  	v33 =	vld [tilespmem:s30+$0x1D0];
	vm15 =	vgt.f32 v11, v12;
	v14 =	vsel vm11, v14, v17;
	v18 =	vsel vm12, v44, v42  }
0x376: {  	v53 =	vld [tilespmem:s30+$0x1C0];
	v17 =	vsel vm11, v57, v54;
	v60 =	vsel vm12, $0x1, v0;
	vm11 =	vgt.f32 v59, v58  }
0x377: {  	v35 =	vld [tilespmem:s30+$0xFFFFFE60];
	vm12 =	vgt.f32 v30, v62;
	v44 =	vsel vm0, $0x3, v1;
	v11 =	vsel vm15, v11, v12  }
0x378: {  	v37 =	vld [tilespmem:s30+$0xFFFFFEE0];
	v45 =	vsel vm15, v41, v38;
	vm13 =	vgt.f32 v14, v13;
	vm7 =	vgt.f32 v61, v18  }
0x379: {  	v48 =	vld [tilespmem:s30+$0xFFFFFE00];
	v13 =	vsel vm11, v59, v58;
	v40 =	vsel vm11, $0x3, v1;
	v19 =	vsel vm12, v30, v62  }
0x37a: {  	v32 =	vld [tilespmem:s30+$0x150];
	v46 =	vsel vm12, $0x5, v2;
	vm6 =	vgt.f32 v16, v11;
	v16 =	vsel vm9, v51, v49  }
0x37b: {  	v14 =	vsel vm7, v63, v60;
	vm9 =	vgt.f32 v56, v55;
	v12 =	vsel vm6, v24, v45  }
0x37c: {  	v50 =	vld [tilespmem:s30+$0xC0];
	v16 =	vsel vm13, v17, v16;
	vm6 =	vgt.f32 v53, v52;
	v17 =	vsel vm7, v61, v18  }
0x37d: {  	v11 =	vld [tilespmem:s30+$0x40];
	v22 =	vsel vm9, v56, v55;
	v38 =	vsel vm9, $0x1, v0;
	vm5 =	vgt.f32 v37, v35  }
0x37e: {  	v43 =	vld [tilespmem:s30+$0x160];
	vm11 =	vgt.f32 v6, v48;
	v31 =	vsel vm6, v53, v52;
	v36 =	vsel vm6, $0x7, v3  }
0x37f: {  	v56 =	vld [tilespmem:s29+$0x0];
	vm13 =	vgt.f32 v33, v32;
	vm14 =	vgt.f32 v13, v22;
	v23 =	vsel vm5, v37, v35  }
0x380: {  	v42 =	vld [tilespmem:s30+$0xE0];
	v49 =	vsel vm5, $0x1, v0;
	v6 =	vsel vm11, v6, v48;
	v59 =	vsel vm11, $0x1, v0  }
0x381: {  	v41 =	vld [tilespmem:s30+$0x60];
	v18 =	vsel vm13, v33, v32;
	v47 =	vsel vm13, $0x7, v3;
	vm13 =	vgt.f32 v7, v6  }
0x382: {  	v52 =	vld [tilespmem:s29+$0xFFFFFFD0];
	v13 =	vsel vm14, v13, v22;
	v6 =	vsel vm13, v7, v6;
	vm15 =	vgt.f32 v50, v11  }
0x383: {  	v60 =	vld [tilespmem:s29+$0x20];
	v7 =	vsel vm13, v44, v59;
	v11 =	vsel vm15, v50, v11;
	v34 =	vsel vm15, $0x5, v2  }
0x384: {  	v45 =	vld [tilespmem:s30+$0x1E0];
	vm15 =	vgt.f32 v18, v19;
	v61 =	vshll.u32 v56, $0x3;
	vm8 =	vgt.f32 v31, v11  }
0x385: {  	v50 =	vld [tilespmem:s29+$0xFFFFFFC0];
	v18 =	vsel vm15, v18, v19;
	v27 =	vsel vm15, v47, v46;
	vm15 =	vgt.f32 v8, v6  }
0x386: {  	v39 =	vld [tilespmem:s30+$0xFFFFFFE0];
	v11 =	vsel vm8, v31, v11;
	v20 =	vsel vm8, v36, v34;
	vm6 =	vgt.f32 v18, v13  }
0x387: {  	v55 =	vld [tilespmem:s29+$0xFFFFFFF0];
	vm8 =	vgt.f32 v42, v41;
	v7 =	vsel vm15, v9, v7;
	v9 =	vshll.u32 v52, $0x3  }
0x388: {  	vm10 =	vgt.f32 v11, v17;
	v11 =	vld [tilespmem:s30+$0xFFFFFF60];
	v17 =	vsel vm14, v40, v38;
	v25 =	vsel vm8, v42, v41  }
0x389: {  	v58 =	vld [tilespmem:s29+$0x10];
	v54 =	vsel vm8, $0x5, v2;
	v9 =	vor.u32 v10, v9;
	v10 =	vshll.u32 v60, $0x3  }
0x38a: {  	v14 =	vsel vm10, v20, v14;
	vm10 =	vgt.f32 v45, v43;
	v6 =	vshll.u32 v50, $0x3  }
0x38b: {  	v17 =	vsel vm6, v27, v17;
	v19 =	vsel vm10, v45, v43;
	v6 =	vor.u32 v7, v6  }
0x38c: {  	v53 =	vld [tilespmem:s29+$0xFFFFFFE0];
	v57 =	vsel vm10, $0x7, v3;
	vm12 =	vgt.f32 v19, v25;
	v62 =	vadd.s32 v4, v6  }
0x38d: {  	v7 =	vshll.u32 v55, $0x3;
	v19 =	vsel vm12, v19, v25;
	vm7 =	vgt.f32 v39, v11  }
0x38e: {  	v21 =	vsel vm12, v57, v54;
	v6 =	vshll.u32 v58, $0x3;
	v11 =	vsel vm7, v39, v11  }
0x38f: {  	v7 =	vor.u32 v16, v7;
	v6 =	vor.u32 v17, v6;
	vm9 =	vgt.f32 v11, v23  }
0x390: {  	[tilespmem:v15+s22+$0x0] =	vst.idx.add.s32.msk $0xffff, v5;
	v51 =	vsel vm7, $0x3, v1;
	v6 =	vadd.s32 v4, v6;
	v11 =	vsel vm9, v11, v23  }
0x391: {  	v13 =	vsel vm9, v51, v49;
	vm14 =	vgt.f32 v19, v11;
	v11 =	vshll.u32 v53, $0x3;
	[tilespmem:v62+s22+$0x0] =	vst.idx.add.s32.msk $0xffff, v5  }
0x392: {  	v8 =	vsel vm14, v21, v13;
	v12 =	vor.u32 v12, v11;
	v13 =	vor.u32 v14, v61  }
0x393: {  	v11 =	vadd.s32 v4, v9;
	v9 =	vadd.s32 v4, v7;
	v63 =	vor.u32 v8, v10  }
0x394: {  	s31 =	simm.s32 $0x600;
	s30 =	simm.s32 $0x0;
	v10 =	vadd.s32 v4, v12;
	v8 =	vadd.s32 v4, v13;
	v7 =	vadd.s32 v4, v63  }
.LBB2_10:
0x395: {  	v13 =	vld [tilespmem:s31+$0xFFFFFE70]  }
0x396: {  	v14 =	vld [tilespmem:s31+$0xFFFFFEF0]  }
0x397: {  	v15 =	vld [tilespmem:s31+$0xFFFFFF70]  }
0x398: {  	v16 =	vld [tilespmem:s31+$0xFFFFFFF0]  }
0x399: {  	v17 =	vld [tilespmem:s31+$0x70]  }
0x39a: {  	v18 =	vld [tilespmem:s31+$0xF0]  }
0x39b: {  	v19 =	vld [tilespmem:s31+$0x170]  }
0x39c: {  	v20 =	vld [tilespmem:s31+$0x1F0]  }
0x39d: {  	s30 =	sadd.s32 $0x8, s30;
	v12 =	vld [tilespmem:s31+$0xFFFFFE80]  }
0x39e: {  	p0 =	slt.u32 s30, $0xF8;
	v21 =	vld [tilespmem:s31+$0xFFFFFF00]  }
0x39f: {  	v22 =	vld [tilespmem:s31+$0xFFFFFF80]  }
0x3a0: {  	vm0 =	vgt.f32 v14, v13;
	v23 =	vld [tilespmem:s31+$0x0]  }
0x3a1: {  	s29 =	sadd.s32 $0x80, s29;
	vm1 =	vgt.f32 v16, v15;
	vm2 =	vgt.f32 v18, v17;
	v24 =	vld [tilespmem:s31+$0x80];
	vm3 =	vgt.f32 v20, v19  }
0x3a2: {  	v13 =	vsel vm0, v14, v13;
	v14 =	vsel vm0, $0x1, v0;
	v25 =	vsel vm1, $0x3, v1;
	v26 =	vld [tilespmem:s29+$0x30]  }
0x3a3: {  	v15 =	vsel vm1, v16, v15;
	v16 =	vsel vm2, v18, v17;
	v17 =	vsel vm3, v20, v19;
	v27 =	vld [tilespmem:s31+$0x100]  }
0x3a4: {  	vm0 =	vgt.f32 v15, v13;
	v19 =	vsel vm2, $0x5, v2;
	vm1 =	vgt.f32 v17, v16;
	v18 =	vld [tilespmem:s31+$0x180]  }
0x3a5: {  	v13 =	vsel vm0, v15, v13;
	v28 =	vsel vm3, $0x7, v3;
	v15 =	vsel vm1, v17, v16;
	v20 =	vld [tilespmem:s31+$0xFFFFFE10]  }
0x3a6: {  	v14 =	vsel vm0, v25, v14;
	v17 =	vsel vm1, v28, v19;
	vm0 =	vgt.f32 v15, v13;
	v16 =	vld [tilespmem:s31+$0xFFFFFE90]  }
0x3a7: {  	vm1 =	vgt.f32 v22, v21;
	v14 =	vsel vm0, v17, v14;
	v19 =	vld [tilespmem:s31+$0xFFFFFF10];
	v15 =	vshll.u32 v26, $0x3  }
0x3a8: {  	v13 =	vsel vm1, v22, v21;
	vm0 =	vgt.f32 v24, v23;
	v17 =	vld [tilespmem:s31+$0xFFFFFF90];
	v14 =	vor.u32 v14, v15  }
0x3a9: {  	v15 =	vsel vm0, v24, v23;
	vm2 =	vgt.f32 v18, v27;
	v21 =	vld [tilespmem:s31+$0x10];
	v22 =	vadd.s32 v4, v14  }
0x3aa: {  	v23 =	vsel vm0, $0x5, v2;
	v14 =	vsel vm1, $0x3, v1;
	v18 =	vsel vm2, v18, v27;
	v24 =	vld [tilespmem:s31+$0x90]  }
0x3ab: {  	v25 =	vsel vm2, $0x7, v3;
	vm0 =	vgt.f32 v18, v15;
	v26 =	vld [tilespmem:s31+$0x110];
	vm1 =	vgt.f32 v16, v20  }
0x3ac: {  	v15 =	vsel vm0, v18, v15;
	v18 =	vld [tilespmem:s31+$0x190];
	v20 =	vsel vm1, v16, v20;
	v27 =	vsel vm1, $0x1, v0  }
0x3ad: {  	v16 =	vsel vm0, v25, v23;
	vm0 =	vgt.f32 v17, v19;
	v23 =	vld [tilespmem:s31+$0xFFFFFE20]  }
0x3ae: {  	v17 =	vsel vm0, v17, v19;
	v19 =	vsel vm0, $0x3, v1;
	[tilespmem:v22+s22+$0x0] =	vst.idx.add.s32.msk $0xffff, v5  }
0x3af: {  	vm0 =	vgt.f32 v24, v21;
	vm1 =	vgt.f32 v17, v20;
	v22 =	vld [tilespmem:s31+$0xFFFFFEA0]  }
0x3b0: {  	v21 =	vsel vm0, v24, v21;
	v24 =	vsel vm0, $0x5, v2;
	v17 =	vsel vm1, v17, v20;
	v20 =	vld [tilespmem:s31+$0xFFFFFF20]  }
0x3b1: {  	v19 =	vsel vm1, v19, v27;
	vm0 =	vgt.f32 v18, v26;
	v25 =	vld [tilespmem:s31+$0xFFFFFFA0]  }
0x3b2: {  	v18 =	vsel vm0, v18, v26;
	v26 =	vsel vm0, $0x7, v3;
	v27 =	vld [tilespmem:s31+$0x20]  }
0x3b3: {  	vm0 =	vgt.f32 v18, v21;
	v28 =	vld [tilespmem:s31+$0xA0]  }
0x3b4: {  	v18 =	vsel vm0, v18, v21;
	v21 =	vsel vm0, v26, v24;
	v24 =	vld [tilespmem:s31+$0x120];
	vm0 =	vgt.f32 v22, v23  }
0x3b5: {  	vm1 =	vgt.f32 v18, v17;
	v18 =	vld [tilespmem:s31+$0x1A0];
	v22 =	vsel vm0, v22, v23;
	v23 =	vsel vm0, $0x1, v0  }
0x3b6: {  	v17 =	vsel vm1, v21, v19;
	vm0 =	vgt.f32 v25, v20;
	v19 =	vld [tilespmem:s31+$0xFFFFFE30]  }
0x3b7: {  	v20 =	vsel vm0, v25, v20;
	v21 =	vsel vm0, $0x3, v1;
	v25 =	vld [tilespmem:s31+$0xFFFFFEB0]  }
0x3b8: {  	vm0 =	vgt.f32 v28, v27;
	vm1 =	vgt.f32 v20, v22;
	v26 =	vld [tilespmem:s31+$0xFFFFFF30]  }
0x3b9: {  	v27 =	vsel vm0, v28, v27;
	v28 =	vsel vm0, $0x5, v2;
	v20 =	vsel vm1, v20, v22;
	v22 =	vld [tilespmem:s31+$0xFFFFFFB0]  }
0x3ba: {  	v21 =	vsel vm1, v21, v23;
	vm0 =	vgt.f32 v18, v24;
	v23 =	vld [tilespmem:s31+$0x30]  }
0x3bb: {  	v18 =	vsel vm0, v18, v24;
	v24 =	vsel vm0, $0x7, v3;
	v29 =	vld [tilespmem:s31+$0xB0]  }
0x3bc: {  	vm0 =	vgt.f32 v18, v27;
	v30 =	vld [tilespmem:s31+$0x130];
	vm1 =	vgt.f32 v25, v19  }
0x3bd: {  	v18 =	vsel vm0, v18, v27;
	v27 =	vld [tilespmem:s31+$0x1B0];
	v19 =	vsel vm1, v25, v19;
	v25 =	vsel vm1, $0x1, v0  }
0x3be: {  	v24 =	vsel vm0, v24, v28;
	vm0 =	vgt.f32 v18, v20;
	vm1 =	vgt.f32 v22, v26;
	v20 =	vld [tilespmem:s31+$0xFFFFFE40]  }
0x3bf: {  	v18 =	vsel vm0, v24, v21;
	v21 =	vsel vm1, v22, v26;
	v22 =	vsel vm1, $0x3, v1;
	v24 =	vld [tilespmem:s31+$0xFFFFFEC0]  }
0x3c0: {  	vm0 =	vgt.f32 v29, v23;
	vm1 =	vgt.f32 v21, v19;
	v26 =	vld [tilespmem:s31+$0xFFFFFF40]  }
0x3c1: {  	v23 =	vsel vm0, v29, v23;
	v28 =	vsel vm0, $0x5, v2;
	v19 =	vsel vm1, v21, v19;
	v21 =	vld [tilespmem:s31+$0xFFFFFFC0]  }
0x3c2: {  	v22 =	vsel vm1, v22, v25;
	vm0 =	vgt.f32 v27, v30;
	v25 =	vld [tilespmem:s31+$0x40]  }
0x3c3: {  	v27 =	vsel vm0, v27, v30;
	v29 =	vsel vm0, $0x7, v3;
	v30 =	vld [tilespmem:s31+$0xC0]  }
0x3c4: {  	vm0 =	vgt.f32 v27, v23;
	v31 =	vld [tilespmem:s31+$0x140];
	vm1 =	vgt.f32 v24, v20  }
0x3c5: {  	v23 =	vsel vm0, v27, v23;
	v27 =	vld [tilespmem:s31+$0x1C0];
	v20 =	vsel vm1, v24, v20;
	v24 =	vsel vm1, $0x1, v0  }
0x3c6: {  	v28 =	vsel vm0, v29, v28;
	vm0 =	vgt.f32 v23, v19;
	vm1 =	vgt.f32 v21, v26;
	v23 =	vld [tilespmem:s31+$0xFFFFFE50]  }
0x3c7: {  	v19 =	vsel vm0, v28, v22;
	v21 =	vsel vm1, v21, v26;
	v22 =	vsel vm1, $0x3, v1;
	v26 =	vld [tilespmem:s31+$0xFFFFFED0]  }
0x3c8: {  	vm0 =	vgt.f32 v30, v25;
	vm1 =	vgt.f32 v21, v20;
	v28 =	vld [tilespmem:s31+$0xFFFFFF50]  }
0x3c9: {  	v25 =	vsel vm0, v30, v25;
	v29 =	vsel vm0, $0x5, v2;
	v20 =	vsel vm1, v21, v20;
	v21 =	vld [tilespmem:s31+$0xFFFFFFD0]  }
0x3ca: {  	v22 =	vsel vm1, v22, v24;
	vm0 =	vgt.f32 v27, v31;
	v24 =	vld [tilespmem:s31+$0x50]  }
0x3cb: {  	v27 =	vsel vm0, v27, v31;
	v30 =	vsel vm0, $0x7, v3;
	v31 =	vld [tilespmem:s31+$0xD0]  }
0x3cc: {  	vm0 =	vgt.f32 v27, v25;
	v32 =	vld [tilespmem:s31+$0x150];
	vm1 =	vgt.f32 v26, v23  }
0x3cd: {  	v25 =	vsel vm0, v27, v25;
	v27 =	vld [tilespmem:s31+$0x1D0];
	v23 =	vsel vm1, v26, v23;
	v26 =	vsel vm1, $0x1, v0  }
0x3ce: {  	v29 =	vsel vm0, v30, v29;
	vm0 =	vgt.f32 v25, v20;
	vm1 =	vgt.f32 v21, v28;
	v20 =	vld [tilespmem:s31+$0xFFFFFE60]  }
0x3cf: {  	v22 =	vsel vm0, v29, v22;
	v21 =	vsel vm1, v21, v28;
	v25 =	vsel vm1, $0x3, v1;
	v28 =	vld [tilespmem:s31+$0xFFFFFEE0]  }
0x3d0: {  	vm0 =	vgt.f32 v31, v24;
	vm1 =	vgt.f32 v21, v23;
	v29 =	vld [tilespmem:s31+$0xFFFFFF60]  }
0x3d1: {  	v24 =	vsel vm0, v31, v24;
	v30 =	vsel vm0, $0x5, v2;
	v21 =	vsel vm1, v21, v23;
	v23 =	vld [tilespmem:s31+$0xFFFFFFE0]  }
0x3d2: {  	v25 =	vsel vm1, v25, v26;
	vm0 =	vgt.f32 v27, v32;
	v26 =	vld [tilespmem:s31+$0x60]  }
0x3d3: {  	v27 =	vsel vm0, v27, v32;
	v31 =	vsel vm0, $0x7, v3;
	v32 =	vld [tilespmem:s31+$0xE0]  }
0x3d4: {  	vm0 =	vgt.f32 v27, v24;
	v33 =	vld [tilespmem:s31+$0x160];
	vm1 =	vgt.f32 v28, v20  }
0x3d5: {  	v24 =	vsel vm0, v27, v24;
	v27 =	vld [tilespmem:s31+$0x1E0];
	v20 =	vsel vm1, v28, v20;
	v28 =	vsel vm1, $0x1, v0  }
0x3d6: {  	v30 =	vsel vm0, v31, v30;
	v34 =	vld [tilespmem:s31+$0xFFFFFE00];
	vm0 =	vgt.f32 v24, v21;
	vm1 =	vgt.f32 v23, v29  }
0x3d7: {  	v21 =	vld [tilespmem:s29+$0xFFFFFFC0];
	v24 =	vsel vm0, v30, v25;
	v23 =	vsel vm1, v23, v29;
	v25 =	vsel vm1, $0x3, v1  }
0x3d8: {  	v29 =	vld [tilespmem:s29+$0xFFFFFFD0];
	vm0 =	vgt.f32 v32, v26;
	vm1 =	vgt.f32 v23, v20  }
0x3d9: {  	v30 =	vld [tilespmem:s29+$0xFFFFFFE0];
	v26 =	vsel vm0, v32, v26;
	v31 =	vsel vm0, $0x5, v2;
	v20 =	vsel vm1, v23, v20  }
0x3da: {  	v25 =	vsel vm1, v25, v28;
	v23 =	vld [tilespmem:s29+$0xFFFFFFF0];
	vm0 =	vgt.f32 v27, v33  }
0x3db: {  	vm1 =	vgt.f32 v12, v34;
	v28 =	vld [tilespmem:s29+$0x0];
	v27 =	vsel vm0, v27, v33;
	v32 =	vsel vm0, $0x7, v3  }
0x3dc: {  	v12 =	vsel vm1, v12, v34;
	v33 =	vsel vm1, $0x1, v0;
	v34 =	vld [tilespmem:s29+$0x10];
	vm0 =	vgt.f32 v27, v26  }
0x3dd: {  	vm1 =	vgt.f32 v13, v12;
	v26 =	vsel vm0, v27, v26;
	v27 =	vsel vm0, v32, v31;
	v31 =	vld [tilespmem:s29+$0x20]  }
0x3de: {  	v12 =	vsel vm1, v13, v12;
	v13 =	vsel vm1, v14, v33;
	vm0 =	vgt.f32 v26, v20  }
0x3df: {  	vm1 =	vgt.f32 v15, v12;
	v12 =	vshll.u32 v21, $0x3;
	v14 =	vsel vm0, v27, v25;
	[tilespmem:v11+s22+$0x0] =	vst.idx.add.s32.msk $0xffff, v5  }
0x3e0: {  	v15 =	vshll.u32 v30, $0x3;
	v11 =	vsel vm1, v16, v13;
	v13 =	vshll.u32 v29, $0x3;
	[tilespmem:v10+s22+$0x0] =	vst.idx.add.s32.msk $0xffff, v5  }
0x3e1: {  	v10 =	vshll.u32 v23, $0x3;
	v16 =	vshll.u32 v28, $0x3;
	v20 =	vshll.u32 v34, $0x3;
	[tilespmem:v9+s22+$0x0] =	vst.idx.add.s32.msk $0xffff, v5  }
0x3e2: {  	v9 =	vor.u32 v11, v12;
	v11 =	vor.u32 v17, v13;
	v12 =	vshll.u32 v31, $0x3;
	[tilespmem:v8+s22+$0x0] =	vst.idx.add.s32.msk $0xffff, v5  }
0x3e3: {  	v13 =	vor.u32 v19, v10;
	v8 =	vor.u32 v18, v15;
	v15 =	vor.u32 v22, v16  }
0x3e4: {  	v16 =	vadd.s32 v4, v9;
	v17 =	vor.u32 v24, v20;
	v12 =	vor.u32 v14, v12  }
.Ltmp4:
0x3e5: {  	v11 =	vadd.s32 v4, v11;
	v9 =	vadd.s32 v4, v13;
	v10 =	vadd.s32 v4, v8;
	(pc) =	sbr.rel @p0 .LBB2_10-.Ltmp4, $4  }
0x3e6: {  	v8 =	vadd.s32 v4, v15;
	v13 =	vadd.s32 v4, v17;
	v12 =	vadd.s32 v4, v12  }
0x3e7: {  	[tilespmem:v6+s22+$0x0] =	vst.idx.add.s32.msk $0xffff, v5;
	v6 =	vmov v13  }
0x3e8: {  	[tilespmem:v7+s22+$0x0] =	vst.idx.add.s32.msk $0xffff, v5;
	v7 =	vmov v12  }
0x3e9: {  	s31 =	sadd.s32 $0x400, s31;
	[tilespmem:v16+s22+$0x0] =	vst.idx.add.s32.msk $0xffff, v5  }
0x3ea: {  	_ =	sdelay $0x3  }
0x3eb: {  	[tilespmem:v11+s22+$0x0] =	vst.idx.add.s32.msk $0xffff, v5  }
0x3ec: {  	[tilespmem:v10+s22+$0x0] =	vst.idx.add.s32.msk $0xffff, v5  }
0x3ed: {  	[tilespmem:v9+s22+$0x0] =	vst.idx.add.s32.msk $0xffff, v5  }
0x3ee: {  	[tilespmem:v8+s22+$0x0] =	vst.idx.add.s32.msk $0xffff, v5  }
0x3ef: {  	[tilespmem:v6+s22+$0x0] =	vst.idx.add.s32.msk $0xffff, v5  }
0x3f0: {  	[tilespmem:v7+s22+$0x0] =	vst.idx.add.s32.msk $0xffff, v5  }
0x3f1: {  	_ =	swait.ge [sflag:s23], $0x4000  }
0x3f2: {  	[sflag:s23] =	ssyncset.done $0x0  }
0x3f3: {  	[sflag:s23] =	ssyncadd.s32 $0xFFFFC000  }
0x3f4: {  	_ =	swait.ge [sflag:s24], $0x800  }
0x3f5: {  	[sflag:s24] =	ssyncset.done $0x0  }
0x3f6: {  	s30 =	simm.s32 $0x8200;
	[sflag:s24] =	ssyncadd.s32 $0xFFFFF800  }
0x3f7: {  	v7 =	vld [tilespmem:s30+$0xFFFFFE70]  }
0x3f8: {  	v8 =	vld [tilespmem:s30+$0xFFFFFEF0]  }
0x3f9: {  	v9 =	vld [tilespmem:s30+$0xFFFFFF70]  }
0x3fa: {  	v10 =	vld [tilespmem:s30+$0xFFFFFFF0]  }
0x3fb: {  	v11 =	vld [tilespmem:s30+$0x70]  }
0x3fc: {  	v12 =	vld [tilespmem:s30+$0xF0]  }
0x3fd: {  	v13 =	vld [tilespmem:s30+$0x170]  }
0x3fe: {  	v14 =	vld [tilespmem:s30+$0x1F0]  }
0x3ff: {  	v17 =	vld [tilespmem:s30+$0x0]  }
0x400: {  	v18 =	vld [tilespmem:s30+$0x80]  }
0x401: {  	v20 =	vld [tilespmem:s30+$0x100]  }
0x402: {  	v21 =	vld [tilespmem:s30+$0x180]  }
0x403: {  	v22 =	vld [tilespmem:s30+$0xFFFFFE10]  }
0x404: {  	v23 =	vld [tilespmem:s30+$0xFFFFFE90]  }
0x405: {  	v24 =	vld [tilespmem:s30+$0xFFFFFF10]  }
0x406: {  	v25 =	vld [tilespmem:s30+$0xFFFFFF90]  }
0x407: {  	v26 =	vld [tilespmem:s30+$0x10]  }
0x408: {  	v27 =	vld [tilespmem:s30+$0x90]  }
0x409: {  	v60 =	vld [tilespmem:s30+$0xFFFFFE30]  }
0x40a: {  	v62 =	vld [tilespmem:s30+$0xFFFFFEB0]  }
0x40b: {  	v6 =	vld [tilespmem:s30+$0xFFFFFE80]  }
0x40c: {  	v15 =	vld [tilespmem:s30+$0xFFFFFF00];
	vm0 =	vgt.f32 v8, v7  }
0x40d: {  	s29 =	simm.s32 $0x11040;
	v16 =	vld [tilespmem:s30+$0xFFFFFF80];
	vm1 =	vgt.f32 v10, v9;
	vm2 =	vgt.f32 v12, v11;
	vm3 =	vgt.f32 v14, v13  }
0x40e: {  	v19 =	vld [tilespmem:s29+$0x30];
	vm11 =	vgt.f32 v18, v17;
	vm12 =	vgt.f32 v21, v20;
	vm14 =	vgt.f32 v23, v22  }
0x40f: {  	v55 =	vld [tilespmem:s30+$0x120];
	vm15 =	vgt.f32 v25, v24;
	vm6 =	vgt.f32 v27, v26;
	vm5 =	vgt.f32 v62, v60  }
0x410: {  	v57 =	vld [tilespmem:s30+$0x1A0];
	v7 =	vsel vm0, v8, v7;
	v8 =	vsel vm0, $0x1, v0;
	v28 =	vsel vm1, $0x3, v1  }
0x411: {  	v47 =	vld [tilespmem:s30+$0x190];
	v9 =	vsel vm1, v10, v9;
	v11 =	vsel vm2, v12, v11;
	v46 =	vsel vm3, v14, v13  }
0x412: {  	v29 =	vld [tilespmem:s30+$0xFFFFFE20];
	v48 =	vsel vm2, $0x5, v2;
	vm0 =	vgt.f32 v16, v15;
	v52 =	vsel vm12, v21, v20  }
0x413: {  	v49 =	vld [tilespmem:s30+$0xFFFFFEA0];
	v54 =	vsel vm12, $0x7, v3;
	v56 =	vsel vm14, v23, v22;
	v58 =	vsel vm14, $0x1, v0  }
0x414: {  	v63 =	vld [tilespmem:s30+$0xFFFFFF30];
	v59 =	vsel vm15, v25, v24;
	v61 =	vsel vm15, $0x3, v1;
	v26 =	vsel vm6, v27, v26  }
0x415: {  	v36 =	vld [tilespmem:s30+$0x30];
	v34 =	vsel vm6, $0x5, v2;
	vm14 =	vgt.f32 v57, v55;
	v23 =	vsel vm5, v62, v60  }
0x416: {  	v37 =	vld [tilespmem:s30+$0xB0];
	vm8 =	vgt.f32 v9, v7;
	vm9 =	vgt.f32 v46, v11;
	v20 =	vsel vm14, v57, v55  }
0x417: {  	v10 =	vld [tilespmem:s30+$0x110];
	v7 =	vsel vm8, v9, v7;
	v9 =	vsel vm9, v46, v11;
	v11 =	vsel vm3, $0x7, v3  }
0x418: {  	v39 =	vld [tilespmem:s30+$0x130];
	v8 =	vsel vm8, v28, v8;
	vm8 =	vgt.f32 v59, v56;
	v11 =	vsel vm9, v11, v48  }
0x419: {  	v40 =	vld [tilespmem:s30+$0x1B0];
	vm10 =	vgt.f32 v9, v7;
	v9 =	vshll.u32 v19, $0x3;
	v7 =	vsel vm0, v16, v15  }
0x41a: {  	v33 =	vld [tilespmem:s30+$0xFFFFFFB0];
	v32 =	vsel vm8, v61, v58;
	v8 =	vsel vm10, v11, v8;
	vm10 =	vgt.f32 v49, v29  }
0x41b: {  	v50 =	vld [tilespmem:s30+$0xFFFFFF20];
	v15 =	vor.u32 v8, v9;
	v8 =	vsel vm11, v18, v17;
	v9 =	vsel vm11, $0x5, v2  }
0x41c: {  	v51 =	vld [tilespmem:s30+$0x20];
	vm7 =	vgt.f32 v47, v10;
	v17 =	vsel vm8, v59, v56;
	v12 =	vsel vm10, v49, v29  }
0x41d: {  	v53 =	vld [tilespmem:s30+$0xA0];
	v38 =	vsel vm10, $0x1, v0;
	v49 =	vsel vm5, $0x1, v0;
	vm8 =	vgt.f32 v37, v36  }
0x41e: {  	v46 =	vld [tilespmem:s30+$0xFFFFFF40];
	vm10 =	vgt.f32 v40, v39;
	vm13 =	vgt.f32 v52, v8;
	v10 =	vsel vm7, v47, v10  }
0x41f: {  	v48 =	vld [tilespmem:s30+$0xFFFFFFC0];
	v35 =	vsel vm7, $0x7, v3;
	v47 =	vsel vm14, $0x7, v3;
	vm7 =	vgt.f32 v33, v63  }
0x420: {  	v11 =	vld [tilespmem:s30+$0xFFFFFFA0];
	v14 =	vsel vm10, v40, v39;
	v57 =	vsel vm10, $0x7, v3;
	v15 =	vadd.s32 v4, v15  }
0x421: {  	v42 =	vld [tilespmem:s30+$0xFFFFFE40];
	v8 =	vsel vm13, v52, v8;
	v9 =	vsel vm13, v54, v9;
	vm9 =	vgt.f32 v10, v26  }
0x422: {  	v44 =	vld [tilespmem:s30+$0xFFFFFEC0];
	vm13 =	vgt.f32 v53, v51;
	v13 =	vsel vm7, v33, v63;
	v54 =	vsel vm8, $0x5, v2  }
0x423: {  	v30 =	vld [tilespmem:s30+$0xD0];
	v10 =	vsel vm9, v10, v26;
	v24 =	vsel vm9, v35, v34;
	v16 =	vsel vm13, v53, v51  }
0x424: {  	v62 =	vld [tilespmem:s30+$0x50];
	v43 =	vsel vm13, $0x5, v2;
	v51 =	vsel vm7, $0x3, v1;
	vm9 =	vgt.f32 v13, v23  }
0x425: {  	v58 =	vld [tilespmem:s30+$0xFFFFFF50];
	vm14 =	vgt.f32 v48, v46;
	vm11 =	vgt.f32 v10, v17;
	vm12 =	vgt.f32 v11, v50  }
0x426: {  	v59 =	vld [tilespmem:s30+$0xFFFFFFD0];
	vm4 =	vgt.f32 v20, v16;
	v17 =	vsel vm8, v37, v36;
	v13 =	vsel vm9, v13, v23  }
0x427: {  	v55 =	vld [tilespmem:s30+$0xFFFFFE50];
	v61 =	vsel vm14, v48, v46;
	v63 =	vsel vm14, $0x3, v1;
	v10 =	vsel vm11, v24, v32  }
0x428: {  	v56 =	vld [tilespmem:s30+$0xFFFFFED0];
	v11 =	vsel vm12, v11, v50;
	v41 =	vsel vm12, $0x3, v1;
	v16 =	vsel vm4, v20, v16  }
0x429: {  	v52 =	vld [tilespmem:s30+$0x140];
	v24 =	vsel vm4, v47, v43;
	vm11 =	vgt.f32 v14, v17;
	vm12 =	vgt.f32 v44, v42  }
0x42a: {  	v33 =	vld [tilespmem:s30+$0x1D0];
	vm15 =	vgt.f32 v11, v12;
	v14 =	vsel vm11, v14, v17;
	v18 =	vsel vm12, v44, v42  }
0x42b: {  	v53 =	vld [tilespmem:s30+$0x1C0];
	v17 =	vsel vm11, v57, v54;
	v60 =	vsel vm12, $0x1, v0;
	vm11 =	vgt.f32 v59, v58  }
0x42c: {  	v35 =	vld [tilespmem:s30+$0xFFFFFE60];
	vm12 =	vgt.f32 v30, v62;
	v44 =	vsel vm0, $0x3, v1;
	v11 =	vsel vm15, v11, v12  }
0x42d: {  	v37 =	vld [tilespmem:s30+$0xFFFFFEE0];
	v45 =	vsel vm15, v41, v38;
	vm13 =	vgt.f32 v14, v13;
	vm7 =	vgt.f32 v61, v18  }
0x42e: {  	v48 =	vld [tilespmem:s30+$0xFFFFFE00];
	v13 =	vsel vm11, v59, v58;
	v40 =	vsel vm11, $0x3, v1;
	v19 =	vsel vm12, v30, v62  }
0x42f: {  	v32 =	vld [tilespmem:s30+$0x150];
	v46 =	vsel vm12, $0x5, v2;
	vm6 =	vgt.f32 v16, v11;
	v16 =	vsel vm9, v51, v49  }
0x430: {  	v14 =	vsel vm7, v63, v60;
	vm9 =	vgt.f32 v56, v55;
	v12 =	vsel vm6, v24, v45  }
0x431: {  	v50 =	vld [tilespmem:s30+$0xC0];
	v16 =	vsel vm13, v17, v16;
	vm6 =	vgt.f32 v53, v52;
	v17 =	vsel vm7, v61, v18  }
0x432: {  	v11 =	vld [tilespmem:s30+$0x40];
	v22 =	vsel vm9, v56, v55;
	v38 =	vsel vm9, $0x1, v0;
	vm5 =	vgt.f32 v37, v35  }
0x433: {  	v43 =	vld [tilespmem:s30+$0x160];
	vm11 =	vgt.f32 v6, v48;
	v31 =	vsel vm6, v53, v52;
	v36 =	vsel vm6, $0x7, v3  }
0x434: {  	v56 =	vld [tilespmem:s29+$0x0];
	vm13 =	vgt.f32 v33, v32;
	vm14 =	vgt.f32 v13, v22;
	v23 =	vsel vm5, v37, v35  }
0x435: {  	v42 =	vld [tilespmem:s30+$0xE0];
	v49 =	vsel vm5, $0x1, v0;
	v6 =	vsel vm11, v6, v48;
	v59 =	vsel vm11, $0x1, v0  }
0x436: {  	v41 =	vld [tilespmem:s30+$0x60];
	v18 =	vsel vm13, v33, v32;
	v47 =	vsel vm13, $0x7, v3;
	vm13 =	vgt.f32 v7, v6  }
0x437: {  	v52 =	vld [tilespmem:s29+$0xFFFFFFD0];
	v13 =	vsel vm14, v13, v22;
	v6 =	vsel vm13, v7, v6;
	vm15 =	vgt.f32 v50, v11  }
0x438: {  	v60 =	vld [tilespmem:s29+$0x20];
	v7 =	vsel vm13, v44, v59;
	v11 =	vsel vm15, v50, v11;
	v34 =	vsel vm15, $0x5, v2  }
0x439: {  	v45 =	vld [tilespmem:s30+$0x1E0];
	vm15 =	vgt.f32 v18, v19;
	v61 =	vshll.u32 v56, $0x3;
	vm8 =	vgt.f32 v31, v11  }
0x43a: {  	v50 =	vld [tilespmem:s29+$0xFFFFFFC0];
	v18 =	vsel vm15, v18, v19;
	v27 =	vsel vm15, v47, v46;
	vm15 =	vgt.f32 v8, v6  }
0x43b: {  	v39 =	vld [tilespmem:s30+$0xFFFFFFE0];
	v11 =	vsel vm8, v31, v11;
	v20 =	vsel vm8, v36, v34;
	vm6 =	vgt.f32 v18, v13  }
0x43c: {  	v55 =	vld [tilespmem:s29+$0xFFFFFFF0];
	vm8 =	vgt.f32 v42, v41;
	v7 =	vsel vm15, v9, v7;
	v9 =	vshll.u32 v52, $0x3  }
0x43d: {  	vm10 =	vgt.f32 v11, v17;
	v11 =	vld [tilespmem:s30+$0xFFFFFF60];
	v17 =	vsel vm14, v40, v38;
	v25 =	vsel vm8, v42, v41  }
0x43e: {  	v58 =	vld [tilespmem:s29+$0x10];
	v54 =	vsel vm8, $0x5, v2;
	v9 =	vor.u32 v10, v9;
	v10 =	vshll.u32 v60, $0x3  }
0x43f: {  	v14 =	vsel vm10, v20, v14;
	vm10 =	vgt.f32 v45, v43;
	v6 =	vshll.u32 v50, $0x3  }
0x440: {  	v17 =	vsel vm6, v27, v17;
	v19 =	vsel vm10, v45, v43;
	v6 =	vor.u32 v7, v6  }
0x441: {  	v53 =	vld [tilespmem:s29+$0xFFFFFFE0];
	v57 =	vsel vm10, $0x7, v3;
	vm12 =	vgt.f32 v19, v25;
	v62 =	vadd.s32 v4, v6  }
0x442: {  	v7 =	vshll.u32 v55, $0x3;
	v19 =	vsel vm12, v19, v25;
	vm7 =	vgt.f32 v39, v11  }
0x443: {  	v21 =	vsel vm12, v57, v54;
	v6 =	vshll.u32 v58, $0x3;
	v11 =	vsel vm7, v39, v11  }
0x444: {  	v7 =	vor.u32 v16, v7;
	v6 =	vor.u32 v17, v6;
	vm9 =	vgt.f32 v11, v23  }
0x445: {  	[tilespmem:v15+s22+$0x0] =	vst.idx.add.s32.msk $0xffff, v5;
	v51 =	vsel vm7, $0x3, v1;
	v6 =	vadd.s32 v4, v6;
	v11 =	vsel vm9, v11, v23  }
0x446: {  	v13 =	vsel vm9, v51, v49;
	vm14 =	vgt.f32 v19, v11;
	v11 =	vshll.u32 v53, $0x3;
	[tilespmem:v62+s22+$0x0] =	vst.idx.add.s32.msk $0xffff, v5  }
0x447: {  	v8 =	vsel vm14, v21, v13;
	v12 =	vor.u32 v12, v11;
	v13 =	vor.u32 v14, v61  }
0x448: {  	v11 =	vadd.s32 v4, v9;
	v9 =	vadd.s32 v4, v7;
	v63 =	vor.u32 v8, v10  }
0x449: {  	s31 =	simm.s32 $0x8600;
	s30 =	simm.s32 $0x0;
	v10 =	vadd.s32 v4, v12;
	v8 =	vadd.s32 v4, v13;
	v7 =	vadd.s32 v4, v63  }
.LBB2_12:
0x44a: {  	v13 =	vld [tilespmem:s31+$0xFFFFFE70]  }
0x44b: {  	v14 =	vld [tilespmem:s31+$0xFFFFFEF0]  }
0x44c: {  	v15 =	vld [tilespmem:s31+$0xFFFFFF70]  }
0x44d: {  	v16 =	vld [tilespmem:s31+$0xFFFFFFF0]  }
0x44e: {  	v17 =	vld [tilespmem:s31+$0x70]  }
0x44f: {  	v18 =	vld [tilespmem:s31+$0xF0]  }
0x450: {  	v19 =	vld [tilespmem:s31+$0x170]  }
0x451: {  	v20 =	vld [tilespmem:s31+$0x1F0]  }
0x452: {  	s30 =	sadd.s32 $0x8, s30;
	v12 =	vld [tilespmem:s31+$0xFFFFFE80]  }
0x453: {  	p0 =	slt.u32 s30, $0x78;
	v21 =	vld [tilespmem:s31+$0xFFFFFF00]  }
0x454: {  	v22 =	vld [tilespmem:s31+$0xFFFFFF80]  }
0x455: {  	vm0 =	vgt.f32 v14, v13;
	v23 =	vld [tilespmem:s31+$0x0]  }
0x456: {  	s29 =	sadd.s32 $0x80, s29;
	vm1 =	vgt.f32 v16, v15;
	vm2 =	vgt.f32 v18, v17;
	v24 =	vld [tilespmem:s31+$0x80];
	vm3 =	vgt.f32 v20, v19  }
0x457: {  	v13 =	vsel vm0, v14, v13;
	v14 =	vsel vm0, $0x1, v0;
	v25 =	vsel vm1, $0x3, v1;
	v26 =	vld [tilespmem:s29+$0x30]  }
0x458: {  	v15 =	vsel vm1, v16, v15;
	v16 =	vsel vm2, v18, v17;
	v17 =	vsel vm3, v20, v19;
	v27 =	vld [tilespmem:s31+$0x100]  }
0x459: {  	vm0 =	vgt.f32 v15, v13;
	v19 =	vsel vm2, $0x5, v2;
	vm1 =	vgt.f32 v17, v16;
	v18 =	vld [tilespmem:s31+$0x180]  }
0x45a: {  	v13 =	vsel vm0, v15, v13;
	v28 =	vsel vm3, $0x7, v3;
	v15 =	vsel vm1, v17, v16;
	v20 =	vld [tilespmem:s31+$0xFFFFFE10]  }
0x45b: {  	v14 =	vsel vm0, v25, v14;
	v17 =	vsel vm1, v28, v19;
	vm0 =	vgt.f32 v15, v13;
	v16 =	vld [tilespmem:s31+$0xFFFFFE90]  }
0x45c: {  	vm1 =	vgt.f32 v22, v21;
	v14 =	vsel vm0, v17, v14;
	v19 =	vld [tilespmem:s31+$0xFFFFFF10];
	v15 =	vshll.u32 v26, $0x3  }
0x45d: {  	v13 =	vsel vm1, v22, v21;
	vm0 =	vgt.f32 v24, v23;
	v17 =	vld [tilespmem:s31+$0xFFFFFF90];
	v14 =	vor.u32 v14, v15  }
0x45e: {  	v15 =	vsel vm0, v24, v23;
	vm2 =	vgt.f32 v18, v27;
	v21 =	vld [tilespmem:s31+$0x10];
	v22 =	vadd.s32 v4, v14  }
0x45f: {  	v23 =	vsel vm0, $0x5, v2;
	v14 =	vsel vm1, $0x3, v1;
	v18 =	vsel vm2, v18, v27;
	v24 =	vld [tilespmem:s31+$0x90]  }
0x460: {  	v25 =	vsel vm2, $0x7, v3;
	vm0 =	vgt.f32 v18, v15;
	v26 =	vld [tilespmem:s31+$0x110];
	vm1 =	vgt.f32 v16, v20  }
0x461: {  	v15 =	vsel vm0, v18, v15;
	v18 =	vld [tilespmem:s31+$0x190];
	v20 =	vsel vm1, v16, v20;
	v27 =	vsel vm1, $0x1, v0  }
0x462: {  	v16 =	vsel vm0, v25, v23;
	vm0 =	vgt.f32 v17, v19;
	v23 =	vld [tilespmem:s31+$0xFFFFFE20]  }
0x463: {  	v17 =	vsel vm0, v17, v19;
	v19 =	vsel vm0, $0x3, v1;
	[tilespmem:v22+s22+$0x0] =	vst.idx.add.s32.msk $0xffff, v5  }
0x464: {  	vm0 =	vgt.f32 v24, v21;
	vm1 =	vgt.f32 v17, v20;
	v22 =	vld [tilespmem:s31+$0xFFFFFEA0]  }
0x465: {  	v21 =	vsel vm0, v24, v21;
	v24 =	vsel vm0, $0x5, v2;
	v17 =	vsel vm1, v17, v20;
	v20 =	vld [tilespmem:s31+$0xFFFFFF20]  }
0x466: {  	v19 =	vsel vm1, v19, v27;
	vm0 =	vgt.f32 v18, v26;
	v25 =	vld [tilespmem:s31+$0xFFFFFFA0]  }
0x467: {  	v18 =	vsel vm0, v18, v26;
	v26 =	vsel vm0, $0x7, v3;
	v27 =	vld [tilespmem:s31+$0x20]  }
0x468: {  	vm0 =	vgt.f32 v18, v21;
	v28 =	vld [tilespmem:s31+$0xA0]  }
0x469: {  	v18 =	vsel vm0, v18, v21;
	v21 =	vsel vm0, v26, v24;
	v24 =	vld [tilespmem:s31+$0x120];
	vm0 =	vgt.f32 v22, v23  }
0x46a: {  	vm1 =	vgt.f32 v18, v17;
	v18 =	vld [tilespmem:s31+$0x1A0];
	v22 =	vsel vm0, v22, v23;
	v23 =	vsel vm0, $0x1, v0  }
0x46b: {  	v17 =	vsel vm1, v21, v19;
	vm0 =	vgt.f32 v25, v20;
	v19 =	vld [tilespmem:s31+$0xFFFFFE30]  }
0x46c: {  	v20 =	vsel vm0, v25, v20;
	v21 =	vsel vm0, $0x3, v1;
	v25 =	vld [tilespmem:s31+$0xFFFFFEB0]  }
0x46d: {  	vm0 =	vgt.f32 v28, v27;
	vm1 =	vgt.f32 v20, v22;
	v26 =	vld [tilespmem:s31+$0xFFFFFF30]  }
0x46e: {  	v27 =	vsel vm0, v28, v27;
	v28 =	vsel vm0, $0x5, v2;
	v20 =	vsel vm1, v20, v22;
	v22 =	vld [tilespmem:s31+$0xFFFFFFB0]  }
0x46f: {  	v21 =	vsel vm1, v21, v23;
	vm0 =	vgt.f32 v18, v24;
	v23 =	vld [tilespmem:s31+$0x30]  }
0x470: {  	v18 =	vsel vm0, v18, v24;
	v24 =	vsel vm0, $0x7, v3;
	v29 =	vld [tilespmem:s31+$0xB0]  }
0x471: {  	vm0 =	vgt.f32 v18, v27;
	v30 =	vld [tilespmem:s31+$0x130];
	vm1 =	vgt.f32 v25, v19  }
0x472: {  	v18 =	vsel vm0, v18, v27;
	v27 =	vld [tilespmem:s31+$0x1B0];
	v19 =	vsel vm1, v25, v19;
	v25 =	vsel vm1, $0x1, v0  }
0x473: {  	v24 =	vsel vm0, v24, v28;
	vm0 =	vgt.f32 v18, v20;
	vm1 =	vgt.f32 v22, v26;
	v20 =	vld [tilespmem:s31+$0xFFFFFE40]  }
0x474: {  	v18 =	vsel vm0, v24, v21;
	v21 =	vsel vm1, v22, v26;
	v22 =	vsel vm1, $0x3, v1;
	v24 =	vld [tilespmem:s31+$0xFFFFFEC0]  }
0x475: {  	vm0 =	vgt.f32 v29, v23;
	vm1 =	vgt.f32 v21, v19;
	v26 =	vld [tilespmem:s31+$0xFFFFFF40]  }
0x476: {  	v23 =	vsel vm0, v29, v23;
	v28 =	vsel vm0, $0x5, v2;
	v19 =	vsel vm1, v21, v19;
	v21 =	vld [tilespmem:s31+$0xFFFFFFC0]  }
0x477: {  	v22 =	vsel vm1, v22, v25;
	vm0 =	vgt.f32 v27, v30;
	v25 =	vld [tilespmem:s31+$0x40]  }
0x478: {  	v27 =	vsel vm0, v27, v30;
	v29 =	vsel vm0, $0x7, v3;
	v30 =	vld [tilespmem:s31+$0xC0]  }
0x479: {  	vm0 =	vgt.f32 v27, v23;
	v31 =	vld [tilespmem:s31+$0x140];
	vm1 =	vgt.f32 v24, v20  }
0x47a: {  	v23 =	vsel vm0, v27, v23;
	v27 =	vld [tilespmem:s31+$0x1C0];
	v20 =	vsel vm1, v24, v20;
	v24 =	vsel vm1, $0x1, v0  }
0x47b: {  	v28 =	vsel vm0, v29, v28;
	vm0 =	vgt.f32 v23, v19;
	vm1 =	vgt.f32 v21, v26;
	v23 =	vld [tilespmem:s31+$0xFFFFFE50]  }
0x47c: {  	v19 =	vsel vm0, v28, v22;
	v21 =	vsel vm1, v21, v26;
	v22 =	vsel vm1, $0x3, v1;
	v26 =	vld [tilespmem:s31+$0xFFFFFED0]  }
0x47d: {  	vm0 =	vgt.f32 v30, v25;
	vm1 =	vgt.f32 v21, v20;
	v28 =	vld [tilespmem:s31+$0xFFFFFF50]  }
0x47e: {  	v25 =	vsel vm0, v30, v25;
	v29 =	vsel vm0, $0x5, v2;
	v20 =	vsel vm1, v21, v20;
	v21 =	vld [tilespmem:s31+$0xFFFFFFD0]  }
0x47f: {  	v22 =	vsel vm1, v22, v24;
	vm0 =	vgt.f32 v27, v31;
	v24 =	vld [tilespmem:s31+$0x50]  }
0x480: {  	v27 =	vsel vm0, v27, v31;
	v30 =	vsel vm0, $0x7, v3;
	v31 =	vld [tilespmem:s31+$0xD0]  }
0x481: {  	vm0 =	vgt.f32 v27, v25;
	v32 =	vld [tilespmem:s31+$0x150];
	vm1 =	vgt.f32 v26, v23  }
0x482: {  	v25 =	vsel vm0, v27, v25;
	v27 =	vld [tilespmem:s31+$0x1D0];
	v23 =	vsel vm1, v26, v23;
	v26 =	vsel vm1, $0x1, v0  }
0x483: {  	v29 =	vsel vm0, v30, v29;
	vm0 =	vgt.f32 v25, v20;
	vm1 =	vgt.f32 v21, v28;
	v20 =	vld [tilespmem:s31+$0xFFFFFE60]  }
0x484: {  	v22 =	vsel vm0, v29, v22;
	v21 =	vsel vm1, v21, v28;
	v25 =	vsel vm1, $0x3, v1;
	v28 =	vld [tilespmem:s31+$0xFFFFFEE0]  }
0x485: {  	vm0 =	vgt.f32 v31, v24;
	vm1 =	vgt.f32 v21, v23;
	v29 =	vld [tilespmem:s31+$0xFFFFFF60]  }
0x486: {  	v24 =	vsel vm0, v31, v24;
	v30 =	vsel vm0, $0x5, v2;
	v21 =	vsel vm1, v21, v23;
	v23 =	vld [tilespmem:s31+$0xFFFFFFE0]  }
0x487: {  	v25 =	vsel vm1, v25, v26;
	vm0 =	vgt.f32 v27, v32;
	v26 =	vld [tilespmem:s31+$0x60]  }
0x488: {  	v27 =	vsel vm0, v27, v32;
	v31 =	vsel vm0, $0x7, v3;
	v32 =	vld [tilespmem:s31+$0xE0]  }
0x489: {  	vm0 =	vgt.f32 v27, v24;
	v33 =	vld [tilespmem:s31+$0x160];
	vm1 =	vgt.f32 v28, v20  }
0x48a: {  	v24 =	vsel vm0, v27, v24;
	v27 =	vld [tilespmem:s31+$0x1E0];
	v20 =	vsel vm1, v28, v20;
	v28 =	vsel vm1, $0x1, v0  }
0x48b: {  	v30 =	vsel vm0, v31, v30;
	v34 =	vld [tilespmem:s31+$0xFFFFFE00];
	vm0 =	vgt.f32 v24, v21;
	vm1 =	vgt.f32 v23, v29  }
0x48c: {  	v21 =	vld [tilespmem:s29+$0xFFFFFFC0];
	v24 =	vsel vm0, v30, v25;
	v23 =	vsel vm1, v23, v29;
	v25 =	vsel vm1, $0x3, v1  }
0x48d: {  	v29 =	vld [tilespmem:s29+$0xFFFFFFD0];
	vm0 =	vgt.f32 v32, v26;
	vm1 =	vgt.f32 v23, v20  }
0x48e: {  	v30 =	vld [tilespmem:s29+$0xFFFFFFE0];
	v26 =	vsel vm0, v32, v26;
	v31 =	vsel vm0, $0x5, v2;
	v20 =	vsel vm1, v23, v20  }
0x48f: {  	v25 =	vsel vm1, v25, v28;
	v23 =	vld [tilespmem:s29+$0xFFFFFFF0];
	vm0 =	vgt.f32 v27, v33  }
0x490: {  	vm1 =	vgt.f32 v12, v34;
	v28 =	vld [tilespmem:s29+$0x0];
	v27 =	vsel vm0, v27, v33;
	v32 =	vsel vm0, $0x7, v3  }
0x491: {  	v12 =	vsel vm1, v12, v34;
	v33 =	vsel vm1, $0x1, v0;
	v34 =	vld [tilespmem:s29+$0x10];
	vm0 =	vgt.f32 v27, v26  }
0x492: {  	vm1 =	vgt.f32 v13, v12;
	v26 =	vsel vm0, v27, v26;
	v27 =	vsel vm0, v32, v31;
	v31 =	vld [tilespmem:s29+$0x20]  }
0x493: {  	v12 =	vsel vm1, v13, v12;
	v13 =	vsel vm1, v14, v33;
	vm0 =	vgt.f32 v26, v20  }
0x494: {  	vm1 =	vgt.f32 v15, v12;
	v12 =	vshll.u32 v21, $0x3;
	v14 =	vsel vm0, v27, v25;
	[tilespmem:v11+s22+$0x0] =	vst.idx.add.s32.msk $0xffff, v5  }
0x495: {  	v15 =	vshll.u32 v30, $0x3;
	v11 =	vsel vm1, v16, v13;
	v13 =	vshll.u32 v29, $0x3;
	[tilespmem:v10+s22+$0x0] =	vst.idx.add.s32.msk $0xffff, v5  }
0x496: {  	v10 =	vshll.u32 v23, $0x3;
	v16 =	vshll.u32 v28, $0x3;
	v20 =	vshll.u32 v34, $0x3;
	[tilespmem:v9+s22+$0x0] =	vst.idx.add.s32.msk $0xffff, v5  }
0x497: {  	v9 =	vor.u32 v11, v12;
	v11 =	vor.u32 v17, v13;
	v12 =	vshll.u32 v31, $0x3;
	[tilespmem:v8+s22+$0x0] =	vst.idx.add.s32.msk $0xffff, v5  }
0x498: {  	v13 =	vor.u32 v19, v10;
	v8 =	vor.u32 v18, v15;
	v15 =	vor.u32 v22, v16  }
0x499: {  	v16 =	vadd.s32 v4, v9;
	v17 =	vor.u32 v24, v20;
	v12 =	vor.u32 v14, v12  }
.Ltmp5:
0x49a: {  	v11 =	vadd.s32 v4, v11;
	v9 =	vadd.s32 v4, v13;
	v10 =	vadd.s32 v4, v8;
	(pc) =	sbr.rel @p0 .LBB2_12-.Ltmp5, $4  }
0x49b: {  	v8 =	vadd.s32 v4, v15;
	v13 =	vadd.s32 v4, v17;
	v12 =	vadd.s32 v4, v12  }
0x49c: {  	[tilespmem:v6+s22+$0x0] =	vst.idx.add.s32.msk $0xffff, v5;
	v6 =	vmov v13  }
0x49d: {  	[tilespmem:v7+s22+$0x0] =	vst.idx.add.s32.msk $0xffff, v5;
	v7 =	vmov v12  }
0x49e: {  	s31 =	sadd.s32 $0x400, s31;
	[tilespmem:v16+s22+$0x0] =	vst.idx.add.s32.msk $0xffff, v5  }
0x49f: {  	_ =	sdelay $0x3  }
0x4a0: {  	[tilespmem:v11+s22+$0x0] =	vst.idx.add.s32.msk $0xffff, v5  }
0x4a1: {  	[tilespmem:v10+s22+$0x0] =	vst.idx.add.s32.msk $0xffff, v5  }
0x4a2: {  	[tilespmem:v9+s22+$0x0] =	vst.idx.add.s32.msk $0xffff, v5  }
0x4a3: {  	[tilespmem:v8+s22+$0x0] =	vst.idx.add.s32.msk $0xffff, v5  }
0x4a4: {  	[tilespmem:v6+s22+$0x0] =	vst.idx.add.s32.msk $0xffff, v5  }
0x4a5: {  	[tilespmem:v7+s22+$0x0] =	vst.idx.add.s32.msk $0xffff, v5  }
0x4a6: {  	v6 =	vld [tilespmem:$0x12000]  }
0x4a7: {  	v7 =	vld [tilespmem:$0x12040]  }
0x4a8: {  	v8 =	vld [tilespmem:$0x12080]  }
0x4a9: {  	v9 =	vld [tilespmem:$0x120C0]  }
0x4aa: {  	v10 =	vld [tilespmem:$0x12100]  }
0x4ab: {  	v11 =	vld [tilespmem:$0x12140]  }
0x4ac: {  	v12 =	vld [tilespmem:$0x12180]  }
0x4ad: {  	v13 =	vld [tilespmem:$0x121C0]  }
0x4ae: {  	v14 =	vld [tilespmem:$0x12200]  }
0x4af: {  	v15 =	vld [tilespmem:$0x12240]  }
0x4b0: {  	v16 =	vld [tilespmem:$0x12280]  }
0x4b1: {  	v17 =	vld [tilespmem:$0x122C0]  }
0x4b2: {  	v18 =	vld [tilespmem:$0x12300]  }
0x4b3: {  	v19 =	vld [tilespmem:$0x12340]  }
0x4b4: {  	v20 =	vld [tilespmem:$0x12380]  }
0x4b5: {  	v21 =	vld [tilespmem:$0x123C0]  }
0x4b6: {  	v22 =	vld [tilespmem:$0x12010]  }
0x4b7: {  	v23 =	vld [tilespmem:$0x12050]  }
0x4b8: {  	v24 =	vld [tilespmem:$0x12090]  }
0x4b9: {  	v25 =	vld [tilespmem:$0x120D0]  }
0x4ba: {  	v26 =	vld [tilespmem:$0x12110]  }
0x4bb: {  	v27 =	vld [tilespmem:$0x12150]  }
0x4bc: {  	v28 =	vld [tilespmem:$0x12190]  }
0x4bd: {  	v29 =	vld [tilespmem:$0x121D0]  }
0x4be: {  	v30 =	vld [tilespmem:$0x12210]  }
0x4bf: {  	v31 =	vld [tilespmem:$0x12250]  }
0x4c0: {  	v32 =	vld [tilespmem:$0x12290]  }
0x4c1: {  	v33 =	vld [tilespmem:$0x122D0]  }
0x4c2: {  	v34 =	vld [tilespmem:$0x12310]  }
0x4c3: {  	v35 =	vld [tilespmem:$0x12350]  }
0x4c4: {  	v36 =	vld [tilespmem:$0x12390]  }
0x4c5: {  	v37 =	vld [tilespmem:$0x123D0]  }
0x4c6: {  	v38 =	vld [tilespmem:$0x12020]  }
0x4c7: {  	v39 =	vld [tilespmem:$0x12060]  }
0x4c8: {  	v40 =	vld [tilespmem:$0x120A0]  }
0x4c9: {  	v41 =	vld [tilespmem:$0x120E0]  }
0x4ca: {  	v42 =	vld [tilespmem:$0x12120]  }
0x4cb: {  	v43 =	vld [tilespmem:$0x12160]  }
0x4cc: {  	v44 =	vld [tilespmem:$0x121A0]  }
0x4cd: {  	v59 =	vld [tilespmem:$0x12220]  }
0x4ce: {  	v60 =	vld [tilespmem:$0x12260];
	v6 =	vadd.s32 v6, v7  }
0x4cf: {  	v61 =	vld [tilespmem:$0x122A0];
	v6 =	vadd.s32 v8, v6  }
0x4d0: {  	v62 =	vld [tilespmem:$0x12030];
	v6 =	vadd.s32 v9, v6  }
0x4d1: {  	v63 =	vld [tilespmem:$0x12070];
	v6 =	vadd.s32 v10, v6  }
0x4d2: {  	v45 =	vld [tilespmem:$0x120B0];
	v6 =	vadd.s32 v11, v6  }
0x4d3: {  	v46 =	vld [tilespmem:$0x120F0];
	v6 =	vadd.s32 v12, v6  }
0x4d4: {  	v48 =	vld [tilespmem:$0x12130];
	v6 =	vadd.s32 v13, v6  }
0x4d5: {  	v50 =	vld [tilespmem:$0x12170];
	v6 =	vadd.s32 v14, v6  }
0x4d6: {  	v51 =	vld [tilespmem:$0x121B0];
	v6 =	vadd.s32 v15, v6  }
0x4d7: {  	v52 =	vld [tilespmem:$0x121F0];
	v6 =	vadd.s32 v16, v6  }
0x4d8: {  	v53 =	vld [tilespmem:$0x12230];
	v6 =	vadd.s32 v17, v6  }
0x4d9: {  	v54 =	vld [tilespmem:$0x12270];
	v6 =	vadd.s32 v18, v6  }
0x4da: {  	v55 =	vld [tilespmem:$0x122B0];
	v47 =	vadd.s32 v22, v23;
	v49 =	vadd.s32 v38, v39;
	v6 =	vadd.s32 v19, v6  }
0x4db: {  	v56 =	vld [tilespmem:$0x122F0];
	v16 =	vadd.s32 v62, v63;
	v6 =	vadd.s32 v20, v6;
	v20 =	vadd.s32 v24, v47  }
0x4dc: {  	v7 =	vld [tilespmem:$0x121E0];
	v6 =	vadd.s32 v21, v6;
	v20 =	vadd.s32 v25, v20;
	v21 =	vadd.s32 v40, v49  }
0x4dd: {  	v58 =	vld [tilespmem:$0x12330];
	v16 =	vadd.s32 v45, v16;
	v20 =	vadd.s32 v26, v20;
	v21 =	vadd.s32 v41, v21  }
0x4de: {  	v11 =	vld [tilespmem:$0x122E0];
	v16 =	vadd.s32 v46, v16;
	v20 =	vadd.s32 v27, v20;
	v21 =	vadd.s32 v42, v21  }
0x4df: {  	v12 =	vld [tilespmem:$0x12320];
	v16 =	vadd.s32 v48, v16;
	v20 =	vadd.s32 v28, v20;
	v21 =	vadd.s32 v43, v21  }
0x4e0: {  	v13 =	vld [tilespmem:$0x12360];
	v16 =	vadd.s32 v50, v16;
	v20 =	vadd.s32 v29, v20;
	v21 =	vadd.s32 v44, v21  }
0x4e1: {  	v14 =	vld [tilespmem:$0x123A0];
	v16 =	vadd.s32 v51, v16;
	v20 =	vadd.s32 v30, v20;
	v7 =	vadd.s32 v7, v21  }
0x4e2: {  	v15 =	vld [tilespmem:$0x123E0];
	v57 =	vadd.s32 v52, v16;
	v20 =	vadd.s32 v31, v20;
	v7 =	vadd.s32 v59, v7  }
0x4e3: {  	v8 =	vadd.s32 v53, v57;
	v59 =	vadd.s32 v32, v20;
	v7 =	vadd.s32 v60, v7;
	v60 =	vld [tilespmem:$0x12370]  }
0x4e4: {  	v8 =	vadd.s32 v54, v8;
	v18 =	vadd.s32 v33, v59;
	v7 =	vadd.s32 v61, v7;
	v61 =	vld [tilespmem:$0x123B0]  }
0x4e5: {  	v62 =	vld [tilespmem:$0x123F0];
	v8 =	vadd.s32 v55, v8;
	v18 =	vadd.s32 v34, v18;
	v7 =	vadd.s32 v11, v7  }
0x4e6: {  	v8 =	vadd.s32 v56, v8;
	v18 =	vadd.s32 v35, v18;
	v7 =	vadd.s32 v12, v7  }
0x4e7: {  	v8 =	vadd.s32 v58, v8;
	v63 =	vadd.s32 v36, v18;
	v7 =	vadd.s32 v13, v7  }
0x4e8: {  	[tilespmem:$0x12400] =	vst v6;
	v6 =	vadd.s32 v37, v63;
	v7 =	vadd.s32 v14, v7;
	v8 =	vadd.s32 v60, v8  }
0x4e9: {  	s28 =	sadd.s32 $0x1, s28;
	[tilespmem:$0x12410] =	vst v6;
	v6 =	vadd.s32 v15, v7;
	v7 =	vadd.s32 v61, v8  }
0x4ea: {  	p0 =	sne.s32 s28, s16;
	[tilespmem:$0x12420] =	vst v6;
	v6 =	vadd.s32 v62, v7  }
.Ltmp6:
0x4eb: {  	[tilespmem:$0x12430] =	vst v6;
	(pc) =	sbr.rel @p0 .LBB2_1-.Ltmp6, $4  }
0x4ec: {  	[hbm4b:s15+s2] =	stream.linear.scatter [tilespmem:s25], [sflag:$0x5], $0x80, $0x38;
	[tilespmem:$0x12480] =	vst v63  }
0x4ed: {  	_ =	swait.ge [sflag:s26], $0x80  }
0x4ee: {  	[sflag:s26] =	ssyncset.done $0x0  }
0x4ef: {  	[sflag:s26] =	ssyncadd.s32 $0xFFFFFF80  }
0x4f0: {  	_ =	sfence.sel $0x180000  }
0x4f1: {  	[bflag:$0x0] =	sbarrier.arrive $0xFFFF  }
0x4f2: {  	p0 =	sne.s32 s1, $0x0;
	_ =	strace $0x90000047  }
0x4f3: {  	s0 =	sadd.s32 @!p0 $0x100000, s0;
	[bflag:$0x2] =	sbarrier.arrive $0xFFFF  }
0x4f4: {  	[sflag:s0] =	ssyncadd.tile.s32 @!p0 $0x1;
	_ =	shalt  }
.Lfunc_end2:
_tile_overlayer_lowered:
.L_overlay_start_2:
0x4f5: {  	(tag) =	ssettag $0x2  }
0x4f6: {  	s0 =	rddreg [dreg:$0x0];
	s2 =	stileid.u32  }
0x4f7: {  	s1 =	rddreg [dreg:$0x1];
	p0 =	sne.s32 s2, $0x0  }
0x4f8: {  	s3 =	rddreg [dreg:$0x2];
	[bflag:$0x3] =	sbarrier.arrive $0xFFFF;
	s2 =	simm.s32 @!p0 $0x1C05  }
0x4f9: {  	[timem:s3], [sflag:s2] =	dma.local @!p0 [hbm:s0], s1  }
0x4fa: {  	s0 =	simm.s32 @!p0 $0x5  }
0x4fb: {  	_ =	swait.ge @!p0 [sflag:s0], s1  }
0x4fc: {  	s1 =	ssub.s32 @!p0 $0x0, s1;
	[sflag:s0] =	ssyncset.done @!p0 $0x0  }
0x4fd: {  	[sflag:s0] =	ssyncadd.s32 @!p0 s1  }
0x4fe: {  	[bflag:$0x3] =	sbarrier.arrive $0xFFFF  }
0x4ff: {  	_ =	shalt  }

</sc_bundles>
